<compile_context>
chip_gen: v7x
topology: tpu7x:2x2x1
jax: 0.10.2.dev20260603
libtpu: 0.0.44.dev20260713+nightly
codegen_flags: <defaults>
</compile_context>

<pallas_src>
import functools

import jax
import jax.numpy as jnp
from jax import lax
from jax.experimental import pallas as pl
from jax.experimental.pallas import tpu as pltpu
from jax.experimental.pallas import tpu_sc as plsc

N = 10000
F = 128
E = 320000
NLAYER = 3
BN_EPS = 1e-5

NS = 16
EPW = E // NS
EPWP = 20480
CK = 64
CH = EPWP // CK
IBC = 40
NB = CH // IBC
NGR = IBC // 4
NP = 10240
TRASH = 10100
RPS = NP // NS
ZR = 40


def _sc_agg_body(src_hbm, dst_hbm, h_hbm, out_hbm,
                 src_v, dst_v, r0, r1, r2, r3, agg_sh,
                 g0, g1, g2, g3, s0, s1, s2, s3):
    s = lax.axis_index("s")
    rows = (r0, r1, r2, r3)
    gsem = (g0, g1, g2, g3)
    ssem = (s0, s1, s2, s3)

    z16 = jnp.zeros((16,), jnp.float32)

    def _zrow(i, _):
        def _zcol(j, _):
            r0[i, pl.ds(j * 16, 16)] = z16
            return 0
        return lax.fori_loop(0, F // 16, _zcol, 0)

    lax.fori_loop(0, CK, _zrow, 0)
    for k in range(RPS // CK):
        pltpu.sync_copy(r0, agg_sh.at[pl.ds(s * RPS + k * CK, CK)])
    plsc.subcore_barrier()

    def _sidx(ch):
        return src_v.at[ch]

    def _gather(ch, k):
        pltpu.async_copy(h_hbm.at[_sidx(ch)], rows[k], gsem[k])

    def _gather_wait(ch, k):
        pltpu.make_async_copy(h_hbm.at[_sidx(ch)], rows[k], gsem[k]).wait()

    def _scatter(ch, k):
        pltpu.async_copy(rows[k], agg_sh.at[dst_v.at[ch]], ssem[k], add=True)

    def _scatter_wait(ch, k):
        pltpu.make_async_copy(rows[k], agg_sh.at[dst_v.at[ch]],
                              ssem[k]).wait()

    def _block(b, _):
        pltpu.sync_copy(src_hbm.at[s, b], src_v)
        pltpu.sync_copy(dst_hbm.at[s, b], dst_v)
        _gather(0, 0)
        _gather(1, 1)

        def _group(gr, _):
            for k in range(4):
                ch = 4 * gr + k
                _gather_wait(ch, k)
                _scatter(ch, k)
                kn = (k + 2) % 4
                if k < 2:
                    @pl.when(gr > 0)
                    def _():
                        _scatter_wait(ch - 2, kn)

                    _gather(ch + 2, kn)
                else:
                    @pl.when(gr < NGR - 1)
                    def _():
                        _scatter_wait(ch - 2, kn)
                        _gather(ch + 2, kn)
            return 0

        lax.fori_loop(0, NGR, _group, 0)
        for k in range(4):
            _scatter_wait(IBC - 4 + k, k)
        return 0

    lax.fori_loop(0, NB, _block, 0)
    plsc.subcore_barrier()

    pltpu.sync_copy(agg_sh.at[pl.ds(s * RPS, RPS)],
                    out_hbm.at[pl.ds(s * RPS, RPS)])


_sc_agg = functools.partial(
    pl.kernel,
    out_type=jax.ShapeDtypeStruct((NP, F), jnp.float32),
    mesh=plsc.VectorSubcoreMesh(core_axis_name="c", subcore_axis_name="s",
                                num_cores=1),
    scratch_types=(
        [pltpu.VMEM((IBC, CK), jnp.int32),
         pltpu.VMEM((IBC, CK), jnp.int32)]
        + [pltpu.VMEM((CK, F), jnp.float32)] * 4
        + [pltpu.VMEM_SHARED((NP, F), jnp.float32)]
        + [pltpu.SemaphoreType.DMA] * 8
    ),
)(_sc_agg_body)


BLK = 2000
G = N // BLK


def _stats_step(i, v, acc, st_ref):
    @pl.when(i == 0)
    def _():
        acc[...] = jnp.zeros_like(acc)

    acc[0:1, :] += jnp.sum(v, axis=0, keepdims=True)
    acc[1:2, :] += jnp.sum(v * v, axis=0, keepdims=True)

    @pl.when(i == G - 1)
    def _():
        st_ref[...] = acc[...]


def _transform_body(x_ref, w_ref, b_ref, y_ref, st_ref, acc):
    y = jnp.dot(x_ref[...], w_ref[...], preferred_element_type=jnp.float32)
    y = y + b_ref[...]
    y_ref[...] = y
    _stats_step(pl.program_id(0), y, acc, st_ref)


def _mlp_body(h_ref, p_ref, w1_ref, w2_ref, u_ref, st_ref, acc):
    m = h_ref[...] + p_ref[...]
    t = jnp.maximum(jnp.dot(m, w1_ref[...], preferred_element_type=jnp.float32), 0.0)
    u = jnp.maximum(jnp.dot(t, w2_ref[...], preferred_element_type=jnp.float32), 0.0)
    u_ref[...] = u
    _stats_step(pl.program_id(0), u, acc, st_ref)


def _bn_body(y_ref, st_ref, g_ref, b_ref, o_ref):
    mu = st_ref[0:1, :] * (1.0 / N)
    var = st_ref[1:2, :] * (1.0 / N) - mu * mu
    inv = lax.rsqrt(var + BN_EPS) * g_ref[...]
    o_ref[...] = (y_ref[...] - mu) * inv + b_ref[...]


_row_spec = pl.BlockSpec((BLK, F), lambda i: (i, 0))
_full_spec = pl.BlockSpec((F, F), lambda i: (0, 0))
_st_spec = pl.BlockSpec((2, F), lambda i: (0, 0))
_vec_spec = pl.BlockSpec((1, F), lambda i: (0, 0))

_nf_shape = jax.ShapeDtypeStruct((N, F), jnp.float32)
_st_shape = jax.ShapeDtypeStruct((2, F), jnp.float32)

_transform = pl.pallas_call(
    _transform_body,
    grid=(G,),
    in_specs=[_row_spec, _full_spec, _vec_spec],
    out_specs=[_row_spec, _st_spec],
    out_shape=[_nf_shape, _st_shape],
    scratch_shapes=[pltpu.VMEM((2, F), jnp.float32)],
)

_mlp = pl.pallas_call(
    _mlp_body,
    grid=(G,),
    in_specs=[_row_spec, _row_spec, _full_spec, _full_spec],
    out_specs=[_row_spec, _st_spec],
    out_shape=[_nf_shape, _st_shape],
    scratch_shapes=[pltpu.VMEM((2, F), jnp.float32)],
)

_bn = pl.pallas_call(
    _bn_body,
    grid=(G,),
    in_specs=[_row_spec, _st_spec, _vec_spec, _vec_spec],
    out_specs=_row_spec,
    out_shape=_nf_shape,
)


def kernel(x, edge_index, batch, Wt, bt, bn0_g, bn0_b, W1, W2, bng, bnb):
    pad_dst = N + (jnp.arange(EPWP - EPW, dtype=jnp.int32) % (NP - N))
    pad_src = jnp.arange(EPW, EPWP, dtype=jnp.int32) % N
    src = jnp.concatenate(
        [edge_index[0].reshape(NS, EPW),
         jnp.broadcast_to(pad_src, (NS, EPWP - EPW))],
        axis=1).reshape(NS, NB, IBC, CK)
    dst = jnp.concatenate(
        [edge_index[1].reshape(NS, EPW),
         jnp.broadcast_to(pad_dst, (NS, EPWP - EPW))],
        axis=1).reshape(NS, NB, IBC, CK)

    y, st = _transform(x, Wt, bt.reshape(1, F))
    h = _bn(y, st, bn0_g.reshape(1, F), bn0_b.reshape(1, F))
    for i in range(NLAYER):
        parts = _sc_agg(src, dst, h)
        u, st = _mlp(h, parts, W1[i], W2[i])
        h = _bn(u, st, bng[i].reshape(1, F), bnb[i].reshape(1, F))
    return h

# --- scband reference (transcript-rebuilt; emitter-appended) ---
"""Pipeline reference for scband-gin-24318104830205 (READ-ONLY COPY).

The authoritative reference and input builder live on the scoring server;
editing this copy changes nothing except your own understanding.
"""

import jax, jax.numpy as jnp
import numpy as np

N = 10000
E = 320000
NFEAT = 128
NHID = 128
NLAYER = 3
BN_EPS = 1e-5


def setup_inputs(seed: int = 0) -> dict:
    key = jax.random.key(seed)
    ks = jax.random.split(key, 8)
    x = jax.random.normal(ks[0], (N, NFEAT), dtype=jnp.float32)
    edge_index = jax.random.randint(ks[1], (2, E), 0, N, dtype=jnp.int32)
    batch = jnp.zeros((N,), dtype=jnp.int32)  # single graph: num_graphs=1
    s = 1.0 / np.sqrt(NHID)
    Wt = jax.random.normal(ks[2], (NFEAT, NHID), dtype=jnp.float32) * s
    bt = jnp.zeros((NHID,), dtype=jnp.float32)
    bn0_g = jnp.ones((NHID,), dtype=jnp.float32)
    bn0_b = jnp.zeros((NHID,), dtype=jnp.float32)
    W1 = jax.random.normal(ks[3], (NLAYER, NHID, NHID), dtype=jnp.float32) * s
    W2 = jax.random.normal(ks[4], (NLAYER, NHID, NHID), dtype=jnp.float32) * s
    bng = jnp.ones((NLAYER, NHID), dtype=jnp.float32)
    bnb = jnp.zeros((NLAYER, NHID), dtype=jnp.float32)
    return {"x": x, "edge_index": edge_index, "batch": batch, "Wt": Wt, "bt": bt,
            "bn0_g": bn0_g, "bn0_b": bn0_b, "W1": W1, "W2": W2, "bng": bng, "bnb": bnb}


def _batchnorm(h, g, b):
    mu = jnp.mean(h, axis=0)
    var = jnp.var(h, axis=0)
    return (h - mu) / jnp.sqrt(var + BN_EPS) * g + b


def reference(x, edge_index, batch, Wt, bt, bn0_g, bn0_b, W1, W2, bng, bnb):
    # transform: Linear(nfeat, nhid) + BatchNorm1d
    h = x @ Wt + bt
    h = _batchnorm(h, bn0_g, bn0_b)
    src = edge_index[0]
    dst = edge_index[1]
    for i in range(NLAYER):
        # dropout(p=0) is identity
        # GINConv: mlp((1 + eps) * x + sum_{j in N(i)} x_j), eps = 0
        agg = jnp.zeros_like(h).at[dst].add(h[src])
        m = h + agg
        m = m @ W1[i]           # Linear(nhid, nhid, bias=False)
        m = jax.nn.relu(m)      # act inside MLP
        m = m @ W2[i]           # Linear(nhid, nhid, bias=False)
        h = jax.nn.relu(m)      # outer act
        h = _batchnorm(h, bng[i], bnb[i])
    # get_graph_embeddings with num_graphs=1 and batch==0 everywhere -> x[batch==0] == x
    return h

if __name__ == "__main__":
    import jax
    _d = setup_inputs()
    print(jax.jit(kernel)(*tuple(_d.values())))

</pallas_src>

<mosaic_0001>
#map = affine_map<(d0, d1) -> (0, 0, 0, 0)>
#map1 = affine_map<(d0, d1) -> (0, 0)>
module attributes {stable_mosaic.version = 14 : i64} {
  func.func @_sc_agg_body(%arg0: i32, %arg1: i32, %arg2: memref<16x8x40x64xi32, #tpu.memory_space<hbm>>, %arg3: memref<16x8x40x64xi32, #tpu.memory_space<hbm>>, %arg4: memref<10000x128xf32, #tpu.memory_space<hbm>>, %arg5: memref<10240x128xf32, #tpu.memory_space<hbm>>, %arg6: memref<40x64xi32, #tpu.memory_space<vmem>>, %arg7: memref<40x64xi32, #tpu.memory_space<vmem>>, %arg8: memref<64x128xf32, #tpu.memory_space<vmem>>, %arg9: memref<64x128xf32, #tpu.memory_space<vmem>>, %arg10: memref<64x128xf32, #tpu.memory_space<vmem>>, %arg11: memref<64x128xf32, #tpu.memory_space<vmem>>, %arg12: memref<10240x128xf32, #tpu.memory_space<vmem_shared>>, %arg13: memref<!tpu.dma_semaphore, #tpu.memory_space<semaphore_mem>>, %arg14: memref<!tpu.dma_semaphore, #tpu.memory_space<semaphore_mem>>, %arg15: memref<!tpu.dma_semaphore, #tpu.memory_space<semaphore_mem>>, %arg16: memref<!tpu.dma_semaphore, #tpu.memory_space<semaphore_mem>>, %arg17: memref<!tpu.dma_semaphore, #tpu.memory_space<semaphore_mem>>, %arg18: memref<!tpu.dma_semaphore, #tpu.memory_space<semaphore_mem>>, %arg19: memref<!tpu.dma_semaphore, #tpu.memory_space<semaphore_mem>>, %arg20: memref<!tpu.dma_semaphore, #tpu.memory_space<semaphore_mem>>) attributes {dimension_semantics = [#tpu.dimension_semantics<core_parallel>, #tpu.dimension_semantics<subcore_parallel>], iteration_bounds = array<i64: 1, 16>, scalar_prefetch = 0 : i64, scratch_operands = 15 : i64, tpu.core_type = #tpu.core_type<sc_vector_subcore>, window_params = [{transform_indices = #map}, {transform_indices = #map}, {transform_indices = #map1}, {transform_indices = #map1}]} {
    %broadcast_in_dim3A = arith.constant 0.000000e+00 : f32
    %broadcast_in_dim3A_0 = vector.broadcast %broadcast_in_dim3A : f32 to vector<16xf32>
    %scan3A = arith.constant 0 : i32
    %scan3A_1 = arith.constant 0 : i32
    %scan3A_2 = arith.constant 64 : i32
    %scan3A_3 = arith.addi %scan3A_1, %scan3A_2 : i32
    %scan3A_4 = arith.constant 1 : i32
    %scan3A_5 = scf.for %scan3A_57 = %scan3A_1 to %scan3A_3 step %scan3A_4 iter_args(%scan3A_58 = %scan3A) -> (i32)  : i32 {
      %scan3A_59 = arith.constant 0 : i32
      %scan3A_60 = arith.constant 0 : i32
      %scan3A_61 = arith.constant 8 : i32
      %scan3A_62 = arith.addi %scan3A_60, %scan3A_61 : i32
      %scan3A_63 = arith.constant 1 : i32
      %scan3A_64 = scf.for %scan3A_66 = %scan3A_60 to %scan3A_62 step %scan3A_63 iter_args(%scan3A_67 = %scan3A_59) -> (i32)  : i32 {
        %mul3A_68 = arith.constant 16 : i32
        %mul3A_69 = arith.muli %scan3A_66, %mul3A_68 : i32
        %swap3A = arith.index_cast %scan3A_57 : i32 to index
        %swap3A_70 = arith.index_cast %mul3A_69 : i32 to index
        %swap3A_71 = tpu.vector_load %arg8[%swap3A, %swap3A_70] {strides = array<i32>} : memref<64x128xf32, #tpu.memory_space<vmem>>, vector<1x16xf32>,
        %swap3A_72 = vector.shape_cast %swap3A_71 : vector<1x16xf32> to vector<16xf32>
        %swap3A_73 = vector.shape_cast %broadcast_in_dim3A_0 : vector<16xf32> to vector<1x16xf32>
        tpu.vector_store %arg8[%swap3A, %swap3A_70], %swap3A_73 {strides = array<i32>} : memref<64x128xf32, #tpu.memory_space<vmem>>, vector<1x16xf32>,
        %scan3A_74 = arith.constant 0 : i32
        scf.yield %scan3A_74 : i32
      }
      %scan3A_65 = arith.constant 8 : i32
      scf.yield %scan3A_64 : i32
    }
    %scan3A_6 = arith.constant 64 : i32
    %mul3A = arith.constant 640 : i32
    %mul3A_7 = arith.muli %arg1, %mul3A : i32
    %add3A = arith.constant 0 : i32
    %add3A_8 = arith.addi %mul3A_7, %add3A : i32
    "tpu.region"() ({
      %run_scoped3A = tpu.sem_alloc : memref<!tpu.dma_semaphore, #tpu.memory_space<semaphore_mem>>
      %dma_start3A = arith.constant 0 : i32
      %dma_start3A_57 = tpu.memref_slice %arg12[%add3A_8, %dma_start3A] : memref<10240x128xf32, #tpu.memory_space<vmem_shared>> -> memref<64x128xf32, #tpu.memory_space<vmem_shared>>
      %dma_start3A_58 = arith.constant 0 : i32
      %dma_start3A_59 = tpu.memref_slice %arg12[%add3A_8, %dma_start3A_58] : memref<10240x128xf32, #tpu.memory_space<vmem_shared>> -> memref<64x128xf32, #tpu.memory_space<vmem_shared>>
      tpu.enqueue_dma source(%arg8 : memref<64x128xf32, #tpu.memory_space<vmem>>) target(%dma_start3A_59 : memref<64x128xf32, #tpu.memory_space<vmem_shared>>) target_semaphore(%run_scoped3A : memref<!tpu.dma_semaphore, #tpu.memory_space<semaphore_mem>>)
      %dma_wait3A = arith.constant 0 : i32
      %dma_wait3A_60 = tpu.memref_slice %arg12[%add3A_8, %dma_wait3A] : memref<10240x128xf32, #tpu.memory_space<vmem_shared>> -> memref<64x128xf32, #tpu.memory_space<vmem_shared>>
      %dma_wait3A_61 = arith.constant 0 : i32
      %dma_wait3A_62 = tpu.memref_slice %arg12[%add3A_8, %dma_wait3A_61] : memref<10240x128xf32, #tpu.memory_space<vmem_shared>> -> memref<64x128xf32, #tpu.memory_space<vmem_shared>>
      tpu.wait_dma2 semaphore(%run_scoped3A : memref<!tpu.dma_semaphore, #tpu.memory_space<semaphore_mem>>) src(%arg8 : memref<64x128xf32, #tpu.memory_space<vmem>>) dst(%dma_wait3A_62 : memref<64x128xf32, #tpu.memory_space<vmem_shared>>)
      tpu.yield
    }) : () -> ()
    %mul3A_9 = arith.constant 640 : i32
    %mul3A_10 = arith.muli %arg1, %mul3A_9 : i32
    %add3A_11 = arith.constant 64 : i32
    %add3A_12 = arith.addi %mul3A_10, %add3A_11 : i32
    "tpu.region"() ({
      %run_scoped3A = tpu.sem_alloc : memref<!tpu.dma_semaphore, #tpu.memory_space<semaphore_mem>>
      %dma_start3A = arith.constant 0 : i32
      %dma_start3A_57 = tpu.memref_slice %arg12[%add3A_12, %dma_start3A] : memref<10240x128xf32, #tpu.memory_space<vmem_shared>> -> memref<64x128xf32, #tpu.memory_space<vmem_shared>>
      %dma_start3A_58 = arith.constant 0 : i32
      %dma_start3A_59 = tpu.memref_slice %arg12[%add3A_12, %dma_start3A_58] : memref<10240x128xf32, #tpu.memory_space<vmem_shared>> -> memref<64x128xf32, #tpu.memory_space<vmem_shared>>
      tpu.enqueue_dma source(%arg8 : memref<64x128xf32, #tpu.memory_space<vmem>>) target(%dma_start3A_59 : memref<64x128xf32, #tpu.memory_space<vmem_shared>>) target_semaphore(%run_scoped3A : memref<!tpu.dma_semaphore, #tpu.memory_space<semaphore_mem>>)
      %dma_wait3A = arith.constant 0 : i32
      %dma_wait3A_60 = tpu.memref_slice %arg12[%add3A_12, %dma_wait3A] : memref<10240x128xf32, #tpu.memory_space<vmem_shared>> -> memref<64x128xf32, #tpu.memory_space<vmem_shared>>
      %dma_wait3A_61 = arith.constant 0 : i32
      %dma_wait3A_62 = tpu.memref_slice %arg12[%add3A_12, %dma_wait3A_61] : memref<10240x128xf32, #tpu.memory_space<vmem_shared>> -> memref<64x128xf32, #tpu.memory_space<vmem_shared>>
      tpu.wait_dma2 semaphore(%run_scoped3A : memref<!tpu.dma_semaphore, #tpu.memory_space<semaphore_mem>>) src(%arg8 : memref<64x128xf32, #tpu.memory_space<vmem>>) dst(%dma_wait3A_62 : memref<64x128xf32, #tpu.memory_space<vmem_shared>>)
      tpu.yield
    }) : () -> ()
    %mul3A_13 = arith.constant 640 : i32
    %mul3A_14 = arith.muli %arg1, %mul3A_13 : i32
    %add3A_15 = arith.constant 128 : i32
    %add3A_16 = arith.addi %mul3A_14, %add3A_15 : i32
    "tpu.region"() ({
      %run_scoped3A = tpu.sem_alloc : memref<!tpu.dma_semaphore, #tpu.memory_space<semaphore_mem>>
      %dma_start3A = arith.constant 0 : i32
      %dma_start3A_57 = tpu.memref_slice %arg12[%add3A_16, %dma_start3A] : memref<10240x128xf32, #tpu.memory_space<vmem_shared>> -> memref<64x128xf32, #tpu.memory_space<vmem_shared>>
      %dma_start3A_58 = arith.constant 0 : i32
      %dma_start3A_59 = tpu.memref_slice %arg12[%add3A_16, %dma_start3A_58] : memref<10240x128xf32, #tpu.memory_space<vmem_shared>> -> memref<64x128xf32, #tpu.memory_space<vmem_shared>>
      tpu.enqueue_dma source(%arg8 : memref<64x128xf32, #tpu.memory_space<vmem>>) target(%dma_start3A_59 : memref<64x128xf32, #tpu.memory_space<vmem_shared>>) target_semaphore(%run_scoped3A : memref<!tpu.dma_semaphore, #tpu.memory_space<semaphore_mem>>)
      %dma_wait3A = arith.constant 0 : i32
      %dma_wait3A_60 = tpu.memref_slice %arg12[%add3A_16, %dma_wait3A] : memref<10240x128xf32, #tpu.memory_space<vmem_shared>> -> memref<64x128xf32, #tpu.memory_space<vmem_shared>>
      %dma_wait3A_61 = arith.constant 0 : i32
      %dma_wait3A_62 = tpu.memref_slice %arg12[%add3A_16, %dma_wait3A_61] : memref<10240x128xf32, #tpu.memory_space<vmem_shared>> -> memref<64x128xf32, #tpu.memory_space<vmem_shared>>
      tpu.wait_dma2 semaphore(%run_scoped3A : memref<!tpu.dma_semaphore, #tpu.memory_space<semaphore_mem>>) src(%arg8 : memref<64x128xf32, #tpu.memory_space<vmem>>) dst(%dma_wait3A_62 : memref<64x128xf32, #tpu.memory_space<vmem_shared>>)
      tpu.yield
    }) : () -> ()
    %mul3A_17 = arith.constant 640 : i32
    %mul3A_18 = arith.muli %arg1, %mul3A_17 : i32
    %add3A_19 = arith.constant 192 : i32
    %add3A_20 = arith.addi %mul3A_18, %add3A_19 : i32
    "tpu.region"() ({
      %run_scoped3A = tpu.sem_alloc : memref<!tpu.dma_semaphore, #tpu.memory_space<semaphore_mem>>
      %dma_start3A = arith.constant 0 : i32
      %dma_start3A_57 = tpu.memref_slice %arg12[%add3A_20, %dma_start3A] : memref<10240x128xf32, #tpu.memory_space<vmem_shared>> -> memref<64x128xf32, #tpu.memory_space<vmem_shared>>
      %dma_start3A_58 = arith.constant 0 : i32
      %dma_start3A_59 = tpu.memref_slice %arg12[%add3A_20, %dma_start3A_58] : memref<10240x128xf32, #tpu.memory_space<vmem_shared>> -> memref<64x128xf32, #tpu.memory_space<vmem_shared>>
      tpu.enqueue_dma source(%arg8 : memref<64x128xf32, #tpu.memory_space<vmem>>) target(%dma_start3A_59 : memref<64x128xf32, #tpu.memory_space<vmem_shared>>) target_semaphore(%run_scoped3A : memref<!tpu.dma_semaphore, #tpu.memory_space<semaphore_mem>>)
      %dma_wait3A = arith.constant 0 : i32
      %dma_wait3A_60 = tpu.memref_slice %arg12[%add3A_20, %dma_wait3A] : memref<10240x128xf32, #tpu.memory_space<vmem_shared>> -> memref<64x128xf32, #tpu.memory_space<vmem_shared>>
      %dma_wait3A_61 = arith.constant 0 : i32
      %dma_wait3A_62 = tpu.memref_slice %arg12[%add3A_20, %dma_wait3A_61] : memref<10240x128xf32, #tpu.memory_space<vmem_shared>> -> memref<64x128xf32, #tpu.memory_space<vmem_shared>>
      tpu.wait_dma2 semaphore(%run_scoped3A : memref<!tpu.dma_semaphore, #tpu.memory_space<semaphore_mem>>) src(%arg8 : memref<64x128xf32, #tpu.memory_space<vmem>>) dst(%dma_wait3A_62 : memref<64x128xf32, #tpu.memory_space<vmem_shared>>)
      tpu.yield
    }) : () -> ()
    %mul3A_21 = arith.constant 640 : i32
    %mul3A_22 = arith.muli %arg1, %mul3A_21 : i32
    %add3A_23 = arith.constant 256 : i32
    %add3A_24 = arith.addi %mul3A_22, %add3A_23 : i32
    "tpu.region"() ({
      %run_scoped3A = tpu.sem_alloc : memref<!tpu.dma_semaphore, #tpu.memory_space<semaphore_mem>>
      %dma_start3A = arith.constant 0 : i32
      %dma_start3A_57 = tpu.memref_slice %arg12[%add3A_24, %dma_start3A] : memref<10240x128xf32, #tpu.memory_space<vmem_shared>> -> memref<64x128xf32, #tpu.memory_space<vmem_shared>>
      %dma_start3A_58 = arith.constant 0 : i32
      %dma_start3A_59 = tpu.memref_slice %arg12[%add3A_24, %dma_start3A_58] : memref<10240x128xf32, #tpu.memory_space<vmem_shared>> -> memref<64x128xf32, #tpu.memory_space<vmem_shared>>
      tpu.enqueue_dma source(%arg8 : memref<64x128xf32, #tpu.memory_space<vmem>>) target(%dma_start3A_59 : memref<64x128xf32, #tpu.memory_space<vmem_shared>>) target_semaphore(%run_scoped3A : memref<!tpu.dma_semaphore, #tpu.memory_space<semaphore_mem>>)
      %dma_wait3A = arith.constant 0 : i32
      %dma_wait3A_60 = tpu.memref_slice %arg12[%add3A_24, %dma_wait3A] : memref<10240x128xf32, #tpu.memory_space<vmem_shared>> -> memref<64x128xf32, #tpu.memory_space<vmem_shared>>
      %dma_wait3A_61 = arith.constant 0 : i32
      %dma_wait3A_62 = tpu.memref_slice %arg12[%add3A_24, %dma_wait3A_61] : memref<10240x128xf32, #tpu.memory_space<vmem_shared>> -> memref<64x128xf32, #tpu.memory_space<vmem_shared>>
      tpu.wait_dma2 semaphore(%run_scoped3A : memref<!tpu.dma_semaphore, #tpu.memory_space<semaphore_mem>>) src(%arg8 : memref<64x128xf32, #tpu.memory_space<vmem>>) dst(%dma_wait3A_62 : memref<64x128xf32, #tpu.memory_space<vmem_shared>>)
      tpu.yield
    }) : () -> ()
    %mul3A_25 = arith.constant 640 : i32
    %mul3A_26 = arith.muli %arg1, %mul3A_25 : i32
    %add3A_27 = arith.constant 320 : i32
    %add3A_28 = arith.addi %mul3A_26, %add3A_27 : i32
    "tpu.region"() ({
      %run_scoped3A = tpu.sem_alloc : memref<!tpu.dma_semaphore, #tpu.memory_space<semaphore_mem>>
      %dma_start3A = arith.constant 0 : i32
      %dma_start3A_57 = tpu.memref_slice %arg12[%add3A_28, %dma_start3A] : memref<10240x128xf32, #tpu.memory_space<vmem_shared>> -> memref<64x128xf32, #tpu.memory_space<vmem_shared>>
      %dma_start3A_58 = arith.constant 0 : i32
      %dma_start3A_59 = tpu.memref_slice %arg12[%add3A_28, %dma_start3A_58] : memref<10240x128xf32, #tpu.memory_space<vmem_shared>> -> memref<64x128xf32, #tpu.memory_space<vmem_shared>>
      tpu.enqueue_dma source(%arg8 : memref<64x128xf32, #tpu.memory_space<vmem>>) target(%dma_start3A_59 : memref<64x128xf32, #tpu.memory_space<vmem_shared>>) target_semaphore(%run_scoped3A : memref<!tpu.dma_semaphore, #tpu.memory_space<semaphore_mem>>)
      %dma_wait3A = arith.constant 0 : i32
      %dma_wait3A_60 = tpu.memref_slice %arg12[%add3A_28, %dma_wait3A] : memref<10240x128xf32, #tpu.memory_space<vmem_shared>> -> memref<64x128xf32, #tpu.memory_space<vmem_shared>>
      %dma_wait3A_61 = arith.constant 0 : i32
      %dma_wait3A_62 = tpu.memref_slice %arg12[%add3A_28, %dma_wait3A_61] : memref<10240x128xf32, #tpu.memory_space<vmem_shared>> -> memref<64x128xf32, #tpu.memory_space<vmem_shared>>
      tpu.wait_dma2 semaphore(%run_scoped3A : memref<!tpu.dma_semaphore, #tpu.memory_space<semaphore_mem>>) src(%arg8 : memref<64x128xf32, #tpu.memory_space<vmem>>) dst(%dma_wait3A_62 : memref<64x128xf32, #tpu.memory_space<vmem_shared>>)
      tpu.yield
    }) : () -> ()
    %mul3A_29 = arith.constant 640 : i32
    %mul3A_30 = arith.muli %arg1, %mul3A_29 : i32
    %add3A_31 = arith.constant 384 : i32
    %add3A_32 = arith.addi %mul3A_30, %add3A_31 : i32
    "tpu.region"() ({
      %run_scoped3A = tpu.sem_alloc : memref<!tpu.dma_semaphore, #tpu.memory_space<semaphore_mem>>
      %dma_start3A = arith.constant 0 : i32
      %dma_start3A_57 = tpu.memref_slice %arg12[%add3A_32, %dma_start3A] : memref<10240x128xf32, #tpu.memory_space<vmem_shared>> -> memref<64x128xf32, #tpu.memory_space<vmem_shared>>
      %dma_start3A_58 = arith.constant 0 : i32
      %dma_start3A_59 = tpu.memref_slice %arg12[%add3A_32, %dma_start3A_58] : memref<10240x128xf32, #tpu.memory_space<vmem_shared>> -> memref<64x128xf32, #tpu.memory_space<vmem_shared>>
      tpu.enqueue_dma source(%arg8 : memref<64x128xf32, #tpu.memory_space<vmem>>) target(%dma_start3A_59 : memref<64x128xf32, #tpu.memory_space<vmem_shared>>) target_semaphore(%run_scoped3A : memref<!tpu.dma_semaphore, #tpu.memory_space<semaphore_mem>>)
      %dma_wait3A = arith.constant 0 : i32
      %dma_wait3A_60 = tpu.memref_slice %arg12[%add3A_32, %dma_wait3A] : memref<10240x128xf32, #tpu.memory_space<vmem_shared>> -> memref<64x128xf32, #tpu.memory_space<vmem_shared>>
      %dma_wait3A_61 = arith.constant 0 : i32
      %dma_wait3A_62 = tpu.memref_slice %arg12[%add3A_32, %dma_wait3A_61] : memref<10240x128xf32, #tpu.memory_space<vmem_shared>> -> memref<64x128xf32, #tpu.memory_space<vmem_shared>>
      tpu.wait_dma2 semaphore(%run_scoped3A : memref<!tpu.dma_semaphore, #tpu.memory_space<semaphore_mem>>) src(%arg8 : memref<64x128xf32, #tpu.memory_space<vmem>>) dst(%dma_wait3A_62 : memref<64x128xf32, #tpu.memory_space<vmem_shared>>)
      tpu.yield
    }) : () -> ()
    %mul3A_33 = arith.constant 640 : i32
    %mul3A_34 = arith.muli %arg1, %mul3A_33 : i32
    %add3A_35 = arith.constant 448 : i32
    %add3A_36 = arith.addi %mul3A_34, %add3A_35 : i32
    "tpu.region"() ({
      %run_scoped3A = tpu.sem_alloc : memref<!tpu.dma_semaphore, #tpu.memory_space<semaphore_mem>>
      %dma_start3A = arith.constant 0 : i32
      %dma_start3A_57 = tpu.memref_slice %arg12[%add3A_36, %dma_start3A] : memref<10240x128xf32, #tpu.memory_space<vmem_shared>> -> memref<64x128xf32, #tpu.memory_space<vmem_shared>>
      %dma_start3A_58 = arith.constant 0 : i32
      %dma_start3A_59 = tpu.memref_slice %arg12[%add3A_36, %dma_start3A_58] : memref<10240x128xf32, #tpu.memory_space<vmem_shared>> -> memref<64x128xf32, #tpu.memory_space<vmem_shared>>
      tpu.enqueue_dma source(%arg8 : memref<64x128xf32, #tpu.memory_space<vmem>>) target(%dma_start3A_59 : memref<64x128xf32, #tpu.memory_space<vmem_shared>>) target_semaphore(%run_scoped3A : memref<!tpu.dma_semaphore, #tpu.memory_space<semaphore_mem>>)
      %dma_wait3A = arith.constant 0 : i32
      %dma_wait3A_60 = tpu.memref_slice %arg12[%add3A_36, %dma_wait3A] : memref<10240x128xf32, #tpu.memory_space<vmem_shared>> -> memref<64x128xf32, #tpu.memory_space<vmem_shared>>
      %dma_wait3A_61 = arith.constant 0 : i32
      %dma_wait3A_62 = tpu.memref_slice %arg12[%add3A_36, %dma_wait3A_61] : memref<10240x128xf32, #tpu.memory_space<vmem_shared>> -> memref<64x128xf32, #tpu.memory_space<vmem_shared>>
      tpu.wait_dma2 semaphore(%run_scoped3A : memref<!tpu.dma_semaphore, #tpu.memory_space<semaphore_mem>>) src(%arg8 : memref<64x128xf32, #tpu.memory_space<vmem>>) dst(%dma_wait3A_62 : memref<64x128xf32, #tpu.memory_space<vmem_shared>>)
      tpu.yield
    }) : () -> ()
    %mul3A_37 = arith.constant 640 : i32
    %mul3A_38 = arith.muli %arg1, %mul3A_37 : i32
    %add3A_39 = arith.constant 512 : i32
    %add3A_40 = arith.addi %mul3A_38, %add3A_39 : i32
    "tpu.region"() ({
      %run_scoped3A = tpu.sem_alloc : memref<!tpu.dma_semaphore, #tpu.memory_space<semaphore_mem>>
      %dma_start3A = arith.constant 0 : i32
      %dma_start3A_57 = tpu.memref_slice %arg12[%add3A_40, %dma_start3A] : memref<10240x128xf32, #tpu.memory_space<vmem_shared>> -> memref<64x128xf32, #tpu.memory_space<vmem_shared>>
      %dma_start3A_58 = arith.constant 0 : i32
      %dma_start3A_59 = tpu.memref_slice %arg12[%add3A_40, %dma_start3A_58] : memref<10240x128xf32, #tpu.memory_space<vmem_shared>> -> memref<64x128xf32, #tpu.memory_space<vmem_shared>>
      tpu.enqueue_dma source(%arg8 : memref<64x128xf32, #tpu.memory_space<vmem>>) target(%dma_start3A_59 : memref<64x128xf32, #tpu.memory_space<vmem_shared>>) target_semaphore(%run_scoped3A : memref<!tpu.dma_semaphore, #tpu.memory_space<semaphore_mem>>)
      %dma_wait3A = arith.constant 0 : i32
      %dma_wait3A_60 = tpu.memref_slice %arg12[%add3A_40, %dma_wait3A] : memref<10240x128xf32, #tpu.memory_space<vmem_shared>> -> memref<64x128xf32, #tpu.memory_space<vmem_shared>>
      %dma_wait3A_61 = arith.constant 0 : i32
      %dma_wait3A_62 = tpu.memref_slice %arg12[%add3A_40, %dma_wait3A_61] : memref<10240x128xf32, #tpu.memory_space<vmem_shared>> -> memref<64x128xf32, #tpu.memory_space<vmem_shared>>
      tpu.wait_dma2 semaphore(%run_scoped3A : memref<!tpu.dma_semaphore, #tpu.memory_space<semaphore_mem>>) src(%arg8 : memref<64x128xf32, #tpu.memory_space<vmem>>) dst(%dma_wait3A_62 : memref<64x128xf32, #tpu.memory_space<vmem_shared>>)
      tpu.yield
    }) : () -> ()
    %mul3A_41 = arith.constant 640 : i32
    %mul3A_42 = arith.muli %arg1, %mul3A_41 : i32
    %add3A_43 = arith.constant 576 : i32
    %add3A_44 = arith.addi %mul3A_42, %add3A_43 : i32
    "tpu.region"() ({
      %run_scoped3A = tpu.sem_alloc : memref<!tpu.dma_semaphore, #tpu.memory_space<semaphore_mem>>
      %dma_start3A = arith.constant 0 : i32
      %dma_start3A_57 = tpu.memref_slice %arg12[%add3A_44, %dma_start3A] : memref<10240x128xf32, #tpu.memory_space<vmem_shared>> -> memref<64x128xf32, #tpu.memory_space<vmem_shared>>
      %dma_start3A_58 = arith.constant 0 : i32
      %dma_start3A_59 = tpu.memref_slice %arg12[%add3A_44, %dma_start3A_58] : memref<10240x128xf32, #tpu.memory_space<vmem_shared>> -> memref<64x128xf32, #tpu.memory_space<vmem_shared>>
      tpu.enqueue_dma source(%arg8 : memref<64x128xf32, #tpu.memory_space<vmem>>) target(%dma_start3A_59 : memref<64x128xf32, #tpu.memory_space<vmem_shared>>) target_semaphore(%run_scoped3A : memref<!tpu.dma_semaphore, #tpu.memory_space<semaphore_mem>>)
      %dma_wait3A = arith.constant 0 : i32
      %dma_wait3A_60 = tpu.memref_slice %arg12[%add3A_44, %dma_wait3A] : memref<10240x128xf32, #tpu.memory_space<vmem_shared>> -> memref<64x128xf32, #tpu.memory_space<vmem_shared>>
      %dma_wait3A_61 = arith.constant 0 : i32
      %dma_wait3A_62 = tpu.memref_slice %arg12[%add3A_44, %dma_wait3A_61] : memref<10240x128xf32, #tpu.memory_space<vmem_shared>> -> memref<64x128xf32, #tpu.memory_space<vmem_shared>>
      tpu.wait_dma2 semaphore(%run_scoped3A : memref<!tpu.dma_semaphore, #tpu.memory_space<semaphore_mem>>) src(%arg8 : memref<64x128xf32, #tpu.memory_space<vmem>>) dst(%dma_wait3A_62 : memref<64x128xf32, #tpu.memory_space<vmem_shared>>)
      tpu.yield
    }) : () -> ()
    %barrier3A = arith.constant 0 : index
    tpu.barrier barrier_id(%barrier3A)
    %scan3A_45 = arith.constant 0 : i32
    %scan3A_46 = arith.constant 0 : i32
    %scan3A_47 = arith.constant 8 : i32
    %scan3A_48 = arith.addi %scan3A_46, %scan3A_47 : i32
    %scan3A_49 = arith.constant 1 : i32
    %scan3A_50 = scf.for %scan3A_57 = %scan3A_46 to %scan3A_48 step %scan3A_49 iter_args(%scan3A_58 = %scan3A_45) -> (i32)  : i32 {
      "tpu.region"() ({
        %run_scoped3A = tpu.sem_alloc : memref<!tpu.dma_semaphore, #tpu.memory_space<semaphore_mem>>
        %dma_start3A_107 = arith.constant 0 : i32
        %dma_start3A_108 = arith.constant 0 : i32
        %dma_start3A_109 = tpu.memref_slice %arg2[%arg1, %scan3A_57, %dma_start3A_107, %dma_start3A_108] : memref<16x8x40x64xi32, #tpu.memory_space<hbm>> -> memref<1x1x40x64xi32, #tpu.memory_space<hbm>>
        %dma_start3A_110 = tpu.memref_squeeze %dma_start3A_109 : memref<1x1x40x64xi32, #tpu.memory_space<hbm>> -> memref<40x64xi32, #tpu.memory_space<hbm>>
        %dma_start3A_111 = arith.constant 0 : i32
        %dma_start3A_112 = arith.constant 0 : i32
        %dma_start3A_113 = tpu.memref_slice %arg2[%arg1, %scan3A_57, %dma_start3A_111, %dma_start3A_112] : memref<16x8x40x64xi32, #tpu.memory_space<hbm>> -> memref<1x1x40x64xi32, #tpu.memory_space<hbm>>
        %dma_start3A_114 = tpu.memref_squeeze %dma_start3A_113 : memref<1x1x40x64xi32, #tpu.memory_space<hbm>> -> memref<40x64xi32, #tpu.memory_space<hbm>>
        tpu.enqueue_dma source(%dma_start3A_114 : memref<40x64xi32, #tpu.memory_space<hbm>>) target(%arg6 : memref<40x64xi32, #tpu.memory_space<vmem>>) target_semaphore(%run_scoped3A : memref<!tpu.dma_semaphore, #tpu.memory_space<semaphore_mem>>)
        %dma_wait3A_115 = arith.constant 0 : i32
        %dma_wait3A_116 = arith.constant 0 : i32
        %dma_wait3A_117 = tpu.memref_slice %arg2[%arg1, %scan3A_57, %dma_wait3A_115, %dma_wait3A_116] : memref<16x8x40x64xi32, #tpu.memory_space<hbm>> -> memref<1x1x40x64xi32, #tpu.memory_space<hbm>>
        %dma_wait3A_118 = tpu.memref_squeeze %dma_wait3A_117 : memref<1x1x40x64xi32, #tpu.memory_space<hbm>> -> memref<40x64xi32, #tpu.memory_space<hbm>>
        %dma_wait3A_119 = arith.constant 0 : i32
        %dma_wait3A_120 = arith.constant 0 : i32
        %dma_wait3A_121 = tpu.memref_slice %arg2[%arg1, %scan3A_57, %dma_wait3A_119, %dma_wait3A_120] : memref<16x8x40x64xi32, #tpu.memory_space<hbm>> -> memref<1x1x40x64xi32, #tpu.memory_space<hbm>>
        %dma_wait3A_122 = tpu.memref_squeeze %dma_wait3A_121 : memref<1x1x40x64xi32, #tpu.memory_space<hbm>> -> memref<40x64xi32, #tpu.memory_space<hbm>>
        tpu.wait_dma2 semaphore(%run_scoped3A : memref<!tpu.dma_semaphore, #tpu.memory_space<semaphore_mem>>) src(%dma_wait3A_122 : memref<40x64xi32, #tpu.memory_space<hbm>>) dst(%arg6 : memref<40x64xi32, #tpu.memory_space<vmem>>)
        tpu.yield
      }) : () -> ()
      "tpu.region"() ({
        %run_scoped3A = tpu.sem_alloc : memref<!tpu.dma_semaphore, #tpu.memory_space<semaphore_mem>>
        %dma_start3A_107 = arith.constant 0 : i32
        %dma_start3A_108 = arith.constant 0 : i32
        %dma_start3A_109 = tpu.memref_slice %arg3[%arg1, %scan3A_57, %dma_start3A_107, %dma_start3A_108] : memref<16x8x40x64xi32, #tpu.memory_space<hbm>> -> memref<1x1x40x64xi32, #tpu.memory_space<hbm>>
        %dma_start3A_110 = tpu.memref_squeeze %dma_start3A_109 : memref<1x1x40x64xi32, #tpu.memory_space<hbm>> -> memref<40x64xi32, #tpu.memory_space<hbm>>
        %dma_start3A_111 = arith.constant 0 : i32
        %dma_start3A_112 = arith.constant 0 : i32
        %dma_start3A_113 = tpu.memref_slice %arg3[%arg1, %scan3A_57, %dma_start3A_111, %dma_start3A_112] : memref<16x8x40x64xi32, #tpu.memory_space<hbm>> -> memref<1x1x40x64xi32, #tpu.memory_space<hbm>>
        %dma_start3A_114 = tpu.memref_squeeze %dma_start3A_113 : memref<1x1x40x64xi32, #tpu.memory_space<hbm>> -> memref<40x64xi32, #tpu.memory_space<hbm>>
        tpu.enqueue_dma source(%dma_start3A_114 : memref<40x64xi32, #tpu.memory_space<hbm>>) target(%arg7 : memref<40x64xi32, #tpu.memory_space<vmem>>) target_semaphore(%run_scoped3A : memref<!tpu.dma_semaphore, #tpu.memory_space<semaphore_mem>>)
        %dma_wait3A_115 = arith.constant 0 : i32
        %dma_wait3A_116 = arith.constant 0 : i32
        %dma_wait3A_117 = tpu.memref_slice %arg3[%arg1, %scan3A_57, %dma_wait3A_115, %dma_wait3A_116] : memref<16x8x40x64xi32, #tpu.memory_space<hbm>> -> memref<1x1x40x64xi32, #tpu.memory_space<hbm>>
        %dma_wait3A_118 = tpu.memref_squeeze %dma_wait3A_117 : memref<1x1x40x64xi32, #tpu.memory_space<hbm>> -> memref<40x64xi32, #tpu.memory_space<hbm>>
        %dma_wait3A_119 = arith.constant 0 : i32
        %dma_wait3A_120 = arith.constant 0 : i32
        %dma_wait3A_121 = tpu.memref_slice %arg3[%arg1, %scan3A_57, %dma_wait3A_119, %dma_wait3A_120] : memref<16x8x40x64xi32, #tpu.memory_space<hbm>> -> memref<1x1x40x64xi32, #tpu.memory_space<hbm>>
        %dma_wait3A_122 = tpu.memref_squeeze %dma_wait3A_121 : memref<1x1x40x64xi32, #tpu.memory_space<hbm>> -> memref<40x64xi32, #tpu.memory_space<hbm>>
        tpu.wait_dma2 semaphore(%run_scoped3A : memref<!tpu.dma_semaphore, #tpu.memory_space<semaphore_mem>>) src(%dma_wait3A_122 : memref<40x64xi32, #tpu.memory_space<hbm>>) dst(%arg7 : memref<40x64xi32, #tpu.memory_space<vmem>>)
        tpu.yield
      }) : () -> ()
      %dma_start3A = arith.constant 0 : i32
      %dma_start3A_59 = arith.constant 0 : i32
      %dma_start3A_60 = tpu.memref_slice %arg6[%dma_start3A, %dma_start3A_59] : memref<40x64xi32, #tpu.memory_space<vmem>> -> memref<1x64xi32, #tpu.memory_space<vmem>>
      %dma_start3A_61 = tpu.memref_squeeze %dma_start3A_60 : memref<1x64xi32, #tpu.memory_space<vmem>> -> memref<64xi32, #tpu.memory_space<vmem>>
      %dma_start3A_62 = arith.constant 0 : i32
      %dma_start3A_63 = arith.constant 0 : i32
      %dma_start3A_64 = tpu.memref_slice %arg4[%dma_start3A_62, %dma_start3A_63] : memref<10000x128xf32, #tpu.memory_space<hbm>> -> memref<10000x128xf32, #tpu.memory_space<hbm>>
      tpu.enqueue_indirect_dma source(%dma_start3A_64 : memref<10000x128xf32, #tpu.memory_space<hbm>>) target(%arg8 : memref<64x128xf32, #tpu.memory_space<vmem>>) offsets(%dma_start3A_61 : memref<64xi32, #tpu.memory_space<vmem>>) semaphore(%arg13 : memref<!tpu.dma_semaphore, #tpu.memory_space<semaphore_mem>>)
      %dma_start3A_65 = arith.constant 1 : i32
      %dma_start3A_66 = arith.constant 0 : i32
      %dma_start3A_67 = tpu.memref_slice %arg6[%dma_start3A_65, %dma_start3A_66] : memref<40x64xi32, #tpu.memory_space<vmem>> -> memref<1x64xi32, #tpu.memory_space<vmem>>
      %dma_start3A_68 = tpu.memref_squeeze %dma_start3A_67 : memref<1x64xi32, #tpu.memory_space<vmem>> -> memref<64xi32, #tpu.memory_space<vmem>>
      %dma_start3A_69 = arith.constant 0 : i32
      %dma_start3A_70 = arith.constant 0 : i32
      %dma_start3A_71 = tpu.memref_slice %arg4[%dma_start3A_69, %dma_start3A_70] : memref<10000x128xf32, #tpu.memory_space<hbm>> -> memref<10000x128xf32, #tpu.memory_space<hbm>>
      tpu.enqueue_indirect_dma source(%dma_start3A_71 : memref<10000x128xf32, #tpu.memory_space<hbm>>) target(%arg9 : memref<64x128xf32, #tpu.memory_space<vmem>>) offsets(%dma_start3A_68 : memref<64xi32, #tpu.memory_space<vmem>>) semaphore(%arg14 : memref<!tpu.dma_semaphore, #tpu.memory_space<semaphore_mem>>)
      %scan3A_72 = arith.constant 0 : i32
      %scan3A_73 = arith.constant 0 : i32
      %scan3A_74 = arith.constant 10 : i32
      %scan3A_75 = arith.addi %scan3A_73, %scan3A_74 : i32
      %scan3A_76 = arith.constant 1 : i32
      %scan3A_77 = scf.for %scan3A_107 = %scan3A_73 to %scan3A_75 step %scan3A_76 iter_args(%scan3A_108 = %scan3A_72) -> (i32)  : i32 {
        %mul3A_109 = arith.constant 4 : i32
        %mul3A_110 = arith.muli %mul3A_109, %scan3A_107 : i32
        %add3A_111 = arith.constant 0 : i32
        %add3A_112 = arith.addi %mul3A_110, %add3A_111 : i32
        %dma_wait3A_113 = arith.constant 0 : i32
        %dma_wait3A_114 = tpu.memref_slice %arg6[%add3A_112, %dma_wait3A_113] : memref<40x64xi32, #tpu.memory_space<vmem>> -> memref<1x64xi32, #tpu.memory_space<vmem>>
        %dma_wait3A_115 = tpu.memref_squeeze %dma_wait3A_114 : memref<1x64xi32, #tpu.memory_space<vmem>> -> memref<64xi32, #tpu.memory_space<vmem>>
        %dma_wait3A_116 = arith.constant 0 : i32
        %dma_wait3A_117 = arith.constant 0 : i32
        %dma_wait3A_118 = tpu.memref_slice %arg4[%dma_wait3A_116, %dma_wait3A_117] : memref<10000x128xf32, #tpu.memory_space<hbm>> -> memref<10000x128xf32, #tpu.memory_space<hbm>>
        tpu.wait_indirect_dma semaphore(%arg13 : memref<!tpu.dma_semaphore, #tpu.memory_space<semaphore_mem>>) src(%dma_wait3A_118 : memref<10000x128xf32, #tpu.memory_space<hbm>>) dst(%arg8 : memref<64x128xf32, #tpu.memory_space<vmem>>)
        %dma_start3A_119 = arith.constant 0 : i32
        %dma_start3A_120 = tpu.memref_slice %arg7[%add3A_112, %dma_start3A_119] : memref<40x64xi32, #tpu.memory_space<vmem>> -> memref<1x64xi32, #tpu.memory_space<vmem>>
        %dma_start3A_121 = tpu.memref_squeeze %dma_start3A_120 : memref<1x64xi32, #tpu.memory_space<vmem>> -> memref<64xi32, #tpu.memory_space<vmem>>
        %dma_start3A_122 = arith.constant 0 : i32
        %dma_start3A_123 = arith.constant 0 : i32
        %dma_start3A_124 = tpu.memref_slice %arg12[%dma_start3A_122, %dma_start3A_123] : memref<10240x128xf32, #tpu.memory_space<vmem_shared>> -> memref<10240x128xf32, #tpu.memory_space<vmem_shared>>
        tpu.enqueue_indirect_dma source(%arg8 : memref<64x128xf32, #tpu.memory_space<vmem>>) target(%dma_start3A_124 : memref<10240x128xf32, #tpu.memory_space<vmem_shared>>) offsets(%dma_start3A_121 : memref<64xi32, #tpu.memory_space<vmem>>) semaphore(%arg17 : memref<!tpu.dma_semaphore, #tpu.memory_space<semaphore_mem>>) {add = true}
        %gt3A = arith.constant 0 : i32
        %gt3A_125 = arith.cmpi sgt, %scan3A_107, %gt3A : i32
        %convert_element_type3A = arith.extui %gt3A_125 : i1 to i32
        %cond3A = arith.constant 0 : i32
        %cond3A_126 = arith.cmpi ne, %convert_element_type3A, %cond3A : i32
        scf.if %cond3A_126 {
          %sub3A = arith.constant 2 : i32
          %sub3A_206 = arith.subi %add3A_112, %sub3A : i32
          %dma_wait3A_207 = arith.constant 0 : i32
          %dma_wait3A_208 = tpu.memref_slice %arg7[%sub3A_206, %dma_wait3A_207] : memref<40x64xi32, #tpu.memory_space<vmem>> -> memref<1x64xi32, #tpu.memory_space<vmem>>
          %dma_wait3A_209 = tpu.memref_squeeze %dma_wait3A_208 : memref<1x64xi32, #tpu.memory_space<vmem>> -> memref<64xi32, #tpu.memory_space<vmem>>
          %dma_wait3A_210 = arith.constant 0 : i32
          %dma_wait3A_211 = arith.constant 0 : i32
          %dma_wait3A_212 = tpu.memref_slice %arg12[%dma_wait3A_210, %dma_wait3A_211] : memref<10240x128xf32, #tpu.memory_space<vmem_shared>> -> memref<10240x128xf32, #tpu.memory_space<vmem_shared>>
          tpu.wait_indirect_dma semaphore(%arg19 : memref<!tpu.dma_semaphore, #tpu.memory_space<semaphore_mem>>) src(%arg10 : memref<64x128xf32, #tpu.memory_space<vmem>>) dst(%dma_wait3A_212 : memref<10240x128xf32, #tpu.memory_space<vmem_shared>>)
        } else {
        }
        %add3A_127 = arith.constant 2 : i32
        %add3A_128 = arith.addi %add3A_112, %add3A_127 : i32
        %dma_start3A_129 = arith.constant 0 : i32
        %dma_start3A_130 = tpu.memref_slice %arg6[%add3A_128, %dma_start3A_129] : memref<40x64xi32, #tpu.memory_space<vmem>> -> memref<1x64xi32, #tpu.memory_space<vmem>>
        %dma_start3A_131 = tpu.memref_squeeze %dma_start3A_130 : memref<1x64xi32, #tpu.memory_space<vmem>> -> memref<64xi32, #tpu.memory_space<vmem>>
        %dma_start3A_132 = arith.constant 0 : i32
        %dma_start3A_133 = arith.constant 0 : i32
        %dma_start3A_134 = tpu.memref_slice %arg4[%dma_start3A_132, %dma_start3A_133] : memref<10000x128xf32, #tpu.memory_space<hbm>> -> memref<10000x128xf32, #tpu.memory_space<hbm>>
        tpu.enqueue_indirect_dma source(%dma_start3A_134 : memref<10000x128xf32, #tpu.memory_space<hbm>>) target(%arg10 : memref<64x128xf32, #tpu.memory_space<vmem>>) offsets(%dma_start3A_131 : memref<64xi32, #tpu.memory_space<vmem>>) semaphore(%arg15 : memref<!tpu.dma_semaphore, #tpu.memory_space<semaphore_mem>>)
        %mul3A_135 = arith.constant 4 : i32
        %mul3A_136 = arith.muli %mul3A_135, %scan3A_107 : i32
        %add3A_137 = arith.constant 1 : i32
        %add3A_138 = arith.addi %mul3A_136, %add3A_137 : i32
        %dma_wait3A_139 = arith.constant 0 : i32
        %dma_wait3A_140 = tpu.memref_slice %arg6[%add3A_138, %dma_wait3A_139] : memref<40x64xi32, #tpu.memory_space<vmem>> -> memref<1x64xi32, #tpu.memory_space<vmem>>
        %dma_wait3A_141 = tpu.memref_squeeze %dma_wait3A_140 : memref<1x64xi32, #tpu.memory_space<vmem>> -> memref<64xi32, #tpu.memory_space<vmem>>
        %dma_wait3A_142 = arith.constant 0 : i32
        %dma_wait3A_143 = arith.constant 0 : i32
        %dma_wait3A_144 = tpu.memref_slice %arg4[%dma_wait3A_142, %dma_wait3A_143] : memref<10000x128xf32, #tpu.memory_space<hbm>> -> memref<10000x128xf32, #tpu.memory_space<hbm>>
        tpu.wait_indirect_dma semaphore(%arg14 : memref<!tpu.dma_semaphore, #tpu.memory_space<semaphore_mem>>) src(%dma_wait3A_144 : memref<10000x128xf32, #tpu.memory_space<hbm>>) dst(%arg9 : memref<64x128xf32, #tpu.memory_space<vmem>>)
        %dma_start3A_145 = arith.constant 0 : i32
        %dma_start3A_146 = tpu.memref_slice %arg7[%add3A_138, %dma_start3A_145] : memref<40x64xi32, #tpu.memory_space<vmem>> -> memref<1x64xi32, #tpu.memory_space<vmem>>
        %dma_start3A_147 = tpu.memref_squeeze %dma_start3A_146 : memref<1x64xi32, #tpu.memory_space<vmem>> -> memref<64xi32, #tpu.memory_space<vmem>>
        %dma_start3A_148 = arith.constant 0 : i32
        %dma_start3A_149 = arith.constant 0 : i32
        %dma_start3A_150 = tpu.memref_slice %arg12[%dma_start3A_148, %dma_start3A_149] : memref<10240x128xf32, #tpu.memory_space<vmem_shared>> -> memref<10240x128xf32, #tpu.memory_space<vmem_shared>>
        tpu.enqueue_indirect_dma source(%arg9 : memref<64x128xf32, #tpu.memory_space<vmem>>) target(%dma_start3A_150 : memref<10240x128xf32, #tpu.memory_space<vmem_shared>>) offsets(%dma_start3A_147 : memref<64xi32, #tpu.memory_space<vmem>>) semaphore(%arg18 : memref<!tpu.dma_semaphore, #tpu.memory_space<semaphore_mem>>) {add = true}
        %gt3A_151 = arith.constant 0 : i32
        %gt3A_152 = arith.cmpi sgt, %scan3A_107, %gt3A_151 : i32
        %convert_element_type3A_153 = arith.extui %gt3A_152 : i1 to i32
        %cond3A_154 = arith.constant 0 : i32
        %cond3A_155 = arith.cmpi ne, %convert_element_type3A_153, %cond3A_154 : i32
        scf.if %cond3A_155 {
          %sub3A = arith.constant 2 : i32
          %sub3A_206 = arith.subi %add3A_138, %sub3A : i32
          %dma_wait3A_207 = arith.constant 0 : i32
          %dma_wait3A_208 = tpu.memref_slice %arg7[%sub3A_206, %dma_wait3A_207] : memref<40x64xi32, #tpu.memory_space<vmem>> -> memref<1x64xi32, #tpu.memory_space<vmem>>
          %dma_wait3A_209 = tpu.memref_squeeze %dma_wait3A_208 : memref<1x64xi32, #tpu.memory_space<vmem>> -> memref<64xi32, #tpu.memory_space<vmem>>
          %dma_wait3A_210 = arith.constant 0 : i32
          %dma_wait3A_211 = arith.constant 0 : i32
          %dma_wait3A_212 = tpu.memref_slice %arg12[%dma_wait3A_210, %dma_wait3A_211] : memref<10240x128xf32, #tpu.memory_space<vmem_shared>> -> memref<10240x128xf32, #tpu.memory_space<vmem_shared>>
          tpu.wait_indirect_dma semaphore(%arg20 : memref<!tpu.dma_semaphore, #tpu.memory_space<semaphore_mem>>) src(%arg11 : memref<64x128xf32, #tpu.memory_space<vmem>>) dst(%dma_wait3A_212 : memref<10240x128xf32, #tpu.memory_space<vmem_shared>>)
        } else {
        }
        %add3A_156 = arith.constant 2 : i32
        %add3A_157 = arith.addi %add3A_138, %add3A_156 : i32
        %dma_start3A_158 = arith.constant 0 : i32
        %dma_start3A_159 = tpu.memref_slice %arg6[%add3A_157, %dma_start3A_158] : memref<40x64xi32, #tpu.memory_space<vmem>> -> memref<1x64xi32, #tpu.memory_space<vmem>>
        %dma_start3A_160 = tpu.memref_squeeze %dma_start3A_159 : memref<1x64xi32, #tpu.memory_space<vmem>> -> memref<64xi32, #tpu.memory_space<vmem>>
        %dma_start3A_161 = arith.constant 0 : i32
        %dma_start3A_162 = arith.constant 0 : i32
        %dma_start3A_163 = tpu.memref_slice %arg4[%dma_start3A_161, %dma_start3A_162] : memref<10000x128xf32, #tpu.memory_space<hbm>> -> memref<10000x128xf32, #tpu.memory_space<hbm>>
        tpu.enqueue_indirect_dma source(%dma_start3A_163 : memref<10000x128xf32, #tpu.memory_space<hbm>>) target(%arg11 : memref<64x128xf32, #tpu.memory_space<vmem>>) offsets(%dma_start3A_160 : memref<64xi32, #tpu.memory_space<vmem>>) semaphore(%arg16 : memref<!tpu.dma_semaphore, #tpu.memory_space<semaphore_mem>>)
        %mul3A_164 = arith.constant 4 : i32
        %mul3A_165 = arith.muli %mul3A_164, %scan3A_107 : i32
        %add3A_166 = arith.constant 2 : i32
        %add3A_167 = arith.addi %mul3A_165, %add3A_166 : i32
        %dma_wait3A_168 = arith.constant 0 : i32
        %dma_wait3A_169 = tpu.memref_slice %arg6[%add3A_167, %dma_wait3A_168] : memref<40x64xi32, #tpu.memory_space<vmem>> -> memref<1x64xi32, #tpu.memory_space<vmem>>
        %dma_wait3A_170 = tpu.memref_squeeze %dma_wait3A_169 : memref<1x64xi32, #tpu.memory_space<vmem>> -> memref<64xi32, #tpu.memory_space<vmem>>
        %dma_wait3A_171 = arith.constant 0 : i32
        %dma_wait3A_172 = arith.constant 0 : i32
        %dma_wait3A_173 = tpu.memref_slice %arg4[%dma_wait3A_171, %dma_wait3A_172] : memref<10000x128xf32, #tpu.memory_space<hbm>> -> memref<10000x128xf32, #tpu.memory_space<hbm>>
        tpu.wait_indirect_dma semaphore(%arg15 : memref<!tpu.dma_semaphore, #tpu.memory_space<semaphore_mem>>) src(%dma_wait3A_173 : memref<10000x128xf32, #tpu.memory_space<hbm>>) dst(%arg10 : memref<64x128xf32, #tpu.memory_space<vmem>>)
        %dma_start3A_174 = arith.constant 0 : i32
        %dma_start3A_175 = tpu.memref_slice %arg7[%add3A_167, %dma_start3A_174] : memref<40x64xi32, #tpu.memory_space<vmem>> -> memref<1x64xi32, #tpu.memory_space<vmem>>
        %dma_start3A_176 = tpu.memref_squeeze %dma_start3A_175 : memref<1x64xi32, #tpu.memory_space<vmem>> -> memref<64xi32, #tpu.memory_space<vmem>>
        %dma_start3A_177 = arith.constant 0 : i32
        %dma_start3A_178 = arith.constant 0 : i32
        %dma_start3A_179 = tpu.memref_slice %arg12[%dma_start3A_177, %dma_start3A_178] : memref<10240x128xf32, #tpu.memory_space<vmem_shared>> -> memref<10240x128xf32, #tpu.memory_space<vmem_shared>>
        tpu.enqueue_indirect_dma source(%arg10 : memref<64x128xf32, #tpu.memory_space<vmem>>) target(%dma_start3A_179 : memref<10240x128xf32, #tpu.memory_space<vmem_shared>>) offsets(%dma_start3A_176 : memref<64xi32, #tpu.memory_space<vmem>>) semaphore(%arg19 : memref<!tpu.dma_semaphore, #tpu.memory_space<semaphore_mem>>) {add = true}
        %lt3A = arith.constant 9 : i32
        %lt3A_180 = arith.cmpi slt, %scan3A_107, %lt3A : i32
        %convert_element_type3A_181 = arith.extui %lt3A_180 : i1 to i32
        %cond3A_182 = arith.constant 0 : i32
        %cond3A_183 = arith.cmpi ne, %convert_element_type3A_181, %cond3A_182 : i32
        scf.if %cond3A_183 {
          %sub3A = arith.constant 2 : i32
          %sub3A_206 = arith.subi %add3A_167, %sub3A : i32
          %dma_wait3A_207 = arith.constant 0 : i32
          %dma_wait3A_208 = tpu.memref_slice %arg7[%sub3A_206, %dma_wait3A_207] : memref<40x64xi32, #tpu.memory_space<vmem>> -> memref<1x64xi32, #tpu.memory_space<vmem>>
          %dma_wait3A_209 = tpu.memref_squeeze %dma_wait3A_208 : memref<1x64xi32, #tpu.memory_space<vmem>> -> memref<64xi32, #tpu.memory_space<vmem>>
          %dma_wait3A_210 = arith.constant 0 : i32
          %dma_wait3A_211 = arith.constant 0 : i32
          %dma_wait3A_212 = tpu.memref_slice %arg12[%dma_wait3A_210, %dma_wait3A_211] : memref<10240x128xf32, #tpu.memory_space<vmem_shared>> -> memref<10240x128xf32, #tpu.memory_space<vmem_shared>>
          tpu.wait_indirect_dma semaphore(%arg17 : memref<!tpu.dma_semaphore, #tpu.memory_space<semaphore_mem>>) src(%arg8 : memref<64x128xf32, #tpu.memory_space<vmem>>) dst(%dma_wait3A_212 : memref<10240x128xf32, #tpu.memory_space<vmem_shared>>)
          %add3A_213 = arith.constant 2 : i32
          %add3A_214 = arith.addi %add3A_167, %add3A_213 : i32
          %dma_start3A_215 = arith.constant 0 : i32
          %dma_start3A_216 = tpu.memref_slice %arg6[%add3A_214, %dma_start3A_215] : memref<40x64xi32, #tpu.memory_space<vmem>> -> memref<1x64xi32, #tpu.memory_space<vmem>>
          %dma_start3A_217 = tpu.memref_squeeze %dma_start3A_216 : memref<1x64xi32, #tpu.memory_space<vmem>> -> memref<64xi32, #tpu.memory_space<vmem>>
          %dma_start3A_218 = arith.constant 0 : i32
          %dma_start3A_219 = arith.constant 0 : i32
          %dma_start3A_220 = tpu.memref_slice %arg4[%dma_start3A_218, %dma_start3A_219] : memref<10000x128xf32, #tpu.memory_space<hbm>> -> memref<10000x128xf32, #tpu.memory_space<hbm>>
          tpu.enqueue_indirect_dma source(%dma_start3A_220 : memref<10000x128xf32, #tpu.memory_space<hbm>>) target(%arg8 : memref<64x128xf32, #tpu.memory_space<vmem>>) offsets(%dma_start3A_217 : memref<64xi32, #tpu.memory_space<vmem>>) semaphore(%arg13 : memref<!tpu.dma_semaphore, #tpu.memory_space<semaphore_mem>>)
        } else {
        }
        %mul3A_184 = arith.constant 4 : i32
        %mul3A_185 = arith.muli %mul3A_184, %scan3A_107 : i32
        %add3A_186 = arith.constant 3 : i32
        %add3A_187 = arith.addi %mul3A_185, %add3A_186 : i32
        %dma_wait3A_188 = arith.constant 0 : i32
        %dma_wait3A_189 = tpu.memref_slice %arg6[%add3A_187, %dma_wait3A_188] : memref<40x64xi32, #tpu.memory_space<vmem>> -> memref<1x64xi32, #tpu.memory_space<vmem>>
        %dma_wait3A_190 = tpu.memref_squeeze %dma_wait3A_189 : memref<1x64xi32, #tpu.memory_space<vmem>> -> memref<64xi32, #tpu.memory_space<vmem>>
        %dma_wait3A_191 = arith.constant 0 : i32
        %dma_wait3A_192 = arith.constant 0 : i32
        %dma_wait3A_193 = tpu.memref_slice %arg4[%dma_wait3A_191, %dma_wait3A_192] : memref<10000x128xf32, #tpu.memory_space<hbm>> -> memref<10000x128xf32, #tpu.memory_space<hbm>>
        tpu.wait_indirect_dma semaphore(%arg16 : memref<!tpu.dma_semaphore, #tpu.memory_space<semaphore_mem>>) src(%dma_wait3A_193 : memref<10000x128xf32, #tpu.memory_space<hbm>>) dst(%arg11 : memref<64x128xf32, #tpu.memory_space<vmem>>)
        %dma_start3A_194 = arith.constant 0 : i32
        %dma_start3A_195 = tpu.memref_slice %arg7[%add3A_187, %dma_start3A_194] : memref<40x64xi32, #tpu.memory_space<vmem>> -> memref<1x64xi32, #tpu.memory_space<vmem>>
        %dma_start3A_196 = tpu.memref_squeeze %dma_start3A_195 : memref<1x64xi32, #tpu.memory_space<vmem>> -> memref<64xi32, #tpu.memory_space<vmem>>
        %dma_start3A_197 = arith.constant 0 : i32
        %dma_start3A_198 = arith.constant 0 : i32
        %dma_start3A_199 = tpu.memref_slice %arg12[%dma_start3A_197, %dma_start3A_198] : memref<10240x128xf32, #tpu.memory_space<vmem_shared>> -> memref<10240x128xf32, #tpu.memory_space<vmem_shared>>
        tpu.enqueue_indirect_dma source(%arg11 : memref<64x128xf32, #tpu.memory_space<vmem>>) target(%dma_start3A_199 : memref<10240x128xf32, #tpu.memory_space<vmem_shared>>) offsets(%dma_start3A_196 : memref<64xi32, #tpu.memory_space<vmem>>) semaphore(%arg20 : memref<!tpu.dma_semaphore, #tpu.memory_space<semaphore_mem>>) {add = true}
        %lt3A_200 = arith.constant 9 : i32
        %lt3A_201 = arith.cmpi slt, %scan3A_107, %lt3A_200 : i32
        %convert_element_type3A_202 = arith.extui %lt3A_201 : i1 to i32
        %cond3A_203 = arith.constant 0 : i32
        %cond3A_204 = arith.cmpi ne, %convert_element_type3A_202, %cond3A_203 : i32
        scf.if %cond3A_204 {
          %sub3A = arith.constant 2 : i32
          %sub3A_206 = arith.subi %add3A_187, %sub3A : i32
          %dma_wait3A_207 = arith.constant 0 : i32
          %dma_wait3A_208 = tpu.memref_slice %arg7[%sub3A_206, %dma_wait3A_207] : memref<40x64xi32, #tpu.memory_space<vmem>> -> memref<1x64xi32, #tpu.memory_space<vmem>>
          %dma_wait3A_209 = tpu.memref_squeeze %dma_wait3A_208 : memref<1x64xi32, #tpu.memory_space<vmem>> -> memref<64xi32, #tpu.memory_space<vmem>>
          %dma_wait3A_210 = arith.constant 0 : i32
          %dma_wait3A_211 = arith.constant 0 : i32
          %dma_wait3A_212 = tpu.memref_slice %arg12[%dma_wait3A_210, %dma_wait3A_211] : memref<10240x128xf32, #tpu.memory_space<vmem_shared>> -> memref<10240x128xf32, #tpu.memory_space<vmem_shared>>
          tpu.wait_indirect_dma semaphore(%arg18 : memref<!tpu.dma_semaphore, #tpu.memory_space<semaphore_mem>>) src(%arg9 : memref<64x128xf32, #tpu.memory_space<vmem>>) dst(%dma_wait3A_212 : memref<10240x128xf32, #tpu.memory_space<vmem_shared>>)
          %add3A_213 = arith.constant 2 : i32
          %add3A_214 = arith.addi %add3A_187, %add3A_213 : i32
          %dma_start3A_215 = arith.constant 0 : i32
          %dma_start3A_216 = tpu.memref_slice %arg6[%add3A_214, %dma_start3A_215] : memref<40x64xi32, #tpu.memory_space<vmem>> -> memref<1x64xi32, #tpu.memory_space<vmem>>
          %dma_start3A_217 = tpu.memref_squeeze %dma_start3A_216 : memref<1x64xi32, #tpu.memory_space<vmem>> -> memref<64xi32, #tpu.memory_space<vmem>>
          %dma_start3A_218 = arith.constant 0 : i32
          %dma_start3A_219 = arith.constant 0 : i32
          %dma_start3A_220 = tpu.memref_slice %arg4[%dma_start3A_218, %dma_start3A_219] : memref<10000x128xf32, #tpu.memory_space<hbm>> -> memref<10000x128xf32, #tpu.memory_space<hbm>>
          tpu.enqueue_indirect_dma source(%dma_start3A_220 : memref<10000x128xf32, #tpu.memory_space<hbm>>) target(%arg9 : memref<64x128xf32, #tpu.memory_space<vmem>>) offsets(%dma_start3A_217 : memref<64xi32, #tpu.memory_space<vmem>>) semaphore(%arg14 : memref<!tpu.dma_semaphore, #tpu.memory_space<semaphore_mem>>)
        } else {
        }
        %scan3A_205 = arith.constant 0 : i32
        scf.yield %scan3A_205 : i32
      }
      %scan3A_78 = arith.constant 10 : i32
      %dma_wait3A = arith.constant 36 : i32
      %dma_wait3A_79 = arith.constant 0 : i32
      %dma_wait3A_80 = tpu.memref_slice %arg7[%dma_wait3A, %dma_wait3A_79] : memref<40x64xi32, #tpu.memory_space<vmem>> -> memref<1x64xi32, #tpu.memory_space<vmem>>
      %dma_wait3A_81 = tpu.memref_squeeze %dma_wait3A_80 : memref<1x64xi32, #tpu.memory_space<vmem>> -> memref<64xi32, #tpu.memory_space<vmem>>
      %dma_wait3A_82 = arith.constant 0 : i32
      %dma_wait3A_83 = arith.constant 0 : i32
      %dma_wait3A_84 = tpu.memref_slice %arg12[%dma_wait3A_82, %dma_wait3A_83] : memref<10240x128xf32, #tpu.memory_space<vmem_shared>> -> memref<10240x128xf32, #tpu.memory_space<vmem_shared>>
      tpu.wait_indirect_dma semaphore(%arg17 : memref<!tpu.dma_semaphore, #tpu.memory_space<semaphore_mem>>) src(%arg8 : memref<64x128xf32, #tpu.memory_space<vmem>>) dst(%dma_wait3A_84 : memref<10240x128xf32, #tpu.memory_space<vmem_shared>>)
      %dma_wait3A_85 = arith.constant 37 : i32
      %dma_wait3A_86 = arith.constant 0 : i32
      %dma_wait3A_87 = tpu.memref_slice %arg7[%dma_wait3A_85, %dma_wait3A_86] : memref<40x64xi32, #tpu.memory_space<vmem>> -> memref<1x64xi32, #tpu.memory_space<vmem>>
      %dma_wait3A_88 = tpu.memref_squeeze %dma_wait3A_87 : memref<1x64xi32, #tpu.memory_space<vmem>> -> memref<64xi32, #tpu.memory_space<vmem>>
      %dma_wait3A_89 = arith.constant 0 : i32
      %dma_wait3A_90 = arith.constant 0 : i32
      %dma_wait3A_91 = tpu.memref_slice %arg12[%dma_wait3A_89, %dma_wait3A_90] : memref<10240x128xf32, #tpu.memory_space<vmem_shared>> -> memref<10240x128xf32, #tpu.memory_space<vmem_shared>>
      tpu.wait_indirect_dma semaphore(%arg18 : memref<!tpu.dma_semaphore, #tpu.memory_space<semaphore_mem>>) src(%arg9 : memref<64x128xf32, #tpu.memory_space<vmem>>) dst(%dma_wait3A_91 : memref<10240x128xf32, #tpu.memory_space<vmem_shared>>)
      %dma_wait3A_92 = arith.constant 38 : i32
      %dma_wait3A_93 = arith.constant 0 : i32
      %dma_wait3A_94 = tpu.memref_slice %arg7[%dma_wait3A_92, %dma_wait3A_93] : memref<40x64xi32, #tpu.memory_space<vmem>> -> memref<1x64xi32, #tpu.memory_space<vmem>>
      %dma_wait3A_95 = tpu.memref_squeeze %dma_wait3A_94 : memref<1x64xi32, #tpu.memory_space<vmem>> -> memref<64xi32, #tpu.memory_space<vmem>>
      %dma_wait3A_96 = arith.constant 0 : i32
      %dma_wait3A_97 = arith.constant 0 : i32
      %dma_wait3A_98 = tpu.memref_slice %arg12[%dma_wait3A_96, %dma_wait3A_97] : memref<10240x128xf32, #tpu.memory_space<vmem_shared>> -> memref<10240x128xf32, #tpu.memory_space<vmem_shared>>
      tpu.wait_indirect_dma semaphore(%arg19 : memref<!tpu.dma_semaphore, #tpu.memory_space<semaphore_mem>>) src(%arg10 : memref<64x128xf32, #tpu.memory_space<vmem>>) dst(%dma_wait3A_98 : memref<10240x128xf32, #tpu.memory_space<vmem_shared>>)
      %dma_wait3A_99 = arith.constant 39 : i32
      %dma_wait3A_100 = arith.constant 0 : i32
      %dma_wait3A_101 = tpu.memref_slice %arg7[%dma_wait3A_99, %dma_wait3A_100] : memref<40x64xi32, #tpu.memory_space<vmem>> -> memref<1x64xi32, #tpu.memory_space<vmem>>
      %dma_wait3A_102 = tpu.memref_squeeze %dma_wait3A_101 : memref<1x64xi32, #tpu.memory_space<vmem>> -> memref<64xi32, #tpu.memory_space<vmem>>
      %dma_wait3A_103 = arith.constant 0 : i32
      %dma_wait3A_104 = arith.constant 0 : i32
      %dma_wait3A_105 = tpu.memref_slice %arg12[%dma_wait3A_103, %dma_wait3A_104] : memref<10240x128xf32, #tpu.memory_space<vmem_shared>> -> memref<10240x128xf32, #tpu.memory_space<vmem_shared>>
      tpu.wait_indirect_dma semaphore(%arg20 : memref<!tpu.dma_semaphore, #tpu.memory_space<semaphore_mem>>) src(%arg11 : memref<64x128xf32, #tpu.memory_space<vmem>>) dst(%dma_wait3A_105 : memref<10240x128xf32, #tpu.memory_space<vmem_shared>>)
      %scan3A_106 = arith.constant 0 : i32
      scf.yield %scan3A_106 : i32
    }
    %scan3A_51 = arith.constant 8 : i32
    %barrier3A_52 = arith.constant 0 : index
    tpu.barrier barrier_id(%barrier3A_52)
    %mul3A_53 = arith.constant 640 : i32
    %mul3A_54 = arith.muli %arg1, %mul3A_53 : i32
    %mul3A_55 = arith.constant 640 : i32
    %mul3A_56 = arith.muli %arg1, %mul3A_55 : i32
    "tpu.region"() ({
      %run_scoped3A = tpu.sem_alloc : memref<!tpu.dma_semaphore, #tpu.memory_space<semaphore_mem>>
      %dma_start3A = arith.constant 0 : i32
      %dma_start3A_57 = tpu.memref_slice %arg5[%mul3A_56, %dma_start3A] : memref<10240x128xf32, #tpu.memory_space<hbm>> -> memref<640x128xf32, #tpu.memory_space<hbm>>
      %dma_start3A_58 = arith.constant 0 : i32
      %dma_start3A_59 = tpu.memref_slice %arg12[%mul3A_54, %dma_start3A_58] : memref<10240x128xf32, #tpu.memory_space<vmem_shared>> -> memref<640x128xf32, #tpu.memory_space<vmem_shared>>
      tpu.enqueue_dma source(%dma_start3A_59 : memref<640x128xf32, #tpu.memory_space<vmem_shared>>) target(%dma_start3A_57 : memref<640x128xf32, #tpu.memory_space<hbm>>) target_semaphore(%run_scoped3A : memref<!tpu.dma_semaphore, #tpu.memory_space<semaphore_mem>>)
      %dma_wait3A = arith.constant 0 : i32
      %dma_wait3A_60 = tpu.memref_slice %arg5[%mul3A_56, %dma_wait3A] : memref<10240x128xf32, #tpu.memory_space<hbm>> -> memref<640x128xf32, #tpu.memory_space<hbm>>
      %dma_wait3A_61 = arith.constant 0 : i32
      %dma_wait3A_62 = tpu.memref_slice %arg12[%mul3A_54, %dma_wait3A_61] : memref<10240x128xf32, #tpu.memory_space<vmem_shared>> -> memref<640x128xf32, #tpu.memory_space<vmem_shared>>
      tpu.wait_dma2 semaphore(%run_scoped3A : memref<!tpu.dma_semaphore, #tpu.memory_space<semaphore_mem>>) src(%dma_wait3A_62 : memref<640x128xf32, #tpu.memory_space<vmem_shared>>) dst(%dma_wait3A_60 : memref<640x128xf32, #tpu.memory_space<hbm>>)
      tpu.yield
    }) : () -> ()
    return
  }
}

#map = affine_map<(d0, d1) -> (0, 0, 0, 0)>
#map1 = affine_map<(d0, d1) -> (0, 0)>
module attributes {stable_mosaic.version = 14 : i64} {
  func.func @_sc_agg_body(%arg0: i32, %arg1: i32, %arg2: memref<16x8x40x64xi32, #tpu.memory_space<hbm>>, %arg3: memref<16x8x40x64xi32, #tpu.memory_space<hbm>>, %arg4: memref<10000x128xf32, #tpu.memory_space<hbm>>, %arg5: memref<10240x128xf32, #tpu.memory_space<hbm>>, %arg6: memref<40x64xi32, #tpu.memory_space<vmem>>, %arg7: memref<40x64xi32, #tpu.memory_space<vmem>>, %arg8: memref<64x128xf32, #tpu.memory_space<vmem>>, %arg9: memref<64x128xf32, #tpu.memory_space<vmem>>, %arg10: memref<64x128xf32, #tpu.memory_space<vmem>>, %arg11: memref<64x128xf32, #tpu.memory_space<vmem>>, %arg12: memref<10240x128xf32, #tpu.memory_space<vmem_shared>>, %arg13: memref<!tpu.dma_semaphore, #tpu.memory_space<semaphore_mem>>, %arg14: memref<!tpu.dma_semaphore, #tpu.memory_space<semaphore_mem>>, %arg15: memref<!tpu.dma_semaphore, #tpu.memory_space<semaphore_mem>>, %arg16: memref<!tpu.dma_semaphore, #tpu.memory_space<semaphore_mem>>, %arg17: memref<!tpu.dma_semaphore, #tpu.memory_space<semaphore_mem>>, %arg18: memref<!tpu.dma_semaphore, #tpu.memory_space<semaphore_mem>>, %arg19: memref<!tpu.dma_semaphore, #tpu.memory_space<semaphore_mem>>, %arg20: memref<!tpu.dma_semaphore, #tpu.memory_space<semaphore_mem>>) attributes {dimension_semantics = [#tpu.dimension_semantics<core_parallel>, #tpu.dimension_semantics<subcore_parallel>], iteration_bounds = array<i64: 1, 16>, scalar_prefetch = 0 : i64, scratch_operands = 15 : i64, tpu.core_type = #tpu.core_type<sc_vector_subcore>, window_params = [{transform_indices = #map}, {transform_indices = #map}, {transform_indices = #map1}, {transform_indices = #map1}]} {
    %broadcast_in_dim3A = arith.constant 0.000000e+00 : f32
    %broadcast_in_dim3A_0 = vector.broadcast %broadcast_in_dim3A : f32 to vector<16xf32>
    %scan3A = arith.constant 0 : i32
    %scan3A_1 = arith.constant 0 : i32
    %scan3A_2 = arith.constant 64 : i32
    %scan3A_3 = arith.addi %scan3A_1, %scan3A_2 : i32
    %scan3A_4 = arith.constant 1 : i32
    %scan3A_5 = scf.for %scan3A_57 = %scan3A_1 to %scan3A_3 step %scan3A_4 iter_args(%scan3A_58 = %scan3A) -> (i32)  : i32 {
      %scan3A_59 = arith.constant 0 : i32
      %scan3A_60 = arith.constant 0 : i32
      %scan3A_61 = arith.constant 8 : i32
      %scan3A_62 = arith.addi %scan3A_60, %scan3A_61 : i32
      %scan3A_63 = arith.constant 1 : i32
      %scan3A_64 = scf.for %scan3A_66 = %scan3A_60 to %scan3A_62 step %scan3A_63 iter_args(%scan3A_67 = %scan3A_59) -> (i32)  : i32 {
        %mul3A_68 = arith.constant 16 : i32
        %mul3A_69 = arith.muli %scan3A_66, %mul3A_68 : i32
        %swap3A = arith.index_cast %scan3A_57 : i32 to index
        %swap3A_70 = arith.index_cast %mul3A_69 : i32 to index
        %swap3A_71 = tpu.vector_load %arg8[%swap3A, %swap3A_70] {strides = array<i32>} : memref<64x128xf32, #tpu.memory_space<vmem>>, vector<1x16xf32>,
        %swap3A_72 = vector.shape_cast %swap3A_71 : vector<1x16xf32> to vector<16xf32>
        %swap3A_73 = vector.shape_cast %broadcast_in_dim3A_0 : vector<16xf32> to vector<1x16xf32>
        tpu.vector_store %arg8[%swap3A, %swap3A_70], %swap3A_73 {strides = array<i32>} : memref<64x128xf32, #tpu.memory_space<vmem>>, vector<1x16xf32>,
        %scan3A_74 = arith.constant 0 : i32
        scf.yield %scan3A_74 : i32
      }
      %scan3A_65 = arith.constant 8 : i32
      scf.yield %scan3A_64 : i32
    }
    %scan3A_6 = arith.constant 64 : i32
    %mul3A = arith.constant 640 : i32
    %mul3A_7 = arith.muli %arg1, %mul3A : i32
    %add3A = arith.constant 0 : i32
    %add3A_8 = arith.addi %mul3A_7, %add3A : i32
    "tpu.region"() ({
      %run_scoped3A = tpu.sem_alloc : memref<!tpu.dma_semaphore, #tpu.memory_space<semaphore_mem>>
      %dma_start3A = arith.constant 0 : i32
      %dma_start3A_57 = tpu.memref_slice %arg12[%add3A_8, %dma_start3A] : memref<10240x128xf32, #tpu.memory_space<vmem_shared>> -> memref<64x128xf32, #tpu.memory_space<vmem_shared>>
      %dma_start3A_58 = arith.constant 0 : i32
      %dma_start3A_59 = tpu.memref_slice %arg12[%add3A_8, %dma_start3A_58] : memref<10240x128xf32, #tpu.memory_space<vmem_shared>> -> memref<64x128xf32, #tpu.memory_space<vmem_shared>>
      tpu.enqueue_dma source(%arg8 : memref<64x128xf32, #tpu.memory_space<vmem>>) target(%dma_start3A_59 : memref<64x128xf32, #tpu.memory_space<vmem_shared>>) target_semaphore(%run_scoped3A : memref<!tpu.dma_semaphore, #tpu.memory_space<semaphore_mem>>)
      %dma_wait3A = arith.constant 0 : i32
      %dma_wait3A_60 = tpu.memref_slice %arg12[%add3A_8, %dma_wait3A] : memref<10240x128xf32, #tpu.memory_space<vmem_shared>> -> memref<64x128xf32, #tpu.memory_space<vmem_shared>>
      %dma_wait3A_61 = arith.constant 0 : i32
      %dma_wait3A_62 = tpu.memref_slice %arg12[%add3A_8, %dma_wait3A_61] : memref<10240x128xf32, #tpu.memory_space<vmem_shared>> -> memref<64x128xf32, #tpu.memory_space<vmem_shared>>
      tpu.wait_dma2 semaphore(%run_scoped3A : memref<!tpu.dma_semaphore, #tpu.memory_space<semaphore_mem>>) src(%arg8 : memref<64x128xf32, #tpu.memory_space<vmem>>) dst(%dma_wait3A_62 : memref<64x128xf32, #tpu.memory_space<vmem_shared>>)
      tpu.yield
    }) : () -> ()
    %mul3A_9 = arith.constant 640 : i32
    %mul3A_10 = arith.muli %arg1, %mul3A_9 : i32
    %add3A_11 = arith.constant 64 : i32
    %add3A_12 = arith.addi %mul3A_10, %add3A_11 : i32
    "tpu.region"() ({
      %run_scoped3A = tpu.sem_alloc : memref<!tpu.dma_semaphore, #tpu.memory_space<semaphore_mem>>
      %dma_start3A = arith.constant 0 : i32
      %dma_start3A_57 = tpu.memref_slice %arg12[%add3A_12, %dma_start3A] : memref<10240x128xf32, #tpu.memory_space<vmem_shared>> -> memref<64x128xf32, #tpu.memory_space<vmem_shared>>
      %dma_start3A_58 = arith.constant 0 : i32
      %dma_start3A_59 = tpu.memref_slice %arg12[%add3A_12, %dma_start3A_58] : memref<10240x128xf32, #tpu.memory_space<vmem_shared>> -> memref<64x128xf32, #tpu.memory_space<vmem_shared>>
      tpu.enqueue_dma source(%arg8 : memref<64x128xf32, #tpu.memory_space<vmem>>) target(%dma_start3A_59 : memref<64x128xf32, #tpu.memory_space<vmem_shared>>) target_semaphore(%run_scoped3A : memref<!tpu.dma_semaphore, #tpu.memory_space<semaphore_mem>>)
      %dma_wait3A = arith.constant 0 : i32
      %dma_wait3A_60 = tpu.memref_slice %arg12[%add3A_12, %dma_wait3A] : memref<10240x128xf32, #tpu.memory_space<vmem_shared>> -> memref<64x128xf32, #tpu.memory_space<vmem_shared>>
      %dma_wait3A_61 = arith.constant 0 : i32
      %dma_wait3A_62 = tpu.memref_slice %arg12[%add3A_12, %dma_wait3A_61] : memref<10240x128xf32, #tpu.memory_space<vmem_shared>> -> memref<64x128xf32, #tpu.memory_space<vmem_shared>>
      tpu.wait_dma2 semaphore(%run_scoped3A : memref<!tpu.dma_semaphore, #tpu.memory_space<semaphore_mem>>) src(%arg8 : memref<64x128xf32, #tpu.memory_space<vmem>>) dst(%dma_wait3A_62 : memref<64x128xf32, #tpu.memory_space<vmem_shared>>)
      tpu.yield
    }) : () -> ()
    %mul3A_13 = arith.constant 640 : i32
    %mul3A_14 = arith.muli %arg1, %mul3A_13 : i32
    %add3A_15 = arith.constant 128 : i32
    %add3A_16 = arith.addi %mul3A_14, %add3A_15 : i32
    "tpu.region"() ({
      %run_scoped3A = tpu.sem_alloc : memref<!tpu.dma_semaphore, #tpu.memory_space<semaphore_mem>>
      %dma_start3A = arith.constant 0 : i32
      %dma_start3A_57 = tpu.memref_slice %arg12[%add3A_16, %dma_start3A] : memref<10240x128xf32, #tpu.memory_space<vmem_shared>> -> memref<64x128xf32, #tpu.memory_space<vmem_shared>>
      %dma_start3A_58 = arith.constant 0 : i32
      %dma_start3A_59 = tpu.memref_slice %arg12[%add3A_16, %dma_start3A_58] : memref<10240x128xf32, #tpu.memory_space<vmem_shared>> -> memref<64x128xf32, #tpu.memory_space<vmem_shared>>
      tpu.enqueue_dma source(%arg8 : memref<64x128xf32, #tpu.memory_space<vmem>>) target(%dma_start3A_59 : memref<64x128xf32, #tpu.memory_space<vmem_shared>>) target_semaphore(%run_scoped3A : memref<!tpu.dma_semaphore, #tpu.memory_space<semaphore_mem>>)
      %dma_wait3A = arith.constant 0 : i32
      %dma_wait3A_60 = tpu.memref_slice %arg12[%add3A_16, %dma_wait3A] : memref<10240x128xf32, #tpu.memory_space<vmem_shared>> -> memref<64x128xf32, #tpu.memory_space<vmem_shared>>
      %dma_wait3A_61 = arith.constant 0 : i32
      %dma_wait3A_62 = tpu.memref_slice %arg12[%add3A_16, %dma_wait3A_61] : memref<10240x128xf32, #tpu.memory_space<vmem_shared>> -> memref<64x128xf32, #tpu.memory_space<vmem_shared>>
      tpu.wait_dma2 semaphore(%run_scoped3A : memref<!tpu.dma_semaphore, #tpu.memory_space<semaphore_mem>>) src(%arg8 : memref<64x128xf32, #tpu.memory_space<vmem>>) dst(%dma_wait3A_62 : memref<64x128xf32, #tpu.memory_space<vmem_shared>>)
      tpu.yield
    }) : () -> ()
    %mul3A_17 = arith.constant 640 : i32
    %mul3A_18 = arith.muli %arg1, %mul3A_17 : i32
    %add3A_19 = arith.constant 192 : i32
    %add3A_20 = arith.addi %mul3A_18, %add3A_19 : i32
    "tpu.region"() ({
      %run_scoped3A = tpu.sem_alloc : memref<!tpu.dma_semaphore, #tpu.memory_space<semaphore_mem>>
      %dma_start3A = arith.constant 0 : i32
      %dma_start3A_57 = tpu.memref_slice %arg12[%add3A_20, %dma_start3A] : memref<10240x128xf32, #tpu.memory_space<vmem_shared>> -> memref<64x128xf32, #tpu.memory_space<vmem_shared>>
      %dma_start3A_58 = arith.constant 0 : i32
      %dma_start3A_59 = tpu.memref_slice %arg12[%add3A_20, %dma_start3A_58] : memref<10240x128xf32, #tpu.memory_space<vmem_shared>> -> memref<64x128xf32, #tpu.memory_space<vmem_shared>>
      tpu.enqueue_dma source(%arg8 : memref<64x128xf32, #tpu.memory_space<vmem>>) target(%dma_start3A_59 : memref<64x128xf32, #tpu.memory_space<vmem_shared>>) target_semaphore(%run_scoped3A : memref<!tpu.dma_semaphore, #tpu.memory_space<semaphore_mem>>)
      %dma_wait3A = arith.constant 0 : i32
      %dma_wait3A_60 = tpu.memref_slice %arg12[%add3A_20, %dma_wait3A] : memref<10240x128xf32, #tpu.memory_space<vmem_shared>> -> memref<64x128xf32, #tpu.memory_space<vmem_shared>>
      %dma_wait3A_61 = arith.constant 0 : i32
      %dma_wait3A_62 = tpu.memref_slice %arg12[%add3A_20, %dma_wait3A_61] : memref<10240x128xf32, #tpu.memory_space<vmem_shared>> -> memref<64x128xf32, #tpu.memory_space<vmem_shared>>
      tpu.wait_dma2 semaphore(%run_scoped3A : memref<!tpu.dma_semaphore, #tpu.memory_space<semaphore_mem>>) src(%arg8 : memref<64x128xf32, #tpu.memory_space<vmem>>) dst(%dma_wait3A_62 : memref<64x128xf32, #tpu.memory_space<vmem_shared>>)
      tpu.yield
    }) : () -> ()
    %mul3A_21 = arith.constant 640 : i32
    %mul3A_22 = arith.muli %arg1, %mul3A_21 : i32
    %add3A_23 = arith.constant 256 : i32
    %add3A_24 = arith.addi %mul3A_22, %add3A_23 : i32
    "tpu.region"() ({
      %run_scoped3A = tpu.sem_alloc : memref<!tpu.dma_semaphore, #tpu.memory_space<semaphore_mem>>
      %dma_start3A = arith.constant 0 : i32
      %dma_start3A_57 = tpu.memref_slice %arg12[%add3A_24, %dma_start3A] : memref<10240x128xf32, #tpu.memory_space<vmem_shared>> -> memref<64x128xf32, #tpu.memory_space<vmem_shared>>
      %dma_start3A_58 = arith.constant 0 : i32
      %dma_start3A_59 = tpu.memref_slice %arg12[%add3A_24, %dma_start3A_58] : memref<10240x128xf32, #tpu.memory_space<vmem_shared>> -> memref<64x128xf32, #tpu.memory_space<vmem_shared>>
      tpu.enqueue_dma source(%arg8 : memref<64x128xf32, #tpu.memory_space<vmem>>) target(%dma_start3A_59 : memref<64x128xf32, #tpu.memory_space<vmem_shared>>) target_semaphore(%run_scoped3A : memref<!tpu.dma_semaphore, #tpu.memory_space<semaphore_mem>>)
      %dma_wait3A = arith.constant 0 : i32
      %dma_wait3A_60 = tpu.memref_slice %arg12[%add3A_24, %dma_wait3A] : memref<10240x128xf32, #tpu.memory_space<vmem_shared>> -> memref<64x128xf32, #tpu.memory_space<vmem_shared>>
      %dma_wait3A_61 = arith.constant 0 : i32
      %dma_wait3A_62 = tpu.memref_slice %arg12[%add3A_24, %dma_wait3A_61] : memref<10240x128xf32, #tpu.memory_space<vmem_shared>> -> memref<64x128xf32, #tpu.memory_space<vmem_shared>>
      tpu.wait_dma2 semaphore(%run_scoped3A : memref<!tpu.dma_semaphore, #tpu.memory_space<semaphore_mem>>) src(%arg8 : memref<64x128xf32, #tpu.memory_space<vmem>>) dst(%dma_wait3A_62 : memref<64x128xf32, #tpu.memory_space<vmem_shared>>)
      tpu.yield
    }) : () -> ()
    %mul3A_25 = arith.constant 640 : i32
    %mul3A_26 = arith.muli %arg1, %mul3A_25 : i32
    %add3A_27 = arith.constant 320 : i32
    %add3A_28 = arith.addi %mul3A_26, %add3A_27 : i32
    "tpu.region"() ({
      %run_scoped3A = tpu.sem_alloc : memref<!tpu.dma_semaphore, #tpu.memory_space<semaphore_mem>>
      %dma_start3A = arith.constant 0 : i32
      %dma_start3A_57 = tpu.memref_slice %arg12[%add3A_28, %dma_start3A] : memref<10240x128xf32, #tpu.memory_space<vmem_shared>> -> memref<64x128xf32, #tpu.memory_space<vmem_shared>>
      %dma_start3A_58 = arith.constant 0 : i32
      %dma_start3A_59 = tpu.memref_slice %arg12[%add3A_28, %dma_start3A_58] : memref<10240x128xf32, #tpu.memory_space<vmem_shared>> -> memref<64x128xf32, #tpu.memory_space<vmem_shared>>
      tpu.enqueue_dma source(%arg8 : memref<64x128xf32, #tpu.memory_space<vmem>>) target(%dma_start3A_59 : memref<64x128xf32, #tpu.memory_space<vmem_shared>>) target_semaphore(%run_scoped3A : memref<!tpu.dma_semaphore, #tpu.memory_space<semaphore_mem>>)
      %dma_wait3A = arith.constant 0 : i32
      %dma_wait3A_60 = tpu.memref_slice %arg12[%add3A_28, %dma_wait3A] : memref<10240x128xf32, #tpu.memory_space<vmem_shared>> -> memref<64x128xf32, #tpu.memory_space<vmem_shared>>
      %dma_wait3A_61 = arith.constant 0 : i32
      %dma_wait3A_62 = tpu.memref_slice %arg12[%add3A_28, %dma_wait3A_61] : memref<10240x128xf32, #tpu.memory_space<vmem_shared>> -> memref<64x128xf32, #tpu.memory_space<vmem_shared>>
      tpu.wait_dma2 semaphore(%run_scoped3A : memref<!tpu.dma_semaphore, #tpu.memory_space<semaphore_mem>>) src(%arg8 : memref<64x128xf32, #tpu.memory_space<vmem>>) dst(%dma_wait3A_62 : memref<64x128xf32, #tpu.memory_space<vmem_shared>>)
      tpu.yield
    }) : () -> ()
    %mul3A_29 = arith.constant 640 : i32
    %mul3A_30 = arith.muli %arg1, %mul3A_29 : i32
    %add3A_31 = arith.constant 384 : i32
    %add3A_32 = arith.addi %mul3A_30, %add3A_31 : i32
    "tpu.region"() ({
      %run_scoped3A = tpu.sem_alloc : memref<!tpu.dma_semaphore, #tpu.memory_space<semaphore_mem>>
      %dma_start3A = arith.constant 0 : i32
      %dma_start3A_57 = tpu.memref_slice %arg12[%add3A_32, %dma_start3A] : memref<10240x128xf32, #tpu.memory_space<vmem_shared>> -> memref<64x128xf32, #tpu.memory_space<vmem_shared>>
      %dma_start3A_58 = arith.constant 0 : i32
      %dma_start3A_59 = tpu.memref_slice %arg12[%add3A_32, %dma_start3A_58] : memref<10240x128xf32, #tpu.memory_space<vmem_shared>> -> memref<64x128xf32, #tpu.memory_space<vmem_shared>>
      tpu.enqueue_dma source(%arg8 : memref<64x128xf32, #tpu.memory_space<vmem>>) target(%dma_start3A_59 : memref<64x128xf32, #tpu.memory_space<vmem_shared>>) target_semaphore(%run_scoped3A : memref<!tpu.dma_semaphore, #tpu.memory_space<semaphore_mem>>)
      %dma_wait3A = arith.constant 0 : i32
      %dma_wait3A_60 = tpu.memref_slice %arg12[%add3A_32, %dma_wait3A] : memref<10240x128xf32, #tpu.memory_space<vmem_shared>> -> memref<64x128xf32, #tpu.memory_space<vmem_shared>>
      %dma_wait3A_61 = arith.constant 0 : i32
      %dma_wait3A_62 = tpu.memref_slice %arg12[%add3A_32, %dma_wait3A_61] : memref<10240x128xf32, #tpu.memory_space<vmem_shared>> -> memref<64x128xf32, #tpu.memory_space<vmem_shared>>
      tpu.wait_dma2 semaphore(%run_scoped3A : memref<!tpu.dma_semaphore, #tpu.memory_space<semaphore_mem>>) src(%arg8 : memref<64x128xf32, #tpu.memory_space<vmem>>) dst(%dma_wait3A_62 : memref<64x128xf32, #tpu.memory_space<vmem_shared>>)
      tpu.yield
    }) : () -> ()
    %mul3A_33 = arith.constant 640 : i32
    %mul3A_34 = arith.muli %arg1, %mul3A_33 : i32
    %add3A_35 = arith.constant 448 : i32
    %add3A_36 = arith.addi %mul3A_34, %add3A_35 : i32
    "tpu.region"() ({
      %run_scoped3A = tpu.sem_alloc : memref<!tpu.dma_semaphore, #tpu.memory_space<semaphore_mem>>
      %dma_start3A = arith.constant 0 : i32
      %dma_start3A_57 = tpu.memref_slice %arg12[%add3A_36, %dma_start3A] : memref<10240x128xf32, #tpu.memory_space<vmem_shared>> -> memref<64x128xf32, #tpu.memory_space<vmem_shared>>
      %dma_start3A_58 = arith.constant 0 : i32
      %dma_start3A_59 = tpu.memref_slice %arg12[%add3A_36, %dma_start3A_58] : memref<10240x128xf32, #tpu.memory_space<vmem_shared>> -> memref<64x128xf32, #tpu.memory_space<vmem_shared>>
      tpu.enqueue_dma source(%arg8 : memref<64x128xf32, #tpu.memory_space<vmem>>) target(%dma_start3A_59 : memref<64x128xf32, #tpu.memory_space<vmem_shared>>) target_semaphore(%run_scoped3A : memref<!tpu.dma_semaphore, #tpu.memory_space<semaphore_mem>>)
      %dma_wait3A = arith.constant 0 : i32
      %dma_wait3A_60 = tpu.memref_slice %arg12[%add3A_36, %dma_wait3A] : memref<10240x128xf32, #tpu.memory_space<vmem_shared>> -> memref<64x128xf32, #tpu.memory_space<vmem_shared>>
      %dma_wait3A_61 = arith.constant 0 : i32
      %dma_wait3A_62 = tpu.memref_slice %arg12[%add3A_36, %dma_wait3A_61] : memref<10240x128xf32, #tpu.memory_space<vmem_shared>> -> memref<64x128xf32, #tpu.memory_space<vmem_shared>>
      tpu.wait_dma2 semaphore(%run_scoped3A : memref<!tpu.dma_semaphore, #tpu.memory_space<semaphore_mem>>) src(%arg8 : memref<64x128xf32, #tpu.memory_space<vmem>>) dst(%dma_wait3A_62 : memref<64x128xf32, #tpu.memory_space<vmem_shared>>)
      tpu.yield
    }) : () -> ()
    %mul3A_37 = arith.constant 640 : i32
    %mul3A_38 = arith.muli %arg1, %mul3A_37 : i32
    %add3A_39 = arith.constant 512 : i32
    %add3A_40 = arith.addi %mul3A_38, %add3A_39 : i32
    "tpu.region"() ({
      %run_scoped3A = tpu.sem_alloc : memref<!tpu.dma_semaphore, #tpu.memory_space<semaphore_mem>>
      %dma_start3A = arith.constant 0 : i32
      %dma_start3A_57 = tpu.memref_slice %arg12[%add3A_40, %dma_start3A] : memref<10240x128xf32, #tpu.memory_space<vmem_shared>> -> memref<64x128xf32, #tpu.memory_space<vmem_shared>>
      %dma_start3A_58 = arith.constant 0 : i32
      %dma_start3A_59 = tpu.memref_slice %arg12[%add3A_40, %dma_start3A_58] : memref<10240x128xf32, #tpu.memory_space<vmem_shared>> -> memref<64x128xf32, #tpu.memory_space<vmem_shared>>
      tpu.enqueue_dma source(%arg8 : memref<64x128xf32, #tpu.memory_space<vmem>>) target(%dma_start3A_59 : memref<64x128xf32, #tpu.memory_space<vmem_shared>>) target_semaphore(%run_scoped3A : memref<!tpu.dma_semaphore, #tpu.memory_space<semaphore_mem>>)
      %dma_wait3A = arith.constant 0 : i32
      %dma_wait3A_60 = tpu.memref_slice %arg12[%add3A_40, %dma_wait3A] : memref<10240x128xf32, #tpu.memory_space<vmem_shared>> -> memref<64x128xf32, #tpu.memory_space<vmem_shared>>
      %dma_wait3A_61 = arith.constant 0 : i32
      %dma_wait3A_62 = tpu.memref_slice %arg12[%add3A_40, %dma_wait3A_61] : memref<10240x128xf32, #tpu.memory_space<vmem_shared>> -> memref<64x128xf32, #tpu.memory_space<vmem_shared>>
      tpu.wait_dma2 semaphore(%run_scoped3A : memref<!tpu.dma_semaphore, #tpu.memory_space<semaphore_mem>>) src(%arg8 : memref<64x128xf32, #tpu.memory_space<vmem>>) dst(%dma_wait3A_62 : memref<64x128xf32, #tpu.memory_space<vmem_shared>>)
      tpu.yield
    }) : () -> ()
    %mul3A_41 = arith.constant 640 : i32
    %mul3A_42 = arith.muli %arg1, %mul3A_41 : i32
    %add3A_43 = arith.constant 576 : i32
    %add3A_44 = arith.addi %mul3A_42, %add3A_43 : i32
    "tpu.region"() ({
      %run_scoped3A = tpu.sem_alloc : memref<!tpu.dma_semaphore, #tpu.memory_space<semaphore_mem>>
      %dma_start3A = arith.constant 0 : i32
      %dma_start3A_57 = tpu.memref_slice %arg12[%add3A_44, %dma_start3A] : memref<10240x128xf32, #tpu.memory_space<vmem_shared>> -> memref<64x128xf32, #tpu.memory_space<vmem_shared>>
      %dma_start3A_58 = arith.constant 0 : i32
      %dma_start3A_59 = tpu.memref_slice %arg12[%add3A_44, %dma_start3A_58] : memref<10240x128xf32, #tpu.memory_space<vmem_shared>> -> memref<64x128xf32, #tpu.memory_space<vmem_shared>>
      tpu.enqueue_dma source(%arg8 : memref<64x128xf32, #tpu.memory_space<vmem>>) target(%dma_start3A_59 : memref<64x128xf32, #tpu.memory_space<vmem_shared>>) target_semaphore(%run_scoped3A : memref<!tpu.dma_semaphore, #tpu.memory_space<semaphore_mem>>)
      %dma_wait3A = arith.constant 0 : i32
      %dma_wait3A_60 = tpu.memref_slice %arg12[%add3A_44, %dma_wait3A] : memref<10240x128xf32, #tpu.memory_space<vmem_shared>> -> memref<64x128xf32, #tpu.memory_space<vmem_shared>>
      %dma_wait3A_61 = arith.constant 0 : i32
      %dma_wait3A_62 = tpu.memref_slice %arg12[%add3A_44, %dma_wait3A_61] : memref<10240x128xf32, #tpu.memory_space<vmem_shared>> -> memref<64x128xf32, #tpu.memory_space<vmem_shared>>
      tpu.wait_dma2 semaphore(%run_scoped3A : memref<!tpu.dma_semaphore, #tpu.memory_space<semaphore_mem>>) src(%arg8 : memref<64x128xf32, #tpu.memory_space<vmem>>) dst(%dma_wait3A_62 : memref<64x128xf32, #tpu.memory_space<vmem_shared>>)
      tpu.yield
    }) : () -> ()
    %barrier3A = arith.constant 0 : index
    tpu.barrier barrier_id(%barrier3A)
    %scan3A_45 = arith.constant 0 : i32
    %scan3A_46 = arith.constant 0 : i32
    %scan3A_47 = arith.constant 8 : i32
    %scan3A_48 = arith.addi %scan3A_46, %scan3A_47 : i32
    %scan3A_49 = arith.constant 1 : i32
    %scan3A_50 = scf.for %scan3A_57 = %scan3A_46 to %scan3A_48 step %scan3A_49 iter_args(%scan3A_58 = %scan3A_45) -> (i32)  : i32 {
      "tpu.region"() ({
        %run_scoped3A = tpu.sem_alloc : memref<!tpu.dma_semaphore, #tpu.memory_space<semaphore_mem>>
        %dma_start3A_107 = arith.constant 0 : i32
        %dma_start3A_108 = arith.constant 0 : i32
        %dma_start3A_109 = tpu.memref_slice %arg2[%arg1, %scan3A_57, %dma_start3A_107, %dma_start3A_108] : memref<16x8x40x64xi32, #tpu.memory_space<hbm>> -> memref<1x1x40x64xi32, #tpu.memory_space<hbm>>
        %dma_start3A_110 = tpu.memref_squeeze %dma_start3A_109 : memref<1x1x40x64xi32, #tpu.memory_space<hbm>> -> memref<40x64xi32, #tpu.memory_space<hbm>>
        %dma_start3A_111 = arith.constant 0 : i32
        %dma_start3A_112 = arith.constant 0 : i32
        %dma_start3A_113 = tpu.memref_slice %arg2[%arg1, %scan3A_57, %dma_start3A_111, %dma_start3A_112] : memref<16x8x40x64xi32, #tpu.memory_space<hbm>> -> memref<1x1x40x64xi32, #tpu.memory_space<hbm>>
        %dma_start3A_114 = tpu.memref_squeeze %dma_start3A_113 : memref<1x1x40x64xi32, #tpu.memory_space<hbm>> -> memref<40x64xi32, #tpu.memory_space<hbm>>
        tpu.enqueue_dma source(%dma_start3A_114 : memref<40x64xi32, #tpu.memory_space<hbm>>) target(%arg6 : memref<40x64xi32, #tpu.memory_space<vmem>>) target_semaphore(%run_scoped3A : memref<!tpu.dma_semaphore, #tpu.memory_space<semaphore_mem>>)
        %dma_wait3A_115 = arith.constant 0 : i32
        %dma_wait3A_116 = arith.constant 0 : i32
        %dma_wait3A_117 = tpu.memref_slice %arg2[%arg1, %scan3A_57, %dma_wait3A_115, %dma_wait3A_116] : memref<16x8x40x64xi32, #tpu.memory_space<hbm>> -> memref<1x1x40x64xi32, #tpu.memory_space<hbm>>
        %dma_wait3A_118 = tpu.memref_squeeze %dma_wait3A_117 : memref<1x1x40x64xi32, #tpu.memory_space<hbm>> -> memref<40x64xi32, #tpu.memory_space<hbm>>
        %dma_wait3A_119 = arith.constant 0 : i32
        %dma_wait3A_120 = arith.constant 0 : i32
        %dma_wait3A_121 = tpu.memref_slice %arg2[%arg1, %scan3A_57, %dma_wait3A_119, %dma_wait3A_120] : memref<16x8x40x64xi32, #tpu.memory_space<hbm>> -> memref<1x1x40x64xi32, #tpu.memory_space<hbm>>
        %dma_wait3A_122 = tpu.memref_squeeze %dma_wait3A_121 : memref<1x1x40x64xi32, #tpu.memory_space<hbm>> -> memref<40x64xi32, #tpu.memory_space<hbm>>
        tpu.wait_dma2 semaphore(%run_scoped3A : memref<!tpu.dma_semaphore, #tpu.memory_space<semaphore_mem>>) src(%dma_wait3A_122 : memref<40x64xi32, #tpu.memory_space<hbm>>) dst(%arg6 : memref<40x64xi32, #tpu.memory_space<vmem>>)
        tpu.yield
      }) : () -> ()
      "tpu.region"() ({
        %run_scoped3A = tpu.sem_alloc : memref<!tpu.dma_semaphore, #tpu.memory_space<semaphore_mem>>
        %dma_start3A_107 = arith.constant 0 : i32
        %dma_start3A_108 = arith.constant 0 : i32
        %dma_start3A_109 = tpu.memref_slice %arg3[%arg1, %scan3A_57, %dma_start3A_107, %dma_start3A_108] : memref<16x8x40x64xi32, #tpu.memory_space<hbm>> -> memref<1x1x40x64xi32, #tpu.memory_space<hbm>>
        %dma_start3A_110 = tpu.memref_squeeze %dma_start3A_109 : memref<1x1x40x64xi32, #tpu.memory_space<hbm>> -> memref<40x64xi32, #tpu.memory_space<hbm>>
        %dma_start3A_111 = arith.constant 0 : i32
        %dma_start3A_112 = arith.constant 0 : i32
        %dma_start3A_113 = tpu.memref_slice %arg3[%arg1, %scan3A_57, %dma_start3A_111, %dma_start3A_112] : memref<16x8x40x64xi32, #tpu.memory_space<hbm>> -> memref<1x1x40x64xi32, #tpu.memory_space<hbm>>
        %dma_start3A_114 = tpu.memref_squeeze %dma_start3A_113 : memref<1x1x40x64xi32, #tpu.memory_space<hbm>> -> memref<40x64xi32, #tpu.memory_space<hbm>>
        tpu.enqueue_dma source(%dma_start3A_114 : memref<40x64xi32, #tpu.memory_space<hbm>>) target(%arg7 : memref<40x64xi32, #tpu.memory_space<vmem>>) target_semaphore(%run_scoped3A : memref<!tpu.dma_semaphore, #tpu.memory_space<semaphore_mem>>)
        %dma_wait3A_115 = arith.constant 0 : i32
        %dma_wait3A_116 = arith.constant 0 : i32
        %dma_wait3A_117 = tpu.memref_slice %arg3[%arg1, %scan3A_57, %dma_wait3A_115, %dma_wait3A_116] : memref<16x8x40x64xi32, #tpu.memory_space<hbm>> -> memref<1x1x40x64xi32, #tpu.memory_space<hbm>>
        %dma_wait3A_118 = tpu.memref_squeeze %dma_wait3A_117 : memref<1x1x40x64xi32, #tpu.memory_space<hbm>> -> memref<40x64xi32, #tpu.memory_space<hbm>>
        %dma_wait3A_119 = arith.constant 0 : i32
        %dma_wait3A_120 = arith.constant 0 : i32
        %dma_wait3A_121 = tpu.memref_slice %arg3[%arg1, %scan3A_57, %dma_wait3A_119, %dma_wait3A_120] : memref<16x8x40x64xi32, #tpu.memory_space<hbm>> -> memref<1x1x40x64xi32, #tpu.memory_space<hbm>>
        %dma_wait3A_122 = tpu.memref_squeeze %dma_wait3A_121 : memref<1x1x40x64xi32, #tpu.memory_space<hbm>> -> memref<40x64xi32, #tpu.memory_space<hbm>>
        tpu.wait_dma2 semaphore(%run_scoped3A : memref<!tpu.dma_semaphore, #tpu.memory_space<semaphore_mem>>) src(%dma_wait3A_122 : memref<40x64xi32, #tpu.memory_space<hbm>>) dst(%arg7 : memref<40x64xi32, #tpu.memory_space<vmem>>)
        tpu.yield
      }) : () -> ()
      %dma_start3A = arith.constant 0 : i32
      %dma_start3A_59 = arith.constant 0 : i32
      %dma_start3A_60 = tpu.memref_slice %arg6[%dma_start3A, %dma_start3A_59] : memref<40x64xi32, #tpu.memory_space<vmem>> -> memref<1x64xi32, #tpu.memory_space<vmem>>
      %dma_start3A_61 = tpu.memref_squeeze %dma_start3A_60 : memref<1x64xi32, #tpu.memory_space<vmem>> -> memref<64xi32, #tpu.memory_space<vmem>>
      %dma_start3A_62 = arith.constant 0 : i32
      %dma_start3A_63 = arith.constant 0 : i32
      %dma_start3A_64 = tpu.memref_slice %arg4[%dma_start3A_62, %dma_start3A_63] : memref<10000x128xf32, #tpu.memory_space<hbm>> -> memref<10000x128xf32, #tpu.memory_space<hbm>>
      tpu.enqueue_indirect_dma source(%dma_start3A_64 : memref<10000x128xf32, #tpu.memory_space<hbm>>) target(%arg8 : memref<64x128xf32, #tpu.memory_space<vmem>>) offsets(%dma_start3A_61 : memref<64xi32, #tpu.memory_space<vmem>>) semaphore(%arg13 : memref<!tpu.dma_semaphore, #tpu.memory_space<semaphore_mem>>)
      %dma_start3A_65 = arith.constant 1 : i32
      %dma_start3A_66 = arith.constant 0 : i32
      %dma_start3A_67 = tpu.memref_slice %arg6[%dma_start3A_65, %dma_start3A_66] : memref<40x64xi32, #tpu.memory_space<vmem>> -> memref<1x64xi32, #tpu.memory_space<vmem>>
      %dma_start3A_68 = tpu.memref_squeeze %dma_start3A_67 : memref<1x64xi32, #tpu.memory_space<vmem>> -> memref<64xi32, #tpu.memory_space<vmem>>
      %dma_start3A_69 = arith.constant 0 : i32
      %dma_start3A_70 = arith.constant 0 : i32
      %dma_start3A_71 = tpu.memref_slice %arg4[%dma_start3A_69, %dma_start3A_70] : memref<10000x128xf32, #tpu.memory_space<hbm>> -> memref<10000x128xf32, #tpu.memory_space<hbm>>
      tpu.enqueue_indirect_dma source(%dma_start3A_71 : memref<10000x128xf32, #tpu.memory_space<hbm>>) target(%arg9 : memref<64x128xf32, #tpu.memory_space<vmem>>) offsets(%dma_start3A_68 : memref<64xi32, #tpu.memory_space<vmem>>) semaphore(%arg14 : memref<!tpu.dma_semaphore, #tpu.memory_space<semaphore_mem>>)
      %scan3A_72 = arith.constant 0 : i32
      %scan3A_73 = arith.constant 0 : i32
      %scan3A_74 = arith.constant 10 : i32
      %scan3A_75 = arith.addi %scan3A_73, %scan3A_74 : i32
      %scan3A_76 = arith.constant 1 : i32
      %scan3A_77 = scf.for %scan3A_107 = %scan3A_73 to %scan3A_75 step %scan3A_76 iter_args(%scan3A_108 = %scan3A_72) -> (i32)  : i32 {
        %mul3A_109 = arith.constant 4 : i32
        %mul3A_110 = arith.muli %mul3A_109, %scan3A_107 : i32
        %add3A_111 = arith.constant 0 : i32
        %add3A_112 = arith.addi %mul3A_110, %add3A_111 : i32
        %dma_wait3A_113 = arith.constant 0 : i32
        %dma_wait3A_114 = tpu.memref_slice %arg6[%add3A_112, %dma_wait3A_113] : memref<40x64xi32, #tpu.memory_space<vmem>> -> memref<1x64xi32, #tpu.memory_space<vmem>>
        %dma_wait3A_115 = tpu.memref_squeeze %dma_wait3A_114 : memref<1x64xi32, #tpu.memory_space<vmem>> -> memref<64xi32, #tpu.memory_space<vmem>>
        %dma_wait3A_116 = arith.constant 0 : i32
        %dma_wait3A_117 = arith.constant 0 : i32
        %dma_wait3A_118 = tpu.memref_slice %arg4[%dma_wait3A_116, %dma_wait3A_117] : memref<10000x128xf32, #tpu.memory_space<hbm>> -> memref<10000x128xf32, #tpu.memory_space<hbm>>
        tpu.wait_indirect_dma semaphore(%arg13 : memref<!tpu.dma_semaphore, #tpu.memory_space<semaphore_mem>>) src(%dma_wait3A_118 : memref<10000x128xf32, #tpu.memory_space<hbm>>) dst(%arg8 : memref<64x128xf32, #tpu.memory_space<vmem>>)
        %dma_start3A_119 = arith.constant 0 : i32
        %dma_start3A_120 = tpu.memref_slice %arg7[%add3A_112, %dma_start3A_119] : memref<40x64xi32, #tpu.memory_space<vmem>> -> memref<1x64xi32, #tpu.memory_space<vmem>>
        %dma_start3A_121 = tpu.memref_squeeze %dma_start3A_120 : memref<1x64xi32, #tpu.memory_space<vmem>> -> memref<64xi32, #tpu.memory_space<vmem>>
        %dma_start3A_122 = arith.constant 0 : i32
        %dma_start3A_123 = arith.constant 0 : i32
        %dma_start3A_124 = tpu.memref_slice %arg12[%dma_start3A_122, %dma_start3A_123] : memref<10240x128xf32, #tpu.memory_space<vmem_shared>> -> memref<10240x128xf32, #tpu.memory_space<vmem_shared>>
        tpu.enqueue_indirect_dma source(%arg8 : memref<64x128xf32, #tpu.memory_space<vmem>>) target(%dma_start3A_124 : memref<10240x128xf32, #tpu.memory_space<vmem_shared>>) offsets(%dma_start3A_121 : memref<64xi32, #tpu.memory_space<vmem>>) semaphore(%arg17 : memref<!tpu.dma_semaphore, #tpu.memory_space<semaphore_mem>>) {add = true}
        %gt3A = arith.constant 0 : i32
        %gt3A_125 = arith.cmpi sgt, %scan3A_107, %gt3A : i32
        %convert_element_type3A = arith.extui %gt3A_125 : i1 to i32
        %cond3A = arith.constant 0 : i32
        %cond3A_126 = arith.cmpi ne, %convert_element_type3A, %cond3A : i32
        scf.if %cond3A_126 {
          %sub3A = arith.constant 2 : i32
          %sub3A_206 = arith.subi %add3A_112, %sub3A : i32
          %dma_wait3A_207 = arith.constant 0 : i32
          %dma_wait3A_208 = tpu.memref_slice %arg7[%sub3A_206, %dma_wait3A_207] : memref<40x64xi32, #tpu.memory_space<vmem>> -> memref<1x64xi32, #tpu.memory_space<vmem>>
          %dma_wait3A_209 = tpu.memref_squeeze %dma_wait3A_208 : memref<1x64xi32, #tpu.memory_space<vmem>> -> memref<64xi32, #tpu.memory_space<vmem>>
          %dma_wait3A_210 = arith.constant 0 : i32
          %dma_wait3A_211 = arith.constant 0 : i32
          %dma_wait3A_212 = tpu.memref_slice %arg12[%dma_wait3A_210, %dma_wait3A_211] : memref<10240x128xf32, #tpu.memory_space<vmem_shared>> -> memref<10240x128xf32, #tpu.memory_space<vmem_shared>>
          tpu.wait_indirect_dma semaphore(%arg19 : memref<!tpu.dma_semaphore, #tpu.memory_space<semaphore_mem>>) src(%arg10 : memref<64x128xf32, #tpu.memory_space<vmem>>) dst(%dma_wait3A_212 : memref<10240x128xf32, #tpu.memory_space<vmem_shared>>)
        } else {
        }
        %add3A_127 = arith.constant 2 : i32
        %add3A_128 = arith.addi %add3A_112, %add3A_127 : i32
        %dma_start3A_129 = arith.constant 0 : i32
        %dma_start3A_130 = tpu.memref_slice %arg6[%add3A_128, %dma_start3A_129] : memref<40x64xi32, #tpu.memory_space<vmem>> -> memref<1x64xi32, #tpu.memory_space<vmem>>
        %dma_start3A_131 = tpu.memref_squeeze %dma_start3A_130 : memref<1x64xi32, #tpu.memory_space<vmem>> -> memref<64xi32, #tpu.memory_space<vmem>>
        %dma_start3A_132 = arith.constant 0 : i32
        %dma_start3A_133 = arith.constant 0 : i32
        %dma_start3A_134 = tpu.memref_slice %arg4[%dma_start3A_132, %dma_start3A_133] : memref<10000x128xf32, #tpu.memory_space<hbm>> -> memref<10000x128xf32, #tpu.memory_space<hbm>>
        tpu.enqueue_indirect_dma source(%dma_start3A_134 : memref<10000x128xf32, #tpu.memory_space<hbm>>) target(%arg10 : memref<64x128xf32, #tpu.memory_space<vmem>>) offsets(%dma_start3A_131 : memref<64xi32, #tpu.memory_space<vmem>>) semaphore(%arg15 : memref<!tpu.dma_semaphore, #tpu.memory_space<semaphore_mem>>)
        %mul3A_135 = arith.constant 4 : i32
        %mul3A_136 = arith.muli %mul3A_135, %scan3A_107 : i32
        %add3A_137 = arith.constant 1 : i32
        %add3A_138 = arith.addi %mul3A_136, %add3A_137 : i32
        %dma_wait3A_139 = arith.constant 0 : i32
        %dma_wait3A_140 = tpu.memref_slice %arg6[%add3A_138, %dma_wait3A_139] : memref<40x64xi32, #tpu.memory_space<vmem>> -> memref<1x64xi32, #tpu.memory_space<vmem>>
        %dma_wait3A_141 = tpu.memref_squeeze %dma_wait3A_140 : memref<1x64xi32, #tpu.memory_space<vmem>> -> memref<64xi32, #tpu.memory_space<vmem>>
        %dma_wait3A_142 = arith.constant 0 : i32
        %dma_wait3A_143 = arith.constant 0 : i32
        %dma_wait3A_144 = tpu.memref_slice %arg4[%dma_wait3A_142, %dma_wait3A_143] : memref<10000x128xf32, #tpu.memory_space<hbm>> -> memref<10000x128xf32, #tpu.memory_space<hbm>>
        tpu.wait_indirect_dma semaphore(%arg14 : memref<!tpu.dma_semaphore, #tpu.memory_space<semaphore_mem>>) src(%dma_wait3A_144 : memref<10000x128xf32, #tpu.memory_space<hbm>>) dst(%arg9 : memref<64x128xf32, #tpu.memory_space<vmem>>)
        %dma_start3A_145 = arith.constant 0 : i32
        %dma_start3A_146 = tpu.memref_slice %arg7[%add3A_138, %dma_start3A_145] : memref<40x64xi32, #tpu.memory_space<vmem>> -> memref<1x64xi32, #tpu.memory_space<vmem>>
        %dma_start3A_147 = tpu.memref_squeeze %dma_start3A_146 : memref<1x64xi32, #tpu.memory_space<vmem>> -> memref<64xi32, #tpu.memory_space<vmem>>
        %dma_start3A_148 = arith.constant 0 : i32
        %dma_start3A_149 = arith.constant 0 : i32
        %dma_start3A_150 = tpu.memref_slice %arg12[%dma_start3A_148, %dma_start3A_149] : memref<10240x128xf32, #tpu.memory_space<vmem_shared>> -> memref<10240x128xf32, #tpu.memory_space<vmem_shared>>
        tpu.enqueue_indirect_dma source(%arg9 : memref<64x128xf32, #tpu.memory_space<vmem>>) target(%dma_start3A_150 : memref<10240x128xf32, #tpu.memory_space<vmem_shared>>) offsets(%dma_start3A_147 : memref<64xi32, #tpu.memory_space<vmem>>) semaphore(%arg18 : memref<!tpu.dma_semaphore, #tpu.memory_space<semaphore_mem>>) {add = true}
        %gt3A_151 = arith.constant 0 : i32
        %gt3A_152 = arith.cmpi sgt, %scan3A_107, %gt3A_151 : i32
        %convert_element_type3A_153 = arith.extui %gt3A_152 : i1 to i32
        %cond3A_154 = arith.constant 0 : i32
        %cond3A_155 = arith.cmpi ne, %convert_element_type3A_153, %cond3A_154 : i32
        scf.if %cond3A_155 {
          %sub3A = arith.constant 2 : i32
          %sub3A_206 = arith.subi %add3A_138, %sub3A : i32
          %dma_wait3A_207 = arith.constant 0 : i32
          %dma_wait3A_208 = tpu.memref_slice %arg7[%sub3A_206, %dma_wait3A_207] : memref<40x64xi32, #tpu.memory_space<vmem>> -> memref<1x64xi32, #tpu.memory_space<vmem>>
          %dma_wait3A_209 = tpu.memref_squeeze %dma_wait3A_208 : memref<1x64xi32, #tpu.memory_space<vmem>> -> memref<64xi32, #tpu.memory_space<vmem>>
          %dma_wait3A_210 = arith.constant 0 : i32
          %dma_wait3A_211 = arith.constant 0 : i32
          %dma_wait3A_212 = tpu.memref_slice %arg12[%dma_wait3A_210, %dma_wait3A_211] : memref<10240x128xf32, #tpu.memory_space<vmem_shared>> -> memref<10240x128xf32, #tpu.memory_space<vmem_shared>>
          tpu.wait_indirect_dma semaphore(%arg20 : memref<!tpu.dma_semaphore, #tpu.memory_space<semaphore_mem>>) src(%arg11 : memref<64x128xf32, #tpu.memory_space<vmem>>) dst(%dma_wait3A_212 : memref<10240x128xf32, #tpu.memory_space<vmem_shared>>)
        } else {
        }
        %add3A_156 = arith.constant 2 : i32
        %add3A_157 = arith.addi %add3A_138, %add3A_156 : i32
        %dma_start3A_158 = arith.constant 0 : i32
        %dma_start3A_159 = tpu.memref_slice %arg6[%add3A_157, %dma_start3A_158] : memref<40x64xi32, #tpu.memory_space<vmem>> -> memref<1x64xi32, #tpu.memory_space<vmem>>
        %dma_start3A_160 = tpu.memref_squeeze %dma_start3A_159 : memref<1x64xi32, #tpu.memory_space<vmem>> -> memref<64xi32, #tpu.memory_space<vmem>>
        %dma_start3A_161 = arith.constant 0 : i32
        %dma_start3A_162 = arith.constant 0 : i32
        %dma_start3A_163 = tpu.memref_slice %arg4[%dma_start3A_161, %dma_start3A_162] : memref<10000x128xf32, #tpu.memory_space<hbm>> -> memref<10000x128xf32, #tpu.memory_space<hbm>>
        tpu.enqueue_indirect_dma source(%dma_start3A_163 : memref<10000x128xf32, #tpu.memory_space<hbm>>) target(%arg11 : memref<64x128xf32, #tpu.memory_space<vmem>>) offsets(%dma_start3A_160 : memref<64xi32, #tpu.memory_space<vmem>>) semaphore(%arg16 : memref<!tpu.dma_semaphore, #tpu.memory_space<semaphore_mem>>)
        %mul3A_164 = arith.constant 4 : i32
        %mul3A_165 = arith.muli %mul3A_164, %scan3A_107 : i32
        %add3A_166 = arith.constant 2 : i32
        %add3A_167 = arith.addi %mul3A_165, %add3A_166 : i32
        %dma_wait3A_168 = arith.constant 0 : i32
        %dma_wait3A_169 = tpu.memref_slice %arg6[%add3A_167, %dma_wait3A_168] : memref<40x64xi32, #tpu.memory_space<vmem>> -> memref<1x64xi32, #tpu.memory_space<vmem>>
        %dma_wait3A_170 = tpu.memref_squeeze %dma_wait3A_169 : memref<1x64xi32, #tpu.memory_space<vmem>> -> memref<64xi32, #tpu.memory_space<vmem>>
        %dma_wait3A_171 = arith.constant 0 : i32
        %dma_wait3A_172 = arith.constant 0 : i32
        %dma_wait3A_173 = tpu.memref_slice %arg4[%dma_wait3A_171, %dma_wait3A_172] : memref<10000x128xf32, #tpu.memory_space<hbm>> -> memref<10000x128xf32, #tpu.memory_space<hbm>>
        tpu.wait_indirect_dma semaphore(%arg15 : memref<!tpu.dma_semaphore, #tpu.memory_space<semaphore_mem>>) src(%dma_wait3A_173 : memref<10000x128xf32, #tpu.memory_space<hbm>>) dst(%arg10 : memref<64x128xf32, #tpu.memory_space<vmem>>)
        %dma_start3A_174 = arith.constant 0 : i32
        %dma_start3A_175 = tpu.memref_slice %arg7[%add3A_167, %dma_start3A_174] : memref<40x64xi32, #tpu.memory_space<vmem>> -> memref<1x64xi32, #tpu.memory_space<vmem>>
        %dma_start3A_176 = tpu.memref_squeeze %dma_start3A_175 : memref<1x64xi32, #tpu.memory_space<vmem>> -> memref<64xi32, #tpu.memory_space<vmem>>
        %dma_start3A_177 = arith.constant 0 : i32
        %dma_start3A_178 = arith.constant 0 : i32
        %dma_start3A_179 = tpu.memref_slice %arg12[%dma_start3A_177, %dma_start3A_178] : memref<10240x128xf32, #tpu.memory_space<vmem_shared>> -> memref<10240x128xf32, #tpu.memory_space<vmem_shared>>
        tpu.enqueue_indirect_dma source(%arg10 : memref<64x128xf32, #tpu.memory_space<vmem>>) target(%dma_start3A_179 : memref<10240x128xf32, #tpu.memory_space<vmem_shared>>) offsets(%dma_start3A_176 : memref<64xi32, #tpu.memory_space<vmem>>) semaphore(%arg19 : memref<!tpu.dma_semaphore, #tpu.memory_space<semaphore_mem>>) {add = true}
        %lt3A = arith.constant 9 : i32
        %lt3A_180 = arith.cmpi slt, %scan3A_107, %lt3A : i32
        %convert_element_type3A_181 = arith.extui %lt3A_180 : i1 to i32
        %cond3A_182 = arith.constant 0 : i32
        %cond3A_183 = arith.cmpi ne, %convert_element_type3A_181, %cond3A_182 : i32
        scf.if %cond3A_183 {
          %sub3A = arith.constant 2 : i32
          %sub3A_206 = arith.subi %add3A_167, %sub3A : i32
          %dma_wait3A_207 = arith.constant 0 : i32
          %dma_wait3A_208 = tpu.memref_slice %arg7[%sub3A_206, %dma_wait3A_207] : memref<40x64xi32, #tpu.memory_space<vmem>> -> memref<1x64xi32, #tpu.memory_space<vmem>>
          %dma_wait3A_209 = tpu.memref_squeeze %dma_wait3A_208 : memref<1x64xi32, #tpu.memory_space<vmem>> -> memref<64xi32, #tpu.memory_space<vmem>>
          %dma_wait3A_210 = arith.constant 0 : i32
          %dma_wait3A_211 = arith.constant 0 : i32
          %dma_wait3A_212 = tpu.memref_slice %arg12[%dma_wait3A_210, %dma_wait3A_211] : memref<10240x128xf32, #tpu.memory_space<vmem_shared>> -> memref<10240x128xf32, #tpu.memory_space<vmem_shared>>
          tpu.wait_indirect_dma semaphore(%arg17 : memref<!tpu.dma_semaphore, #tpu.memory_space<semaphore_mem>>) src(%arg8 : memref<64x128xf32, #tpu.memory_space<vmem>>) dst(%dma_wait3A_212 : memref<10240x128xf32, #tpu.memory_space<vmem_shared>>)
          %add3A_213 = arith.constant 2 : i32
          %add3A_214 = arith.addi %add3A_167, %add3A_213 : i32
          %dma_start3A_215 = arith.constant 0 : i32
          %dma_start3A_216 = tpu.memref_slice %arg6[%add3A_214, %dma_start3A_215] : memref<40x64xi32, #tpu.memory_space<vmem>> -> memref<1x64xi32, #tpu.memory_space<vmem>>
          %dma_start3A_217 = tpu.memref_squeeze %dma_start3A_216 : memref<1x64xi32, #tpu.memory_space<vmem>> -> memref<64xi32, #tpu.memory_space<vmem>>
          %dma_start3A_218 = arith.constant 0 : i32
          %dma_start3A_219 = arith.constant 0 : i32
          %dma_start3A_220 = tpu.memref_slice %arg4[%dma_start3A_218, %dma_start3A_219] : memref<10000x128xf32, #tpu.memory_space<hbm>> -> memref<10000x128xf32, #tpu.memory_space<hbm>>
          tpu.enqueue_indirect_dma source(%dma_start3A_220 : memref<10000x128xf32, #tpu.memory_space<hbm>>) target(%arg8 : memref<64x128xf32, #tpu.memory_space<vmem>>) offsets(%dma_start3A_217 : memref<64xi32, #tpu.memory_space<vmem>>) semaphore(%arg13 : memref<!tpu.dma_semaphore, #tpu.memory_space<semaphore_mem>>)
        } else {
        }
        %mul3A_184 = arith.constant 4 : i32
        %mul3A_185 = arith.muli %mul3A_184, %scan3A_107 : i32
        %add3A_186 = arith.constant 3 : i32
        %add3A_187 = arith.addi %mul3A_185, %add3A_186 : i32
        %dma_wait3A_188 = arith.constant 0 : i32
        %dma_wait3A_189 = tpu.memref_slice %arg6[%add3A_187, %dma_wait3A_188] : memref<40x64xi32, #tpu.memory_space<vmem>> -> memref<1x64xi32, #tpu.memory_space<vmem>>
        %dma_wait3A_190 = tpu.memref_squeeze %dma_wait3A_189 : memref<1x64xi32, #tpu.memory_space<vmem>> -> memref<64xi32, #tpu.memory_space<vmem>>
        %dma_wait3A_191 = arith.constant 0 : i32
        %dma_wait3A_192 = arith.constant 0 : i32
        %dma_wait3A_193 = tpu.memref_slice %arg4[%dma_wait3A_191, %dma_wait3A_192] : memref<10000x128xf32, #tpu.memory_space<hbm>> -> memref<10000x128xf32, #tpu.memory_space<hbm>>
        tpu.wait_indirect_dma semaphore(%arg16 : memref<!tpu.dma_semaphore, #tpu.memory_space<semaphore_mem>>) src(%dma_wait3A_193 : memref<10000x128xf32, #tpu.memory_space<hbm>>) dst(%arg11 : memref<64x128xf32, #tpu.memory_space<vmem>>)
        %dma_start3A_194 = arith.constant 0 : i32
        %dma_start3A_195 = tpu.memref_slice %arg7[%add3A_187, %dma_start3A_194] : memref<40x64xi32, #tpu.memory_space<vmem>> -> memref<1x64xi32, #tpu.memory_space<vmem>>
        %dma_start3A_196 = tpu.memref_squeeze %dma_start3A_195 : memref<1x64xi32, #tpu.memory_space<vmem>> -> memref<64xi32, #tpu.memory_space<vmem>>
        %dma_start3A_197 = arith.constant 0 : i32
        %dma_start3A_198 = arith.constant 0 : i32
        %dma_start3A_199 = tpu.memref_slice %arg12[%dma_start3A_197, %dma_start3A_198] : memref<10240x128xf32, #tpu.memory_space<vmem_shared>> -> memref<10240x128xf32, #tpu.memory_space<vmem_shared>>
        tpu.enqueue_indirect_dma source(%arg11 : memref<64x128xf32, #tpu.memory_space<vmem>>) target(%dma_start3A_199 : memref<10240x128xf32, #tpu.memory_space<vmem_shared>>) offsets(%dma_start3A_196 : memref<64xi32, #tpu.memory_space<vmem>>) semaphore(%arg20 : memref<!tpu.dma_semaphore, #tpu.memory_space<semaphore_mem>>) {add = true}
        %lt3A_200 = arith.constant 9 : i32
        %lt3A_201 = arith.cmpi slt, %scan3A_107, %lt3A_200 : i32
        %convert_element_type3A_202 = arith.extui %lt3A_201 : i1 to i32
        %cond3A_203 = arith.constant 0 : i32
        %cond3A_204 = arith.cmpi ne, %convert_element_type3A_202, %cond3A_203 : i32
        scf.if %cond3A_204 {
          %sub3A = arith.constant 2 : i32
          %sub3A_206 = arith.subi %add3A_187, %sub3A : i32
          %dma_wait3A_207 = arith.constant 0 : i32
          %dma_wait3A_208 = tpu.memref_slice %arg7[%sub3A_206, %dma_wait3A_207] : memref<40x64xi32, #tpu.memory_space<vmem>> -> memref<1x64xi32, #tpu.memory_space<vmem>>
          %dma_wait3A_209 = tpu.memref_squeeze %dma_wait3A_208 : memref<1x64xi32, #tpu.memory_space<vmem>> -> memref<64xi32, #tpu.memory_space<vmem>>
          %dma_wait3A_210 = arith.constant 0 : i32
          %dma_wait3A_211 = arith.constant 0 : i32
          %dma_wait3A_212 = tpu.memref_slice %arg12[%dma_wait3A_210, %dma_wait3A_211] : memref<10240x128xf32, #tpu.memory_space<vmem_shared>> -> memref<10240x128xf32, #tpu.memory_space<vmem_shared>>
          tpu.wait_indirect_dma semaphore(%arg18 : memref<!tpu.dma_semaphore, #tpu.memory_space<semaphore_mem>>) src(%arg9 : memref<64x128xf32, #tpu.memory_space<vmem>>) dst(%dma_wait3A_212 : memref<10240x128xf32, #tpu.memory_space<vmem_shared>>)
          %add3A_213 = arith.constant 2 : i32
          %add3A_214 = arith.addi %add3A_187, %add3A_213 : i32
          %dma_start3A_215 = arith.constant 0 : i32
          %dma_start3A_216 = tpu.memref_slice %arg6[%add3A_214, %dma_start3A_215] : memref<40x64xi32, #tpu.memory_space<vmem>> -> memref<1x64xi32, #tpu.memory_space<vmem>>
          %dma_start3A_217 = tpu.memref_squeeze %dma_start3A_216 : memref<1x64xi32, #tpu.memory_space<vmem>> -> memref<64xi32, #tpu.memory_space<vmem>>
          %dma_start3A_218 = arith.constant 0 : i32
          %dma_start3A_219 = arith.constant 0 : i32
          %dma_start3A_220 = tpu.memref_slice %arg4[%dma_start3A_218, %dma_start3A_219] : memref<10000x128xf32, #tpu.memory_space<hbm>> -> memref<10000x128xf32, #tpu.memory_space<hbm>>
          tpu.enqueue_indirect_dma source(%dma_start3A_220 : memref<10000x128xf32, #tpu.memory_space<hbm>>) target(%arg9 : memref<64x128xf32, #tpu.memory_space<vmem>>) offsets(%dma_start3A_217 : memref<64xi32, #tpu.memory_space<vmem>>) semaphore(%arg14 : memref<!tpu.dma_semaphore, #tpu.memory_space<semaphore_mem>>)
        } else {
        }
        %scan3A_205 = arith.constant 0 : i32
        scf.yield %scan3A_205 : i32
      }
      %scan3A_78 = arith.constant 10 : i32
      %dma_wait3A = arith.constant 36 : i32
      %dma_wait3A_79 = arith.constant 0 : i32
      %dma_wait3A_80 = tpu.memref_slice %arg7[%dma_wait3A, %dma_wait3A_79] : memref<40x64xi32, #tpu.memory_space<vmem>> -> memref<1x64xi32, #tpu.memory_space<vmem>>
      %dma_wait3A_81 = tpu.memref_squeeze %dma_wait3A_80 : memref<1x64xi32, #tpu.memory_space<vmem>> -> memref<64xi32, #tpu.memory_space<vmem>>
      %dma_wait3A_82 = arith.constant 0 : i32
      %dma_wait3A_83 = arith.constant 0 : i32
      %dma_wait3A_84 = tpu.memref_slice %arg12[%dma_wait3A_82, %dma_wait3A_83] : memref<10240x128xf32, #tpu.memory_space<vmem_shared>> -> memref<10240x128xf32, #tpu.memory_space<vmem_shared>>
      tpu.wait_indirect_dma semaphore(%arg17 : memref<!tpu.dma_semaphore, #tpu.memory_space<semaphore_mem>>) src(%arg8 : memref<64x128xf32, #tpu.memory_space<vmem>>) dst(%dma_wait3A_84 : memref<10240x128xf32, #tpu.memory_space<vmem_shared>>)
      %dma_wait3A_85 = arith.constant 37 : i32
      %dma_wait3A_86 = arith.constant 0 : i32
      %dma_wait3A_87 = tpu.memref_slice %arg7[%dma_wait3A_85, %dma_wait3A_86] : memref<40x64xi32, #tpu.memory_space<vmem>> -> memref<1x64xi32, #tpu.memory_space<vmem>>
      %dma_wait3A_88 = tpu.memref_squeeze %dma_wait3A_87 : memref<1x64xi32, #tpu.memory_space<vmem>> -> memref<64xi32, #tpu.memory_space<vmem>>
      %dma_wait3A_89 = arith.constant 0 : i32
      %dma_wait3A_90 = arith.constant 0 : i32
      %dma_wait3A_91 = tpu.memref_slice %arg12[%dma_wait3A_89, %dma_wait3A_90] : memref<10240x128xf32, #tpu.memory_space<vmem_shared>> -> memref<10240x128xf32, #tpu.memory_space<vmem_shared>>
      tpu.wait_indirect_dma semaphore(%arg18 : memref<!tpu.dma_semaphore, #tpu.memory_space<semaphore_mem>>) src(%arg9 : memref<64x128xf32, #tpu.memory_space<vmem>>) dst(%dma_wait3A_91 : memref<10240x128xf32, #tpu.memory_space<vmem_shared>>)
      %dma_wait3A_92 = arith.constant 38 : i32
      %dma_wait3A_93 = arith.constant 0 : i32
      %dma_wait3A_94 = tpu.memref_slice %arg7[%dma_wait3A_92, %dma_wait3A_93] : memref<40x64xi32, #tpu.memory_space<vmem>> -> memref<1x64xi32, #tpu.memory_space<vmem>>
      %dma_wait3A_95 = tpu.memref_squeeze %dma_wait3A_94 : memref<1x64xi32, #tpu.memory_space<vmem>> -> memref<64xi32, #tpu.memory_space<vmem>>
      %dma_wait3A_96 = arith.constant 0 : i32
      %dma_wait3A_97 = arith.constant 0 : i32
      %dma_wait3A_98 = tpu.memref_slice %arg12[%dma_wait3A_96, %dma_wait3A_97] : memref<10240x128xf32, #tpu.memory_space<vmem_shared>> -> memref<10240x128xf32, #tpu.memory_space<vmem_shared>>
      tpu.wait_indirect_dma semaphore(%arg19 : memref<!tpu.dma_semaphore, #tpu.memory_space<semaphore_mem>>) src(%arg10 : memref<64x128xf32, #tpu.memory_space<vmem>>) dst(%dma_wait3A_98 : memref<10240x128xf32, #tpu.memory_space<vmem_shared>>)
      %dma_wait3A_99 = arith.constant 39 : i32
      %dma_wait3A_100 = arith.constant 0 : i32
      %dma_wait3A_101 = tpu.memref_slice %arg7[%dma_wait3A_99, %dma_wait3A_100] : memref<40x64xi32, #tpu.memory_space<vmem>> -> memref<1x64xi32, #tpu.memory_space<vmem>>
      %dma_wait3A_102 = tpu.memref_squeeze %dma_wait3A_101 : memref<1x64xi32, #tpu.memory_space<vmem>> -> memref<64xi32, #tpu.memory_space<vmem>>
      %dma_wait3A_103 = arith.constant 0 : i32
      %dma_wait3A_104 = arith.constant 0 : i32
      %dma_wait3A_105 = tpu.memref_slice %arg12[%dma_wait3A_103, %dma_wait3A_104] : memref<10240x128xf32, #tpu.memory_space<vmem_shared>> -> memref<10240x128xf32, #tpu.memory_space<vmem_shared>>
      tpu.wait_indirect_dma semaphore(%arg20 : memref<!tpu.dma_semaphore, #tpu.memory_space<semaphore_mem>>) src(%arg11 : memref<64x128xf32, #tpu.memory_space<vmem>>) dst(%dma_wait3A_105 : memref<10240x128xf32, #tpu.memory_space<vmem_shared>>)
      %scan3A_106 = arith.constant 0 : i32
      scf.yield %scan3A_106 : i32
    }
    %scan3A_51 = arith.constant 8 : i32
    %barrier3A_52 = arith.constant 0 : index
    tpu.barrier barrier_id(%barrier3A_52)
    %mul3A_53 = arith.constant 640 : i32
    %mul3A_54 = arith.muli %arg1, %mul3A_53 : i32
    %mul3A_55 = arith.constant 640 : i32
    %mul3A_56 = arith.muli %arg1, %mul3A_55 : i32
    "tpu.region"() ({
      %run_scoped3A = tpu.sem_alloc : memref<!tpu.dma_semaphore, #tpu.memory_space<semaphore_mem>>
      %dma_start3A = arith.constant 0 : i32
      %dma_start3A_57 = tpu.memref_slice %arg5[%mul3A_56, %dma_start3A] : memref<10240x128xf32, #tpu.memory_space<hbm>> -> memref<640x128xf32, #tpu.memory_space<hbm>>
      %dma_start3A_58 = arith.constant 0 : i32
      %dma_start3A_59 = tpu.memref_slice %arg12[%mul3A_54, %dma_start3A_58] : memref<10240x128xf32, #tpu.memory_space<vmem_shared>> -> memref<640x128xf32, #tpu.memory_space<vmem_shared>>
      tpu.enqueue_dma source(%dma_start3A_59 : memref<640x128xf32, #tpu.memory_space<vmem_shared>>) target(%dma_start3A_57 : memref<640x128xf32, #tpu.memory_space<hbm>>) target_semaphore(%run_scoped3A : memref<!tpu.dma_semaphore, #tpu.memory_space<semaphore_mem>>)
      %dma_wait3A = arith.constant 0 : i32
      %dma_wait3A_60 = tpu.memref_slice %arg5[%mul3A_56, %dma_wait3A] : memref<10240x128xf32, #tpu.memory_space<hbm>> -> memref<640x128xf32, #tpu.memory_space<hbm>>
      %dma_wait3A_61 = arith.constant 0 : i32
      %dma_wait3A_62 = tpu.memref_slice %arg12[%mul3A_54, %dma_wait3A_61] : memref<10240x128xf32, #tpu.memory_space<vmem_shared>> -> memref<640x128xf32, #tpu.memory_space<vmem_shared>>
      tpu.wait_dma2 semaphore(%run_scoped3A : memref<!tpu.dma_semaphore, #tpu.memory_space<semaphore_mem>>) src(%dma_wait3A_62 : memref<640x128xf32, #tpu.memory_space<vmem_shared>>) dst(%dma_wait3A_60 : memref<640x128xf32, #tpu.memory_space<hbm>>)
      tpu.yield
    }) : () -> ()
    return
  }
}

#map = affine_map<(d0, d1) -> (0, 0, 0, 0)>
#map1 = affine_map<(d0, d1) -> (0, 0)>
module attributes {stable_mosaic.version = 14 : i64} {
  func.func @_sc_agg_body(%arg0: i32, %arg1: i32, %arg2: memref<16x8x40x64xi32, #tpu.memory_space<hbm>>, %arg3: memref<16x8x40x64xi32, #tpu.memory_space<hbm>>, %arg4: memref<10000x128xf32, #tpu.memory_space<hbm>>, %arg5: memref<10240x128xf32, #tpu.memory_space<hbm>>, %arg6: memref<40x64xi32, #tpu.memory_space<vmem>>, %arg7: memref<40x64xi32, #tpu.memory_space<vmem>>, %arg8: memref<64x128xf32, #tpu.memory_space<vmem>>, %arg9: memref<64x128xf32, #tpu.memory_space<vmem>>, %arg10: memref<64x128xf32, #tpu.memory_space<vmem>>, %arg11: memref<64x128xf32, #tpu.memory_space<vmem>>, %arg12: memref<10240x128xf32, #tpu.memory_space<vmem_shared>>, %arg13: memref<!tpu.dma_semaphore, #tpu.memory_space<semaphore_mem>>, %arg14: memref<!tpu.dma_semaphore, #tpu.memory_space<semaphore_mem>>, %arg15: memref<!tpu.dma_semaphore, #tpu.memory_space<semaphore_mem>>, %arg16: memref<!tpu.dma_semaphore, #tpu.memory_space<semaphore_mem>>, %arg17: memref<!tpu.dma_semaphore, #tpu.memory_space<semaphore_mem>>, %arg18: memref<!tpu.dma_semaphore, #tpu.memory_space<semaphore_mem>>, %arg19: memref<!tpu.dma_semaphore, #tpu.memory_space<semaphore_mem>>, %arg20: memref<!tpu.dma_semaphore, #tpu.memory_space<semaphore_mem>>) attributes {dimension_semantics = [#tpu.dimension_semantics<core_parallel>, #tpu.dimension_semantics<subcore_parallel>], iteration_bounds = array<i64: 1, 16>, scalar_prefetch = 0 : i64, scratch_operands = 15 : i64, tpu.core_type = #tpu.core_type<sc_vector_subcore>, window_params = [{transform_indices = #map}, {transform_indices = #map}, {transform_indices = #map1}, {transform_indices = #map1}]} {
    %broadcast_in_dim3A = arith.constant 0.000000e+00 : f32
    %broadcast_in_dim3A_0 = vector.broadcast %broadcast_in_dim3A : f32 to vector<16xf32>
    %scan3A = arith.constant 0 : i32
    %scan3A_1 = arith.constant 0 : i32
    %scan3A_2 = arith.constant 64 : i32
    %scan3A_3 = arith.addi %scan3A_1, %scan3A_2 : i32
    %scan3A_4 = arith.constant 1 : i32
    %scan3A_5 = scf.for %scan3A_57 = %scan3A_1 to %scan3A_3 step %scan3A_4 iter_args(%scan3A_58 = %scan3A) -> (i32)  : i32 {
      %scan3A_59 = arith.constant 0 : i32
      %scan3A_60 = arith.constant 0 : i32
      %scan3A_61 = arith.constant 8 : i32
      %scan3A_62 = arith.addi %scan3A_60, %scan3A_61 : i32
      %scan3A_63 = arith.constant 1 : i32
      %scan3A_64 = scf.for %scan3A_66 = %scan3A_60 to %scan3A_62 step %scan3A_63 iter_args(%scan3A_67 = %scan3A_59) -> (i32)  : i32 {
        %mul3A_68 = arith.constant 16 : i32
        %mul3A_69 = arith.muli %scan3A_66, %mul3A_68 : i32
        %swap3A = arith.index_cast %scan3A_57 : i32 to index
        %swap3A_70 = arith.index_cast %mul3A_69 : i32 to index
        %swap3A_71 = tpu.vector_load %arg8[%swap3A, %swap3A_70] {strides = array<i32>} : memref<64x128xf32, #tpu.memory_space<vmem>>, vector<1x16xf32>,
        %swap3A_72 = vector.shape_cast %swap3A_71 : vector<1x16xf32> to vector<16xf32>
        %swap3A_73 = vector.shape_cast %broadcast_in_dim3A_0 : vector<16xf32> to vector<1x16xf32>
        tpu.vector_store %arg8[%swap3A, %swap3A_70], %swap3A_73 {strides = array<i32>} : memref<64x128xf32, #tpu.memory_space<vmem>>, vector<1x16xf32>,
        %scan3A_74 = arith.constant 0 : i32
        scf.yield %scan3A_74 : i32
      }
      %scan3A_65 = arith.constant 8 : i32
      scf.yield %scan3A_64 : i32
    }
    %scan3A_6 = arith.constant 64 : i32
    %mul3A = arith.constant 640 : i32
    %mul3A_7 = arith.muli %arg1, %mul3A : i32
    %add3A = arith.constant 0 : i32
    %add3A_8 = arith.addi %mul3A_7, %add3A : i32
    "tpu.region"() ({
      %run_scoped3A = tpu.sem_alloc : memref<!tpu.dma_semaphore, #tpu.memory_space<semaphore_mem>>
      %dma_start3A = arith.constant 0 : i32
      %dma_start3A_57 = tpu.memref_slice %arg12[%add3A_8, %dma_start3A] : memref<10240x128xf32, #tpu.memory_space<vmem_shared>> -> memref<64x128xf32, #tpu.memory_space<vmem_shared>>
      %dma_start3A_58 = arith.constant 0 : i32
      %dma_start3A_59 = tpu.memref_slice %arg12[%add3A_8, %dma_start3A_58] : memref<10240x128xf32, #tpu.memory_space<vmem_shared>> -> memref<64x128xf32, #tpu.memory_space<vmem_shared>>
      tpu.enqueue_dma source(%arg8 : memref<64x128xf32, #tpu.memory_space<vmem>>) target(%dma_start3A_59 : memref<64x128xf32, #tpu.memory_space<vmem_shared>>) target_semaphore(%run_scoped3A : memref<!tpu.dma_semaphore, #tpu.memory_space<semaphore_mem>>)
      %dma_wait3A = arith.constant 0 : i32
      %dma_wait3A_60 = tpu.memref_slice %arg12[%add3A_8, %dma_wait3A] : memref<10240x128xf32, #tpu.memory_space<vmem_shared>> -> memref<64x128xf32, #tpu.memory_space<vmem_shared>>
      %dma_wait3A_61 = arith.constant 0 : i32
      %dma_wait3A_62 = tpu.memref_slice %arg12[%add3A_8, %dma_wait3A_61] : memref<10240x128xf32, #tpu.memory_space<vmem_shared>> -> memref<64x128xf32, #tpu.memory_space<vmem_shared>>
      tpu.wait_dma2 semaphore(%run_scoped3A : memref<!tpu.dma_semaphore, #tpu.memory_space<semaphore_mem>>) src(%arg8 : memref<64x128xf32, #tpu.memory_space<vmem>>) dst(%dma_wait3A_62 : memref<64x128xf32, #tpu.memory_space<vmem_shared>>)
      tpu.yield
    }) : () -> ()
    %mul3A_9 = arith.constant 640 : i32
    %mul3A_10 = arith.muli %arg1, %mul3A_9 : i32
    %add3A_11 = arith.constant 64 : i32
    %add3A_12 = arith.addi %mul3A_10, %add3A_11 : i32
    "tpu.region"() ({
      %run_scoped3A = tpu.sem_alloc : memref<!tpu.dma_semaphore, #tpu.memory_space<semaphore_mem>>
      %dma_start3A = arith.constant 0 : i32
      %dma_start3A_57 = tpu.memref_slice %arg12[%add3A_12, %dma_start3A] : memref<10240x128xf32, #tpu.memory_space<vmem_shared>> -> memref<64x128xf32, #tpu.memory_space<vmem_shared>>
      %dma_start3A_58 = arith.constant 0 : i32
      %dma_start3A_59 = tpu.memref_slice %arg12[%add3A_12, %dma_start3A_58] : memref<10240x128xf32, #tpu.memory_space<vmem_shared>> -> memref<64x128xf32, #tpu.memory_space<vmem_shared>>
      tpu.enqueue_dma source(%arg8 : memref<64x128xf32, #tpu.memory_space<vmem>>) target(%dma_start3A_59 : memref<64x128xf32, #tpu.memory_space<vmem_shared>>) target_semaphore(%run_scoped3A : memref<!tpu.dma_semaphore, #tpu.memory_space<semaphore_mem>>)
      %dma_wait3A = arith.constant 0 : i32
      %dma_wait3A_60 = tpu.memref_slice %arg12[%add3A_12, %dma_wait3A] : memref<10240x128xf32, #tpu.memory_space<vmem_shared>> -> memref<64x128xf32, #tpu.memory_space<vmem_shared>>
      %dma_wait3A_61 = arith.constant 0 : i32
      %dma_wait3A_62 = tpu.memref_slice %arg12[%add3A_12, %dma_wait3A_61] : memref<10240x128xf32, #tpu.memory_space<vmem_shared>> -> memref<64x128xf32, #tpu.memory_space<vmem_shared>>
      tpu.wait_dma2 semaphore(%run_scoped3A : memref<!tpu.dma_semaphore, #tpu.memory_space<semaphore_mem>>) src(%arg8 : memref<64x128xf32, #tpu.memory_space<vmem>>) dst(%dma_wait3A_62 : memref<64x128xf32, #tpu.memory_space<vmem_shared>>)
      tpu.yield
    }) : () -> ()
    %mul3A_13 = arith.constant 640 : i32
    %mul3A_14 = arith.muli %arg1, %mul3A_13 : i32
    %add3A_15 = arith.constant 128 : i32
    %add3A_16 = arith.addi %mul3A_14, %add3A_15 : i32
    "tpu.region"() ({
      %run_scoped3A = tpu.sem_alloc : memref<!tpu.dma_semaphore, #tpu.memory_space<semaphore_mem>>
      %dma_start3A = arith.constant 0 : i32
      %dma_start3A_57 = tpu.memref_slice %arg12[%add3A_16, %dma_start3A] : memref<10240x128xf32, #tpu.memory_space<vmem_shared>> -> memref<64x128xf32, #tpu.memory_space<vmem_shared>>
      %dma_start3A_58 = arith.constant 0 : i32
      %dma_start3A_59 = tpu.memref_slice %arg12[%add3A_16, %dma_start3A_58] : memref<10240x128xf32, #tpu.memory_space<vmem_shared>> -> memref<64x128xf32, #tpu.memory_space<vmem_shared>>
      tpu.enqueue_dma source(%arg8 : memref<64x128xf32, #tpu.memory_space<vmem>>) target(%dma_start3A_59 : memref<64x128xf32, #tpu.memory_space<vmem_shared>>) target_semaphore(%run_scoped3A : memref<!tpu.dma_semaphore, #tpu.memory_space<semaphore_mem>>)
      %dma_wait3A = arith.constant 0 : i32
      %dma_wait3A_60 = tpu.memref_slice %arg12[%add3A_16, %dma_wait3A] : memref<10240x128xf32, #tpu.memory_space<vmem_shared>> -> memref<64x128xf32, #tpu.memory_space<vmem_shared>>
      %dma_wait3A_61 = arith.constant 0 : i32
      %dma_wait3A_62 = tpu.memref_slice %arg12[%add3A_16, %dma_wait3A_61] : memref<10240x128xf32, #tpu.memory_space<vmem_shared>> -> memref<64x128xf32, #tpu.memory_space<vmem_shared>>
      tpu.wait_dma2 semaphore(%run_scoped3A : memref<!tpu.dma_semaphore, #tpu.memory_space<semaphore_mem>>) src(%arg8 : memref<64x128xf32, #tpu.memory_space<vmem>>) dst(%dma_wait3A_62 : memref<64x128xf32, #tpu.memory_space<vmem_shared>>)
      tpu.yield
    }) : () -> ()
    %mul3A_17 = arith.constant 640 : i32
    %mul3A_18 = arith.muli %arg1, %mul3A_17 : i32
    %add3A_19 = arith.constant 192 : i32
    %add3A_20 = arith.addi %mul3A_18, %add3A_19 : i32
    "tpu.region"() ({
      %run_scoped3A = tpu.sem_alloc : memref<!tpu.dma_semaphore, #tpu.memory_space<semaphore_mem>>
      %dma_start3A = arith.constant 0 : i32
      %dma_start3A_57 = tpu.memref_slice %arg12[%add3A_20, %dma_start3A] : memref<10240x128xf32, #tpu.memory_space<vmem_shared>> -> memref<64x128xf32, #tpu.memory_space<vmem_shared>>
      %dma_start3A_58 = arith.constant 0 : i32
      %dma_start3A_59 = tpu.memref_slice %arg12[%add3A_20, %dma_start3A_58] : memref<10240x128xf32, #tpu.memory_space<vmem_shared>> -> memref<64x128xf32, #tpu.memory_space<vmem_shared>>
      tpu.enqueue_dma source(%arg8 : memref<64x128xf32, #tpu.memory_space<vmem>>) target(%dma_start3A_59 : memref<64x128xf32, #tpu.memory_space<vmem_shared>>) target_semaphore(%run_scoped3A : memref<!tpu.dma_semaphore, #tpu.memory_space<semaphore_mem>>)
      %dma_wait3A = arith.constant 0 : i32
      %dma_wait3A_60 = tpu.memref_slice %arg12[%add3A_20, %dma_wait3A] : memref<10240x128xf32, #tpu.memory_space<vmem_shared>> -> memref<64x128xf32, #tpu.memory_space<vmem_shared>>
      %dma_wait3A_61 = arith.constant 0 : i32
      %dma_wait3A_62 = tpu.memref_slice %arg12[%add3A_20, %dma_wait3A_61] : memref<10240x128xf32, #tpu.memory_space<vmem_shared>> -> memref<64x128xf32, #tpu.memory_space<vmem_shared>>
      tpu.wait_dma2 semaphore(%run_scoped3A : memref<!tpu.dma_semaphore, #tpu.memory_space<semaphore_mem>>) src(%arg8 : memref<64x128xf32, #tpu.memory_space<vmem>>) dst(%dma_wait3A_62 : memref<64x128xf32, #tpu.memory_space<vmem_shared>>)
      tpu.yield
    }) : () -> ()
    %mul3A_21 = arith.constant 640 : i32
    %mul3A_22 = arith.muli %arg1, %mul3A_21 : i32
    %add3A_23 = arith.constant 256 : i32
    %add3A_24 = arith.addi %mul3A_22, %add3A_23 : i32
    "tpu.region"() ({
      %run_scoped3A = tpu.sem_alloc : memref<!tpu.dma_semaphore, #tpu.memory_space<semaphore_mem>>
      %dma_start3A = arith.constant 0 : i32
      %dma_start3A_57 = tpu.memref_slice %arg12[%add3A_24, %dma_start3A] : memref<10240x128xf32, #tpu.memory_space<vmem_shared>> -> memref<64x128xf32, #tpu.memory_space<vmem_shared>>
      %dma_start3A_58 = arith.constant 0 : i32
      %dma_start3A_59 = tpu.memref_slice %arg12[%add3A_24, %dma_start3A_58] : memref<10240x128xf32, #tpu.memory_space<vmem_shared>> -> memref<64x128xf32, #tpu.memory_space<vmem_shared>>
      tpu.enqueue_dma source(%arg8 : memref<64x128xf32, #tpu.memory_space<vmem>>) target(%dma_start3A_59 : memref<64x128xf32, #tpu.memory_space<vmem_shared>>) target_semaphore(%run_scoped3A : memref<!tpu.dma_semaphore, #tpu.memory_space<semaphore_mem>>)
      %dma_wait3A = arith.constant 0 : i32
      %dma_wait3A_60 = tpu.memref_slice %arg12[%add3A_24, %dma_wait3A] : memref<10240x128xf32, #tpu.memory_space<vmem_shared>> -> memref<64x128xf32, #tpu.memory_space<vmem_shared>>
      %dma_wait3A_61 = arith.constant 0 : i32
      %dma_wait3A_62 = tpu.memref_slice %arg12[%add3A_24, %dma_wait3A_61] : memref<10240x128xf32, #tpu.memory_space<vmem_shared>> -> memref<64x128xf32, #tpu.memory_space<vmem_shared>>
      tpu.wait_dma2 semaphore(%run_scoped3A : memref<!tpu.dma_semaphore, #tpu.memory_space<semaphore_mem>>) src(%arg8 : memref<64x128xf32, #tpu.memory_space<vmem>>) dst(%dma_wait3A_62 : memref<64x128xf32, #tpu.memory_space<vmem_shared>>)
      tpu.yield
    }) : () -> ()
    %mul3A_25 = arith.constant 640 : i32
    %mul3A_26 = arith.muli %arg1, %mul3A_25 : i32
    %add3A_27 = arith.constant 320 : i32
    %add3A_28 = arith.addi %mul3A_26, %add3A_27 : i32
    "tpu.region"() ({
      %run_scoped3A = tpu.sem_alloc : memref<!tpu.dma_semaphore, #tpu.memory_space<semaphore_mem>>
      %dma_start3A = arith.constant 0 : i32
      %dma_start3A_57 = tpu.memref_slice %arg12[%add3A_28, %dma_start3A] : memref<10240x128xf32, #tpu.memory_space<vmem_shared>> -> memref<64x128xf32, #tpu.memory_space<vmem_shared>>
      %dma_start3A_58 = arith.constant 0 : i32
      %dma_start3A_59 = tpu.memref_slice %arg12[%add3A_28, %dma_start3A_58] : memref<10240x128xf32, #tpu.memory_space<vmem_shared>> -> memref<64x128xf32, #tpu.memory_space<vmem_shared>>
      tpu.enqueue_dma source(%arg8 : memref<64x128xf32, #tpu.memory_space<vmem>>) target(%dma_start3A_59 : memref<64x128xf32, #tpu.memory_space<vmem_shared>>) target_semaphore(%run_scoped3A : memref<!tpu.dma_semaphore, #tpu.memory_space<semaphore_mem>>)
      %dma_wait3A = arith.constant 0 : i32
      %dma_wait3A_60 = tpu.memref_slice %arg12[%add3A_28, %dma_wait3A] : memref<10240x128xf32, #tpu.memory_space<vmem_shared>> -> memref<64x128xf32, #tpu.memory_space<vmem_shared>>
      %dma_wait3A_61 = arith.constant 0 : i32
      %dma_wait3A_62 = tpu.memref_slice %arg12[%add3A_28, %dma_wait3A_61] : memref<10240x128xf32, #tpu.memory_space<vmem_shared>> -> memref<64x128xf32, #tpu.memory_space<vmem_shared>>
      tpu.wait_dma2 semaphore(%run_scoped3A : memref<!tpu.dma_semaphore, #tpu.memory_space<semaphore_mem>>) src(%arg8 : memref<64x128xf32, #tpu.memory_space<vmem>>) dst(%dma_wait3A_62 : memref<64x128xf32, #tpu.memory_space<vmem_shared>>)
      tpu.yield
    }) : () -> ()
    %mul3A_29 = arith.constant 640 : i32
    %mul3A_30 = arith.muli %arg1, %mul3A_29 : i32
    %add3A_31 = arith.constant 384 : i32
    %add3A_32 = arith.addi %mul3A_30, %add3A_31 : i32
    "tpu.region"() ({
      %run_scoped3A = tpu.sem_alloc : memref<!tpu.dma_semaphore, #tpu.memory_space<semaphore_mem>>
      %dma_start3A = arith.constant 0 : i32
      %dma_start3A_57 = tpu.memref_slice %arg12[%add3A_32, %dma_start3A] : memref<10240x128xf32, #tpu.memory_space<vmem_shared>> -> memref<64x128xf32, #tpu.memory_space<vmem_shared>>
      %dma_start3A_58 = arith.constant 0 : i32
      %dma_start3A_59 = tpu.memref_slice %arg12[%add3A_32, %dma_start3A_58] : memref<10240x128xf32, #tpu.memory_space<vmem_shared>> -> memref<64x128xf32, #tpu.memory_space<vmem_shared>>
      tpu.enqueue_dma source(%arg8 : memref<64x128xf32, #tpu.memory_space<vmem>>) target(%dma_start3A_59 : memref<64x128xf32, #tpu.memory_space<vmem_shared>>) target_semaphore(%run_scoped3A : memref<!tpu.dma_semaphore, #tpu.memory_space<semaphore_mem>>)
      %dma_wait3A = arith.constant 0 : i32
      %dma_wait3A_60 = tpu.memref_slice %arg12[%add3A_32, %dma_wait3A] : memref<10240x128xf32, #tpu.memory_space<vmem_shared>> -> memref<64x128xf32, #tpu.memory_space<vmem_shared>>
      %dma_wait3A_61 = arith.constant 0 : i32
      %dma_wait3A_62 = tpu.memref_slice %arg12[%add3A_32, %dma_wait3A_61] : memref<10240x128xf32, #tpu.memory_space<vmem_shared>> -> memref<64x128xf32, #tpu.memory_space<vmem_shared>>
      tpu.wait_dma2 semaphore(%run_scoped3A : memref<!tpu.dma_semaphore, #tpu.memory_space<semaphore_mem>>) src(%arg8 : memref<64x128xf32, #tpu.memory_space<vmem>>) dst(%dma_wait3A_62 : memref<64x128xf32, #tpu.memory_space<vmem_shared>>)
      tpu.yield
    }) : () -> ()
    %mul3A_33 = arith.constant 640 : i32
    %mul3A_34 = arith.muli %arg1, %mul3A_33 : i32
    %add3A_35 = arith.constant 448 : i32
    %add3A_36 = arith.addi %mul3A_34, %add3A_35 : i32
    "tpu.region"() ({
      %run_scoped3A = tpu.sem_alloc : memref<!tpu.dma_semaphore, #tpu.memory_space<semaphore_mem>>
      %dma_start3A = arith.constant 0 : i32
      %dma_start3A_57 = tpu.memref_slice %arg12[%add3A_36, %dma_start3A] : memref<10240x128xf32, #tpu.memory_space<vmem_shared>> -> memref<64x128xf32, #tpu.memory_space<vmem_shared>>
      %dma_start3A_58 = arith.constant 0 : i32
      %dma_start3A_59 = tpu.memref_slice %arg12[%add3A_36, %dma_start3A_58] : memref<10240x128xf32, #tpu.memory_space<vmem_shared>> -> memref<64x128xf32, #tpu.memory_space<vmem_shared>>
      tpu.enqueue_dma source(%arg8 : memref<64x128xf32, #tpu.memory_space<vmem>>) target(%dma_start3A_59 : memref<64x128xf32, #tpu.memory_space<vmem_shared>>) target_semaphore(%run_scoped3A : memref<!tpu.dma_semaphore, #tpu.memory_space<semaphore_mem>>)
      %dma_wait3A = arith.constant 0 : i32
      %dma_wait3A_60 = tpu.memref_slice %arg12[%add3A_36, %dma_wait3A] : memref<10240x128xf32, #tpu.memory_space<vmem_shared>> -> memref<64x128xf32, #tpu.memory_space<vmem_shared>>
      %dma_wait3A_61 = arith.constant 0 : i32
      %dma_wait3A_62 = tpu.memref_slice %arg12[%add3A_36, %dma_wait3A_61] : memref<10240x128xf32, #tpu.memory_space<vmem_shared>> -> memref<64x128xf32, #tpu.memory_space<vmem_shared>>
      tpu.wait_dma2 semaphore(%run_scoped3A : memref<!tpu.dma_semaphore, #tpu.memory_space<semaphore_mem>>) src(%arg8 : memref<64x128xf32, #tpu.memory_space<vmem>>) dst(%dma_wait3A_62 : memref<64x128xf32, #tpu.memory_space<vmem_shared>>)
      tpu.yield
    }) : () -> ()
    %mul3A_37 = arith.constant 640 : i32
    %mul3A_38 = arith.muli %arg1, %mul3A_37 : i32
    %add3A_39 = arith.constant 512 : i32
    %add3A_40 = arith.addi %mul3A_38, %add3A_39 : i32
    "tpu.region"() ({
      %run_scoped3A = tpu.sem_alloc : memref<!tpu.dma_semaphore, #tpu.memory_space<semaphore_mem>>
      %dma_start3A = arith.constant 0 : i32
      %dma_start3A_57 = tpu.memref_slice %arg12[%add3A_40, %dma_start3A] : memref<10240x128xf32, #tpu.memory_space<vmem_shared>> -> memref<64x128xf32, #tpu.memory_space<vmem_shared>>
      %dma_start3A_58 = arith.constant 0 : i32
      %dma_start3A_59 = tpu.memref_slice %arg12[%add3A_40, %dma_start3A_58] : memref<10240x128xf32, #tpu.memory_space<vmem_shared>> -> memref<64x128xf32, #tpu.memory_space<vmem_shared>>
      tpu.enqueue_dma source(%arg8 : memref<64x128xf32, #tpu.memory_space<vmem>>) target(%dma_start3A_59 : memref<64x128xf32, #tpu.memory_space<vmem_shared>>) target_semaphore(%run_scoped3A : memref<!tpu.dma_semaphore, #tpu.memory_space<semaphore_mem>>)
      %dma_wait3A = arith.constant 0 : i32
      %dma_wait3A_60 = tpu.memref_slice %arg12[%add3A_40, %dma_wait3A] : memref<10240x128xf32, #tpu.memory_space<vmem_shared>> -> memref<64x128xf32, #tpu.memory_space<vmem_shared>>
      %dma_wait3A_61 = arith.constant 0 : i32
      %dma_wait3A_62 = tpu.memref_slice %arg12[%add3A_40, %dma_wait3A_61] : memref<10240x128xf32, #tpu.memory_space<vmem_shared>> -> memref<64x128xf32, #tpu.memory_space<vmem_shared>>
      tpu.wait_dma2 semaphore(%run_scoped3A : memref<!tpu.dma_semaphore, #tpu.memory_space<semaphore_mem>>) src(%arg8 : memref<64x128xf32, #tpu.memory_space<vmem>>) dst(%dma_wait3A_62 : memref<64x128xf32, #tpu.memory_space<vmem_shared>>)
      tpu.yield
    }) : () -> ()
    %mul3A_41 = arith.constant 640 : i32
    %mul3A_42 = arith.muli %arg1, %mul3A_41 : i32
    %add3A_43 = arith.constant 576 : i32
    %add3A_44 = arith.addi %mul3A_42, %add3A_43 : i32
    "tpu.region"() ({
      %run_scoped3A = tpu.sem_alloc : memref<!tpu.dma_semaphore, #tpu.memory_space<semaphore_mem>>
      %dma_start3A = arith.constant 0 : i32
      %dma_start3A_57 = tpu.memref_slice %arg12[%add3A_44, %dma_start3A] : memref<10240x128xf32, #tpu.memory_space<vmem_shared>> -> memref<64x128xf32, #tpu.memory_space<vmem_shared>>
      %dma_start3A_58 = arith.constant 0 : i32
      %dma_start3A_59 = tpu.memref_slice %arg12[%add3A_44, %dma_start3A_58] : memref<10240x128xf32, #tpu.memory_space<vmem_shared>> -> memref<64x128xf32, #tpu.memory_space<vmem_shared>>
      tpu.enqueue_dma source(%arg8 : memref<64x128xf32, #tpu.memory_space<vmem>>) target(%dma_start3A_59 : memref<64x128xf32, #tpu.memory_space<vmem_shared>>) target_semaphore(%run_scoped3A : memref<!tpu.dma_semaphore, #tpu.memory_space<semaphore_mem>>)
      %dma_wait3A = arith.constant 0 : i32
      %dma_wait3A_60 = tpu.memref_slice %arg12[%add3A_44, %dma_wait3A] : memref<10240x128xf32, #tpu.memory_space<vmem_shared>> -> memref<64x128xf32, #tpu.memory_space<vmem_shared>>
      %dma_wait3A_61 = arith.constant 0 : i32
      %dma_wait3A_62 = tpu.memref_slice %arg12[%add3A_44, %dma_wait3A_61] : memref<10240x128xf32, #tpu.memory_space<vmem_shared>> -> memref<64x128xf32, #tpu.memory_space<vmem_shared>>
      tpu.wait_dma2 semaphore(%run_scoped3A : memref<!tpu.dma_semaphore, #tpu.memory_space<semaphore_mem>>) src(%arg8 : memref<64x128xf32, #tpu.memory_space<vmem>>) dst(%dma_wait3A_62 : memref<64x128xf32, #tpu.memory_space<vmem_shared>>)
      tpu.yield
    }) : () -> ()
    %barrier3A = arith.constant 0 : index
    tpu.barrier barrier_id(%barrier3A)
    %scan3A_45 = arith.constant 0 : i32
    %scan3A_46 = arith.constant 0 : i32
    %scan3A_47 = arith.constant 8 : i32
    %scan3A_48 = arith.addi %scan3A_46, %scan3A_47 : i32
    %scan3A_49 = arith.constant 1 : i32
    %scan3A_50 = scf.for %scan3A_57 = %scan3A_46 to %scan3A_48 step %scan3A_49 iter_args(%scan3A_58 = %scan3A_45) -> (i32)  : i32 {
      "tpu.region"() ({
        %run_scoped3A = tpu.sem_alloc : memref<!tpu.dma_semaphore, #tpu.memory_space<semaphore_mem>>
        %dma_start3A_107 = arith.constant 0 : i32
        %dma_start3A_108 = arith.constant 0 : i32
        %dma_start3A_109 = tpu.memref_slice %arg2[%arg1, %scan3A_57, %dma_start3A_107, %dma_start3A_108] : memref<16x8x40x64xi32, #tpu.memory_space<hbm>> -> memref<1x1x40x64xi32, #tpu.memory_space<hbm>>
        %dma_start3A_110 = tpu.memref_squeeze %dma_start3A_109 : memref<1x1x40x64xi32, #tpu.memory_space<hbm>> -> memref<40x64xi32, #tpu.memory_space<hbm>>
        %dma_start3A_111 = arith.constant 0 : i32
        %dma_start3A_112 = arith.constant 0 : i32
        %dma_start3A_113 = tpu.memref_slice %arg2[%arg1, %scan3A_57, %dma_start3A_111, %dma_start3A_112] : memref<16x8x40x64xi32, #tpu.memory_space<hbm>> -> memref<1x1x40x64xi32, #tpu.memory_space<hbm>>
        %dma_start3A_114 = tpu.memref_squeeze %dma_start3A_113 : memref<1x1x40x64xi32, #tpu.memory_space<hbm>> -> memref<40x64xi32, #tpu.memory_space<hbm>>
        tpu.enqueue_dma source(%dma_start3A_114 : memref<40x64xi32, #tpu.memory_space<hbm>>) target(%arg6 : memref<40x64xi32, #tpu.memory_space<vmem>>) target_semaphore(%run_scoped3A : memref<!tpu.dma_semaphore, #tpu.memory_space<semaphore_mem>>)
        %dma_wait3A_115 = arith.constant 0 : i32
        %dma_wait3A_116 = arith.constant 0 : i32
        %dma_wait3A_117 = tpu.memref_slice %arg2[%arg1, %scan3A_57, %dma_wait3A_115, %dma_wait3A_116] : memref<16x8x40x64xi32, #tpu.memory_space<hbm>> -> memref<1x1x40x64xi32, #tpu.memory_space<hbm>>
        %dma_wait3A_118 = tpu.memref_squeeze %dma_wait3A_117 : memref<1x1x40x64xi32, #tpu.memory_space<hbm>> -> memref<40x64xi32, #tpu.memory_space<hbm>>
        %dma_wait3A_119 = arith.constant 0 : i32
        %dma_wait3A_120 = arith.constant 0 : i32
        %dma_wait3A_121 = tpu.memref_slice %arg2[%arg1, %scan3A_57, %dma_wait3A_119, %dma_wait3A_120] : memref<16x8x40x64xi32, #tpu.memory_space<hbm>> -> memref<1x1x40x64xi32, #tpu.memory_space<hbm>>
        %dma_wait3A_122 = tpu.memref_squeeze %dma_wait3A_121 : memref<1x1x40x64xi32, #tpu.memory_space<hbm>> -> memref<40x64xi32, #tpu.memory_space<hbm>>
        tpu.wait_dma2 semaphore(%run_scoped3A : memref<!tpu.dma_semaphore, #tpu.memory_space<semaphore_mem>>) src(%dma_wait3A_122 : memref<40x64xi32, #tpu.memory_space<hbm>>) dst(%arg6 : memref<40x64xi32, #tpu.memory_space<vmem>>)
        tpu.yield
      }) : () -> ()
      "tpu.region"() ({
        %run_scoped3A = tpu.sem_alloc : memref<!tpu.dma_semaphore, #tpu.memory_space<semaphore_mem>>
        %dma_start3A_107 = arith.constant 0 : i32
        %dma_start3A_108 = arith.constant 0 : i32
        %dma_start3A_109 = tpu.memref_slice %arg3[%arg1, %scan3A_57, %dma_start3A_107, %dma_start3A_108] : memref<16x8x40x64xi32, #tpu.memory_space<hbm>> -> memref<1x1x40x64xi32, #tpu.memory_space<hbm>>
        %dma_start3A_110 = tpu.memref_squeeze %dma_start3A_109 : memref<1x1x40x64xi32, #tpu.memory_space<hbm>> -> memref<40x64xi32, #tpu.memory_space<hbm>>
        %dma_start3A_111 = arith.constant 0 : i32
        %dma_start3A_112 = arith.constant 0 : i32
        %dma_start3A_113 = tpu.memref_slice %arg3[%arg1, %scan3A_57, %dma_start3A_111, %dma_start3A_112] : memref<16x8x40x64xi32, #tpu.memory_space<hbm>> -> memref<1x1x40x64xi32, #tpu.memory_space<hbm>>
        %dma_start3A_114 = tpu.memref_squeeze %dma_start3A_113 : memref<1x1x40x64xi32, #tpu.memory_space<hbm>> -> memref<40x64xi32, #tpu.memory_space<hbm>>
        tpu.enqueue_dma source(%dma_start3A_114 : memref<40x64xi32, #tpu.memory_space<hbm>>) target(%arg7 : memref<40x64xi32, #tpu.memory_space<vmem>>) target_semaphore(%run_scoped3A : memref<!tpu.dma_semaphore, #tpu.memory_space<semaphore_mem>>)
        %dma_wait3A_115 = arith.constant 0 : i32
        %dma_wait3A_116 = arith.constant 0 : i32
        %dma_wait3A_117 = tpu.memref_slice %arg3[%arg1, %scan3A_57, %dma_wait3A_115, %dma_wait3A_116] : memref<16x8x40x64xi32, #tpu.memory_space<hbm>> -> memref<1x1x40x64xi32, #tpu.memory_space<hbm>>
        %dma_wait3A_118 = tpu.memref_squeeze %dma_wait3A_117 : memref<1x1x40x64xi32, #tpu.memory_space<hbm>> -> memref<40x64xi32, #tpu.memory_space<hbm>>
        %dma_wait3A_119 = arith.constant 0 : i32
        %dma_wait3A_120 = arith.constant 0 : i32
        %dma_wait3A_121 = tpu.memref_slice %arg3[%arg1, %scan3A_57, %dma_wait3A_119, %dma_wait3A_120] : memref<16x8x40x64xi32, #tpu.memory_space<hbm>> -> memref<1x1x40x64xi32, #tpu.memory_space<hbm>>
        %dma_wait3A_122 = tpu.memref_squeeze %dma_wait3A_121 : memref<1x1x40x64xi32, #tpu.memory_space<hbm>> -> memref<40x64xi32, #tpu.memory_space<hbm>>
        tpu.wait_dma2 semaphore(%run_scoped3A : memref<!tpu.dma_semaphore, #tpu.memory_space<semaphore_mem>>) src(%dma_wait3A_122 : memref<40x64xi32, #tpu.memory_space<hbm>>) dst(%arg7 : memref<40x64xi32, #tpu.memory_space<vmem>>)
        tpu.yield
      }) : () -> ()
      %dma_start3A = arith.constant 0 : i32
      %dma_start3A_59 = arith.constant 0 : i32
      %dma_start3A_60 = tpu.memref_slice %arg6[%dma_start3A, %dma_start3A_59] : memref<40x64xi32, #tpu.memory_space<vmem>> -> memref<1x64xi32, #tpu.memory_space<vmem>>
      %dma_start3A_61 = tpu.memref_squeeze %dma_start3A_60 : memref<1x64xi32, #tpu.memory_space<vmem>> -> memref<64xi32, #tpu.memory_space<vmem>>
      %dma_start3A_62 = arith.constant 0 : i32
      %dma_start3A_63 = arith.constant 0 : i32
      %dma_start3A_64 = tpu.memref_slice %arg4[%dma_start3A_62, %dma_start3A_63] : memref<10000x128xf32, #tpu.memory_space<hbm>> -> memref<10000x128xf32, #tpu.memory_space<hbm>>
      tpu.enqueue_indirect_dma source(%dma_start3A_64 : memref<10000x128xf32, #tpu.memory_space<hbm>>) target(%arg8 : memref<64x128xf32, #tpu.memory_space<vmem>>) offsets(%dma_start3A_61 : memref<64xi32, #tpu.memory_space<vmem>>) semaphore(%arg13 : memref<!tpu.dma_semaphore, #tpu.memory_space<semaphore_mem>>)
      %dma_start3A_65 = arith.constant 1 : i32
      %dma_start3A_66 = arith.constant 0 : i32
      %dma_start3A_67 = tpu.memref_slice %arg6[%dma_start3A_65, %dma_start3A_66] : memref<40x64xi32, #tpu.memory_space<vmem>> -> memref<1x64xi32, #tpu.memory_space<vmem>>
      %dma_start3A_68 = tpu.memref_squeeze %dma_start3A_67 : memref<1x64xi32, #tpu.memory_space<vmem>> -> memref<64xi32, #tpu.memory_space<vmem>>
      %dma_start3A_69 = arith.constant 0 : i32
      %dma_start3A_70 = arith.constant 0 : i32
      %dma_start3A_71 = tpu.memref_slice %arg4[%dma_start3A_69, %dma_start3A_70] : memref<10000x128xf32, #tpu.memory_space<hbm>> -> memref<10000x128xf32, #tpu.memory_space<hbm>>
      tpu.enqueue_indirect_dma source(%dma_start3A_71 : memref<10000x128xf32, #tpu.memory_space<hbm>>) target(%arg9 : memref<64x128xf32, #tpu.memory_space<vmem>>) offsets(%dma_start3A_68 : memref<64xi32, #tpu.memory_space<vmem>>) semaphore(%arg14 : memref<!tpu.dma_semaphore, #tpu.memory_space<semaphore_mem>>)
      %scan3A_72 = arith.constant 0 : i32
      %scan3A_73 = arith.constant 0 : i32
      %scan3A_74 = arith.constant 10 : i32
      %scan3A_75 = arith.addi %scan3A_73, %scan3A_74 : i32
      %scan3A_76 = arith.constant 1 : i32
      %scan3A_77 = scf.for %scan3A_107 = %scan3A_73 to %scan3A_75 step %scan3A_76 iter_args(%scan3A_108 = %scan3A_72) -> (i32)  : i32 {
        %mul3A_109 = arith.constant 4 : i32
        %mul3A_110 = arith.muli %mul3A_109, %scan3A_107 : i32
        %add3A_111 = arith.constant 0 : i32
        %add3A_112 = arith.addi %mul3A_110, %add3A_111 : i32
        %dma_wait3A_113 = arith.constant 0 : i32
        %dma_wait3A_114 = tpu.memref_slice %arg6[%add3A_112, %dma_wait3A_113] : memref<40x64xi32, #tpu.memory_space<vmem>> -> memref<1x64xi32, #tpu.memory_space<vmem>>
        %dma_wait3A_115 = tpu.memref_squeeze %dma_wait3A_114 : memref<1x64xi32, #tpu.memory_space<vmem>> -> memref<64xi32, #tpu.memory_space<vmem>>
        %dma_wait3A_116 = arith.constant 0 : i32
        %dma_wait3A_117 = arith.constant 0 : i32
        %dma_wait3A_118 = tpu.memref_slice %arg4[%dma_wait3A_116, %dma_wait3A_117] : memref<10000x128xf32, #tpu.memory_space<hbm>> -> memref<10000x128xf32, #tpu.memory_space<hbm>>
        tpu.wait_indirect_dma semaphore(%arg13 : memref<!tpu.dma_semaphore, #tpu.memory_space<semaphore_mem>>) src(%dma_wait3A_118 : memref<10000x128xf32, #tpu.memory_space<hbm>>) dst(%arg8 : memref<64x128xf32, #tpu.memory_space<vmem>>)
        %dma_start3A_119 = arith.constant 0 : i32
        %dma_start3A_120 = tpu.memref_slice %arg7[%add3A_112, %dma_start3A_119] : memref<40x64xi32, #tpu.memory_space<vmem>> -> memref<1x64xi32, #tpu.memory_space<vmem>>
        %dma_start3A_121 = tpu.memref_squeeze %dma_start3A_120 : memref<1x64xi32, #tpu.memory_space<vmem>> -> memref<64xi32, #tpu.memory_space<vmem>>
        %dma_start3A_122 = arith.constant 0 : i32
        %dma_start3A_123 = arith.constant 0 : i32
        %dma_start3A_124 = tpu.memref_slice %arg12[%dma_start3A_122, %dma_start3A_123] : memref<10240x128xf32, #tpu.memory_space<vmem_shared>> -> memref<10240x128xf32, #tpu.memory_space<vmem_shared>>
        tpu.enqueue_indirect_dma source(%arg8 : memref<64x128xf32, #tpu.memory_space<vmem>>) target(%dma_start3A_124 : memref<10240x128xf32, #tpu.memory_space<vmem_shared>>) offsets(%dma_start3A_121 : memref<64xi32, #tpu.memory_space<vmem>>) semaphore(%arg17 : memref<!tpu.dma_semaphore, #tpu.memory_space<semaphore_mem>>) {add = true}
        %gt3A = arith.constant 0 : i32
        %gt3A_125 = arith.cmpi sgt, %scan3A_107, %gt3A : i32
        %convert_element_type3A = arith.extui %gt3A_125 : i1 to i32
        %cond3A = arith.constant 0 : i32
        %cond3A_126 = arith.cmpi ne, %convert_element_type3A, %cond3A : i32
        scf.if %cond3A_126 {
          %sub3A = arith.constant 2 : i32
          %sub3A_206 = arith.subi %add3A_112, %sub3A : i32
          %dma_wait3A_207 = arith.constant 0 : i32
          %dma_wait3A_208 = tpu.memref_slice %arg7[%sub3A_206, %dma_wait3A_207] : memref<40x64xi32, #tpu.memory_space<vmem>> -> memref<1x64xi32, #tpu.memory_space<vmem>>
          %dma_wait3A_209 = tpu.memref_squeeze %dma_wait3A_208 : memref<1x64xi32, #tpu.memory_space<vmem>> -> memref<64xi32, #tpu.memory_space<vmem>>
          %dma_wait3A_210 = arith.constant 0 : i32
          %dma_wait3A_211 = arith.constant 0 : i32
          %dma_wait3A_212 = tpu.memref_slice %arg12[%dma_wait3A_210, %dma_wait3A_211] : memref<10240x128xf32, #tpu.memory_space<vmem_shared>> -> memref<10240x128xf32, #tpu.memory_space<vmem_shared>>
          tpu.wait_indirect_dma semaphore(%arg19 : memref<!tpu.dma_semaphore, #tpu.memory_space<semaphore_mem>>) src(%arg10 : memref<64x128xf32, #tpu.memory_space<vmem>>) dst(%dma_wait3A_212 : memref<10240x128xf32, #tpu.memory_space<vmem_shared>>)
        } else {
        }
        %add3A_127 = arith.constant 2 : i32
        %add3A_128 = arith.addi %add3A_112, %add3A_127 : i32
        %dma_start3A_129 = arith.constant 0 : i32
        %dma_start3A_130 = tpu.memref_slice %arg6[%add3A_128, %dma_start3A_129] : memref<40x64xi32, #tpu.memory_space<vmem>> -> memref<1x64xi32, #tpu.memory_space<vmem>>
        %dma_start3A_131 = tpu.memref_squeeze %dma_start3A_130 : memref<1x64xi32, #tpu.memory_space<vmem>> -> memref<64xi32, #tpu.memory_space<vmem>>
        %dma_start3A_132 = arith.constant 0 : i32
        %dma_start3A_133 = arith.constant 0 : i32
        %dma_start3A_134 = tpu.memref_slice %arg4[%dma_start3A_132, %dma_start3A_133] : memref<10000x128xf32, #tpu.memory_space<hbm>> -> memref<10000x128xf32, #tpu.memory_space<hbm>>
        tpu.enqueue_indirect_dma source(%dma_start3A_134 : memref<10000x128xf32, #tpu.memory_space<hbm>>) target(%arg10 : memref<64x128xf32, #tpu.memory_space<vmem>>) offsets(%dma_start3A_131 : memref<64xi32, #tpu.memory_space<vmem>>) semaphore(%arg15 : memref<!tpu.dma_semaphore, #tpu.memory_space<semaphore_mem>>)
        %mul3A_135 = arith.constant 4 : i32
        %mul3A_136 = arith.muli %mul3A_135, %scan3A_107 : i32
        %add3A_137 = arith.constant 1 : i32
        %add3A_138 = arith.addi %mul3A_136, %add3A_137 : i32
        %dma_wait3A_139 = arith.constant 0 : i32
        %dma_wait3A_140 = tpu.memref_slice %arg6[%add3A_138, %dma_wait3A_139] : memref<40x64xi32, #tpu.memory_space<vmem>> -> memref<1x64xi32, #tpu.memory_space<vmem>>
        %dma_wait3A_141 = tpu.memref_squeeze %dma_wait3A_140 : memref<1x64xi32, #tpu.memory_space<vmem>> -> memref<64xi32, #tpu.memory_space<vmem>>
        %dma_wait3A_142 = arith.constant 0 : i32
        %dma_wait3A_143 = arith.constant 0 : i32
        %dma_wait3A_144 = tpu.memref_slice %arg4[%dma_wait3A_142, %dma_wait3A_143] : memref<10000x128xf32, #tpu.memory_space<hbm>> -> memref<10000x128xf32, #tpu.memory_space<hbm>>
        tpu.wait_indirect_dma semaphore(%arg14 : memref<!tpu.dma_semaphore, #tpu.memory_space<semaphore_mem>>) src(%dma_wait3A_144 : memref<10000x128xf32, #tpu.memory_space<hbm>>) dst(%arg9 : memref<64x128xf32, #tpu.memory_space<vmem>>)
        %dma_start3A_145 = arith.constant 0 : i32
        %dma_start3A_146 = tpu.memref_slice %arg7[%add3A_138, %dma_start3A_145] : memref<40x64xi32, #tpu.memory_space<vmem>> -> memref<1x64xi32, #tpu.memory_space<vmem>>
        %dma_start3A_147 = tpu.memref_squeeze %dma_start3A_146 : memref<1x64xi32, #tpu.memory_space<vmem>> -> memref<64xi32, #tpu.memory_space<vmem>>
        %dma_start3A_148 = arith.constant 0 : i32
        %dma_start3A_149 = arith.constant 0 : i32
        %dma_start3A_150 = tpu.memref_slice %arg12[%dma_start3A_148, %dma_start3A_149] : memref<10240x128xf32, #tpu.memory_space<vmem_shared>> -> memref<10240x128xf32, #tpu.memory_space<vmem_shared>>
        tpu.enqueue_indirect_dma source(%arg9 : memref<64x128xf32, #tpu.memory_space<vmem>>) target(%dma_start3A_150 : memref<10240x128xf32, #tpu.memory_space<vmem_shared>>) offsets(%dma_start3A_147 : memref<64xi32, #tpu.memory_space<vmem>>) semaphore(%arg18 : memref<!tpu.dma_semaphore, #tpu.memory_space<semaphore_mem>>) {add = true}
        %gt3A_151 = arith.constant 0 : i32
        %gt3A_152 = arith.cmpi sgt, %scan3A_107, %gt3A_151 : i32
        %convert_element_type3A_153 = arith.extui %gt3A_152 : i1 to i32
        %cond3A_154 = arith.constant 0 : i32
        %cond3A_155 = arith.cmpi ne, %convert_element_type3A_153, %cond3A_154 : i32
        scf.if %cond3A_155 {
          %sub3A = arith.constant 2 : i32
          %sub3A_206 = arith.subi %add3A_138, %sub3A : i32
          %dma_wait3A_207 = arith.constant 0 : i32
          %dma_wait3A_208 = tpu.memref_slice %arg7[%sub3A_206, %dma_wait3A_207] : memref<40x64xi32, #tpu.memory_space<vmem>> -> memref<1x64xi32, #tpu.memory_space<vmem>>
          %dma_wait3A_209 = tpu.memref_squeeze %dma_wait3A_208 : memref<1x64xi32, #tpu.memory_space<vmem>> -> memref<64xi32, #tpu.memory_space<vmem>>
          %dma_wait3A_210 = arith.constant 0 : i32
          %dma_wait3A_211 = arith.constant 0 : i32
          %dma_wait3A_212 = tpu.memref_slice %arg12[%dma_wait3A_210, %dma_wait3A_211] : memref<10240x128xf32, #tpu.memory_space<vmem_shared>> -> memref<10240x128xf32, #tpu.memory_space<vmem_shared>>
          tpu.wait_indirect_dma semaphore(%arg20 : memref<!tpu.dma_semaphore, #tpu.memory_space<semaphore_mem>>) src(%arg11 : memref<64x128xf32, #tpu.memory_space<vmem>>) dst(%dma_wait3A_212 : memref<10240x128xf32, #tpu.memory_space<vmem_shared>>)
        } else {
        }
        %add3A_156 = arith.constant 2 : i32
        %add3A_157 = arith.addi %add3A_138, %add3A_156 : i32
        %dma_start3A_158 = arith.constant 0 : i32
        %dma_start3A_159 = tpu.memref_slice %arg6[%add3A_157, %dma_start3A_158] : memref<40x64xi32, #tpu.memory_space<vmem>> -> memref<1x64xi32, #tpu.memory_space<vmem>>
        %dma_start3A_160 = tpu.memref_squeeze %dma_start3A_159 : memref<1x64xi32, #tpu.memory_space<vmem>> -> memref<64xi32, #tpu.memory_space<vmem>>
        %dma_start3A_161 = arith.constant 0 : i32
        %dma_start3A_162 = arith.constant 0 : i32
        %dma_start3A_163 = tpu.memref_slice %arg4[%dma_start3A_161, %dma_start3A_162] : memref<10000x128xf32, #tpu.memory_space<hbm>> -> memref<10000x128xf32, #tpu.memory_space<hbm>>
        tpu.enqueue_indirect_dma source(%dma_start3A_163 : memref<10000x128xf32, #tpu.memory_space<hbm>>) target(%arg11 : memref<64x128xf32, #tpu.memory_space<vmem>>) offsets(%dma_start3A_160 : memref<64xi32, #tpu.memory_space<vmem>>) semaphore(%arg16 : memref<!tpu.dma_semaphore, #tpu.memory_space<semaphore_mem>>)
        %mul3A_164 = arith.constant 4 : i32
        %mul3A_165 = arith.muli %mul3A_164, %scan3A_107 : i32
        %add3A_166 = arith.constant 2 : i32
        %add3A_167 = arith.addi %mul3A_165, %add3A_166 : i32
        %dma_wait3A_168 = arith.constant 0 : i32
        %dma_wait3A_169 = tpu.memref_slice %arg6[%add3A_167, %dma_wait3A_168] : memref<40x64xi32, #tpu.memory_space<vmem>> -> memref<1x64xi32, #tpu.memory_space<vmem>>
        %dma_wait3A_170 = tpu.memref_squeeze %dma_wait3A_169 : memref<1x64xi32, #tpu.memory_space<vmem>> -> memref<64xi32, #tpu.memory_space<vmem>>
        %dma_wait3A_171 = arith.constant 0 : i32
        %dma_wait3A_172 = arith.constant 0 : i32
        %dma_wait3A_173 = tpu.memref_slice %arg4[%dma_wait3A_171, %dma_wait3A_172] : memref<10000x128xf32, #tpu.memory_space<hbm>> -> memref<10000x128xf32, #tpu.memory_space<hbm>>
        tpu.wait_indirect_dma semaphore(%arg15 : memref<!tpu.dma_semaphore, #tpu.memory_space<semaphore_mem>>) src(%dma_wait3A_173 : memref<10000x128xf32, #tpu.memory_space<hbm>>) dst(%arg10 : memref<64x128xf32, #tpu.memory_space<vmem>>)
        %dma_start3A_174 = arith.constant 0 : i32
        %dma_start3A_175 = tpu.memref_slice %arg7[%add3A_167, %dma_start3A_174] : memref<40x64xi32, #tpu.memory_space<vmem>> -> memref<1x64xi32, #tpu.memory_space<vmem>>
        %dma_start3A_176 = tpu.memref_squeeze %dma_start3A_175 : memref<1x64xi32, #tpu.memory_space<vmem>> -> memref<64xi32, #tpu.memory_space<vmem>>
        %dma_start3A_177 = arith.constant 0 : i32
        %dma_start3A_178 = arith.constant 0 : i32
        %dma_start3A_179 = tpu.memref_slice %arg12[%dma_start3A_177, %dma_start3A_178] : memref<10240x128xf32, #tpu.memory_space<vmem_shared>> -> memref<10240x128xf32, #tpu.memory_space<vmem_shared>>
        tpu.enqueue_indirect_dma source(%arg10 : memref<64x128xf32, #tpu.memory_space<vmem>>) target(%dma_start3A_179 : memref<10240x128xf32, #tpu.memory_space<vmem_shared>>) offsets(%dma_start3A_176 : memref<64xi32, #tpu.memory_space<vmem>>) semaphore(%arg19 : memref<!tpu.dma_semaphore, #tpu.memory_space<semaphore_mem>>) {add = true}
        %lt3A = arith.constant 9 : i32
        %lt3A_180 = arith.cmpi slt, %scan3A_107, %lt3A : i32
        %convert_element_type3A_181 = arith.extui %lt3A_180 : i1 to i32
        %cond3A_182 = arith.constant 0 : i32
        %cond3A_183 = arith.cmpi ne, %convert_element_type3A_181, %cond3A_182 : i32
        scf.if %cond3A_183 {
          %sub3A = arith.constant 2 : i32
          %sub3A_206 = arith.subi %add3A_167, %sub3A : i32
          %dma_wait3A_207 = arith.constant 0 : i32
          %dma_wait3A_208 = tpu.memref_slice %arg7[%sub3A_206, %dma_wait3A_207] : memref<40x64xi32, #tpu.memory_space<vmem>> -> memref<1x64xi32, #tpu.memory_space<vmem>>
          %dma_wait3A_209 = tpu.memref_squeeze %dma_wait3A_208 : memref<1x64xi32, #tpu.memory_space<vmem>> -> memref<64xi32, #tpu.memory_space<vmem>>
          %dma_wait3A_210 = arith.constant 0 : i32
          %dma_wait3A_211 = arith.constant 0 : i32
          %dma_wait3A_212 = tpu.memref_slice %arg12[%dma_wait3A_210, %dma_wait3A_211] : memref<10240x128xf32, #tpu.memory_space<vmem_shared>> -> memref<10240x128xf32, #tpu.memory_space<vmem_shared>>
          tpu.wait_indirect_dma semaphore(%arg17 : memref<!tpu.dma_semaphore, #tpu.memory_space<semaphore_mem>>) src(%arg8 : memref<64x128xf32, #tpu.memory_space<vmem>>) dst(%dma_wait3A_212 : memref<10240x128xf32, #tpu.memory_space<vmem_shared>>)
          %add3A_213 = arith.constant 2 : i32
          %add3A_214 = arith.addi %add3A_167, %add3A_213 : i32
          %dma_start3A_215 = arith.constant 0 : i32
          %dma_start3A_216 = tpu.memref_slice %arg6[%add3A_214, %dma_start3A_215] : memref<40x64xi32, #tpu.memory_space<vmem>> -> memref<1x64xi32, #tpu.memory_space<vmem>>
          %dma_start3A_217 = tpu.memref_squeeze %dma_start3A_216 : memref<1x64xi32, #tpu.memory_space<vmem>> -> memref<64xi32, #tpu.memory_space<vmem>>
          %dma_start3A_218 = arith.constant 0 : i32
          %dma_start3A_219 = arith.constant 0 : i32
          %dma_start3A_220 = tpu.memref_slice %arg4[%dma_start3A_218, %dma_start3A_219] : memref<10000x128xf32, #tpu.memory_space<hbm>> -> memref<10000x128xf32, #tpu.memory_space<hbm>>
          tpu.enqueue_indirect_dma source(%dma_start3A_220 : memref<10000x128xf32, #tpu.memory_space<hbm>>) target(%arg8 : memref<64x128xf32, #tpu.memory_space<vmem>>) offsets(%dma_start3A_217 : memref<64xi32, #tpu.memory_space<vmem>>) semaphore(%arg13 : memref<!tpu.dma_semaphore, #tpu.memory_space<semaphore_mem>>)
        } else {
        }
        %mul3A_184 = arith.constant 4 : i32
        %mul3A_185 = arith.muli %mul3A_184, %scan3A_107 : i32
        %add3A_186 = arith.constant 3 : i32
        %add3A_187 = arith.addi %mul3A_185, %add3A_186 : i32
        %dma_wait3A_188 = arith.constant 0 : i32
        %dma_wait3A_189 = tpu.memref_slice %arg6[%add3A_187, %dma_wait3A_188] : memref<40x64xi32, #tpu.memory_space<vmem>> -> memref<1x64xi32, #tpu.memory_space<vmem>>
        %dma_wait3A_190 = tpu.memref_squeeze %dma_wait3A_189 : memref<1x64xi32, #tpu.memory_space<vmem>> -> memref<64xi32, #tpu.memory_space<vmem>>
        %dma_wait3A_191 = arith.constant 0 : i32
        %dma_wait3A_192 = arith.constant 0 : i32
        %dma_wait3A_193 = tpu.memref_slice %arg4[%dma_wait3A_191, %dma_wait3A_192] : memref<10000x128xf32, #tpu.memory_space<hbm>> -> memref<10000x128xf32, #tpu.memory_space<hbm>>
        tpu.wait_indirect_dma semaphore(%arg16 : memref<!tpu.dma_semaphore, #tpu.memory_space<semaphore_mem>>) src(%dma_wait3A_193 : memref<10000x128xf32, #tpu.memory_space<hbm>>) dst(%arg11 : memref<64x128xf32, #tpu.memory_space<vmem>>)
        %dma_start3A_194 = arith.constant 0 : i32
        %dma_start3A_195 = tpu.memref_slice %arg7[%add3A_187, %dma_start3A_194] : memref<40x64xi32, #tpu.memory_space<vmem>> -> memref<1x64xi32, #tpu.memory_space<vmem>>
        %dma_start3A_196 = tpu.memref_squeeze %dma_start3A_195 : memref<1x64xi32, #tpu.memory_space<vmem>> -> memref<64xi32, #tpu.memory_space<vmem>>
        %dma_start3A_197 = arith.constant 0 : i32
        %dma_start3A_198 = arith.constant 0 : i32
        %dma_start3A_199 = tpu.memref_slice %arg12[%dma_start3A_197, %dma_start3A_198] : memref<10240x128xf32, #tpu.memory_space<vmem_shared>> -> memref<10240x128xf32, #tpu.memory_space<vmem_shared>>
        tpu.enqueue_indirect_dma source(%arg11 : memref<64x128xf32, #tpu.memory_space<vmem>>) target(%dma_start3A_199 : memref<10240x128xf32, #tpu.memory_space<vmem_shared>>) offsets(%dma_start3A_196 : memref<64xi32, #tpu.memory_space<vmem>>) semaphore(%arg20 : memref<!tpu.dma_semaphore, #tpu.memory_space<semaphore_mem>>) {add = true}
        %lt3A_200 = arith.constant 9 : i32
        %lt3A_201 = arith.cmpi slt, %scan3A_107, %lt3A_200 : i32
        %convert_element_type3A_202 = arith.extui %lt3A_201 : i1 to i32
        %cond3A_203 = arith.constant 0 : i32
        %cond3A_204 = arith.cmpi ne, %convert_element_type3A_202, %cond3A_203 : i32
        scf.if %cond3A_204 {
          %sub3A = arith.constant 2 : i32
          %sub3A_206 = arith.subi %add3A_187, %sub3A : i32
          %dma_wait3A_207 = arith.constant 0 : i32
          %dma_wait3A_208 = tpu.memref_slice %arg7[%sub3A_206, %dma_wait3A_207] : memref<40x64xi32, #tpu.memory_space<vmem>> -> memref<1x64xi32, #tpu.memory_space<vmem>>
          %dma_wait3A_209 = tpu.memref_squeeze %dma_wait3A_208 : memref<1x64xi32, #tpu.memory_space<vmem>> -> memref<64xi32, #tpu.memory_space<vmem>>
          %dma_wait3A_210 = arith.constant 0 : i32
          %dma_wait3A_211 = arith.constant 0 : i32
          %dma_wait3A_212 = tpu.memref_slice %arg12[%dma_wait3A_210, %dma_wait3A_211] : memref<10240x128xf32, #tpu.memory_space<vmem_shared>> -> memref<10240x128xf32, #tpu.memory_space<vmem_shared>>
          tpu.wait_indirect_dma semaphore(%arg18 : memref<!tpu.dma_semaphore, #tpu.memory_space<semaphore_mem>>) src(%arg9 : memref<64x128xf32, #tpu.memory_space<vmem>>) dst(%dma_wait3A_212 : memref<10240x128xf32, #tpu.memory_space<vmem_shared>>)
          %add3A_213 = arith.constant 2 : i32
          %add3A_214 = arith.addi %add3A_187, %add3A_213 : i32
          %dma_start3A_215 = arith.constant 0 : i32
          %dma_start3A_216 = tpu.memref_slice %arg6[%add3A_214, %dma_start3A_215] : memref<40x64xi32, #tpu.memory_space<vmem>> -> memref<1x64xi32, #tpu.memory_space<vmem>>
          %dma_start3A_217 = tpu.memref_squeeze %dma_start3A_216 : memref<1x64xi32, #tpu.memory_space<vmem>> -> memref<64xi32, #tpu.memory_space<vmem>>
          %dma_start3A_218 = arith.constant 0 : i32
          %dma_start3A_219 = arith.constant 0 : i32
          %dma_start3A_220 = tpu.memref_slice %arg4[%dma_start3A_218, %dma_start3A_219] : memref<10000x128xf32, #tpu.memory_space<hbm>> -> memref<10000x128xf32, #tpu.memory_space<hbm>>
          tpu.enqueue_indirect_dma source(%dma_start3A_220 : memref<10000x128xf32, #tpu.memory_space<hbm>>) target(%arg9 : memref<64x128xf32, #tpu.memory_space<vmem>>) offsets(%dma_start3A_217 : memref<64xi32, #tpu.memory_space<vmem>>) semaphore(%arg14 : memref<!tpu.dma_semaphore, #tpu.memory_space<semaphore_mem>>)
        } else {
        }
        %scan3A_205 = arith.constant 0 : i32
        scf.yield %scan3A_205 : i32
      }
      %scan3A_78 = arith.constant 10 : i32
      %dma_wait3A = arith.constant 36 : i32
      %dma_wait3A_79 = arith.constant 0 : i32
      %dma_wait3A_80 = tpu.memref_slice %arg7[%dma_wait3A, %dma_wait3A_79] : memref<40x64xi32, #tpu.memory_space<vmem>> -> memref<1x64xi32, #tpu.memory_space<vmem>>
      %dma_wait3A_81 = tpu.memref_squeeze %dma_wait3A_80 : memref<1x64xi32, #tpu.memory_space<vmem>> -> memref<64xi32, #tpu.memory_space<vmem>>
      %dma_wait3A_82 = arith.constant 0 : i32
      %dma_wait3A_83 = arith.constant 0 : i32
      %dma_wait3A_84 = tpu.memref_slice %arg12[%dma_wait3A_82, %dma_wait3A_83] : memref<10240x128xf32, #tpu.memory_space<vmem_shared>> -> memref<10240x128xf32, #tpu.memory_space<vmem_shared>>
      tpu.wait_indirect_dma semaphore(%arg17 : memref<!tpu.dma_semaphore, #tpu.memory_space<semaphore_mem>>) src(%arg8 : memref<64x128xf32, #tpu.memory_space<vmem>>) dst(%dma_wait3A_84 : memref<10240x128xf32, #tpu.memory_space<vmem_shared>>)
      %dma_wait3A_85 = arith.constant 37 : i32
      %dma_wait3A_86 = arith.constant 0 : i32
      %dma_wait3A_87 = tpu.memref_slice %arg7[%dma_wait3A_85, %dma_wait3A_86] : memref<40x64xi32, #tpu.memory_space<vmem>> -> memref<1x64xi32, #tpu.memory_space<vmem>>
      %dma_wait3A_88 = tpu.memref_squeeze %dma_wait3A_87 : memref<1x64xi32, #tpu.memory_space<vmem>> -> memref<64xi32, #tpu.memory_space<vmem>>
      %dma_wait3A_89 = arith.constant 0 : i32
      %dma_wait3A_90 = arith.constant 0 : i32
      %dma_wait3A_91 = tpu.memref_slice %arg12[%dma_wait3A_89, %dma_wait3A_90] : memref<10240x128xf32, #tpu.memory_space<vmem_shared>> -> memref<10240x128xf32, #tpu.memory_space<vmem_shared>>
      tpu.wait_indirect_dma semaphore(%arg18 : memref<!tpu.dma_semaphore, #tpu.memory_space<semaphore_mem>>) src(%arg9 : memref<64x128xf32, #tpu.memory_space<vmem>>) dst(%dma_wait3A_91 : memref<10240x128xf32, #tpu.memory_space<vmem_shared>>)
      %dma_wait3A_92 = arith.constant 38 : i32
      %dma_wait3A_93 = arith.constant 0 : i32
      %dma_wait3A_94 = tpu.memref_slice %arg7[%dma_wait3A_92, %dma_wait3A_93] : memref<40x64xi32, #tpu.memory_space<vmem>> -> memref<1x64xi32, #tpu.memory_space<vmem>>
      %dma_wait3A_95 = tpu.memref_squeeze %dma_wait3A_94 : memref<1x64xi32, #tpu.memory_space<vmem>> -> memref<64xi32, #tpu.memory_space<vmem>>
      %dma_wait3A_96 = arith.constant 0 : i32
      %dma_wait3A_97 = arith.constant 0 : i32
      %dma_wait3A_98 = tpu.memref_slice %arg12[%dma_wait3A_96, %dma_wait3A_97] : memref<10240x128xf32, #tpu.memory_space<vmem_shared>> -> memref<10240x128xf32, #tpu.memory_space<vmem_shared>>
      tpu.wait_indirect_dma semaphore(%arg19 : memref<!tpu.dma_semaphore, #tpu.memory_space<semaphore_mem>>) src(%arg10 : memref<64x128xf32, #tpu.memory_space<vmem>>) dst(%dma_wait3A_98 : memref<10240x128xf32, #tpu.memory_space<vmem_shared>>)
      %dma_wait3A_99 = arith.constant 39 : i32
      %dma_wait3A_100 = arith.constant 0 : i32
      %dma_wait3A_101 = tpu.memref_slice %arg7[%dma_wait3A_99, %dma_wait3A_100] : memref<40x64xi32, #tpu.memory_space<vmem>> -> memref<1x64xi32, #tpu.memory_space<vmem>>
      %dma_wait3A_102 = tpu.memref_squeeze %dma_wait3A_101 : memref<1x64xi32, #tpu.memory_space<vmem>> -> memref<64xi32, #tpu.memory_space<vmem>>
      %dma_wait3A_103 = arith.constant 0 : i32
      %dma_wait3A_104 = arith.constant 0 : i32
      %dma_wait3A_105 = tpu.memref_slice %arg12[%dma_wait3A_103, %dma_wait3A_104] : memref<10240x128xf32, #tpu.memory_space<vmem_shared>> -> memref<10240x128xf32, #tpu.memory_space<vmem_shared>>
      tpu.wait_indirect_dma semaphore(%arg20 : memref<!tpu.dma_semaphore, #tpu.memory_space<semaphore_mem>>) src(%arg11 : memref<64x128xf32, #tpu.memory_space<vmem>>) dst(%dma_wait3A_105 : memref<10240x128xf32, #tpu.memory_space<vmem_shared>>)
      %scan3A_106 = arith.constant 0 : i32
      scf.yield %scan3A_106 : i32
    }
    %scan3A_51 = arith.constant 8 : i32
    %barrier3A_52 = arith.constant 0 : index
    tpu.barrier barrier_id(%barrier3A_52)
    %mul3A_53 = arith.constant 640 : i32
    %mul3A_54 = arith.muli %arg1, %mul3A_53 : i32
    %mul3A_55 = arith.constant 640 : i32
    %mul3A_56 = arith.muli %arg1, %mul3A_55 : i32
    "tpu.region"() ({
      %run_scoped3A = tpu.sem_alloc : memref<!tpu.dma_semaphore, #tpu.memory_space<semaphore_mem>>
      %dma_start3A = arith.constant 0 : i32
      %dma_start3A_57 = tpu.memref_slice %arg5[%mul3A_56, %dma_start3A] : memref<10240x128xf32, #tpu.memory_space<hbm>> -> memref<640x128xf32, #tpu.memory_space<hbm>>
      %dma_start3A_58 = arith.constant 0 : i32
      %dma_start3A_59 = tpu.memref_slice %arg12[%mul3A_54, %dma_start3A_58] : memref<10240x128xf32, #tpu.memory_space<vmem_shared>> -> memref<640x128xf32, #tpu.memory_space<vmem_shared>>
      tpu.enqueue_dma source(%dma_start3A_59 : memref<640x128xf32, #tpu.memory_space<vmem_shared>>) target(%dma_start3A_57 : memref<640x128xf32, #tpu.memory_space<hbm>>) target_semaphore(%run_scoped3A : memref<!tpu.dma_semaphore, #tpu.memory_space<semaphore_mem>>)
      %dma_wait3A = arith.constant 0 : i32
      %dma_wait3A_60 = tpu.memref_slice %arg5[%mul3A_56, %dma_wait3A] : memref<10240x128xf32, #tpu.memory_space<hbm>> -> memref<640x128xf32, #tpu.memory_space<hbm>>
      %dma_wait3A_61 = arith.constant 0 : i32
      %dma_wait3A_62 = tpu.memref_slice %arg12[%mul3A_54, %dma_wait3A_61] : memref<10240x128xf32, #tpu.memory_space<vmem_shared>> -> memref<640x128xf32, #tpu.memory_space<vmem_shared>>
      tpu.wait_dma2 semaphore(%run_scoped3A : memref<!tpu.dma_semaphore, #tpu.memory_space<semaphore_mem>>) src(%dma_wait3A_62 : memref<640x128xf32, #tpu.memory_space<vmem_shared>>) dst(%dma_wait3A_60 : memref<640x128xf32, #tpu.memory_space<hbm>>)
      tpu.yield
    }) : () -> ()
    return
  }
}

module attributes {stable_mosaic.version = 14 : i64} {
  func.func @_transform_body(%arg0: i32, %arg1: memref<2000x128xf32, #tpu.memory_space<vmem>>, %arg2: memref<128x128xf32, #tpu.memory_space<vmem>>, %arg3: memref<1x128xf32, #tpu.memory_space<vmem>>, %arg4: memref<2000x128xf32, #tpu.memory_space<vmem>>, %arg5: memref<2x128xf32, #tpu.memory_space<vmem>>, %arg6: memref<2x128xf32, #tpu.memory_space<vmem>>) attributes {dimension_semantics = [#tpu.dimension_semantics<arbitrary>], iteration_bounds = array<i64: 5>, scalar_prefetch = 0 : i64, scratch_operands = 1 : i64, tpu.core_type = #tpu.core_type<tc>, window_params = [{transform_indices = @transform_0, window_bounds = array<i64: 2000, 128>}, {pipeline_mode = #tpu.pipeline_mode<synchronous>, transform_indices = @transform_1, window_bounds = array<i64: 128, 128>}, {pipeline_mode = #tpu.pipeline_mode<synchronous>, transform_indices = @transform_2, window_bounds = array<i64: 1, 128>}, {transform_indices = @transform_3, window_bounds = array<i64: 2000, 128>}, {pipeline_mode = #tpu.pipeline_mode<synchronous>, transform_indices = @transform_4, window_bounds = array<i64: 2, 128>}]} {
    %get3A = arith.constant 0 : index
    %get3A_0 = arith.constant 0 : index
    %get3A_1 = vector.load %arg1[%get3A, %get3A_0] : memref<2000x128xf32, #tpu.memory_space<vmem>>, vector<2000x128xf32>
    %get3A_2 = arith.constant 0 : index
    %get3A_3 = arith.constant 0 : index
    %get3A_4 = vector.load %arg2[%get3A_2, %get3A_3] : memref<128x128xf32, #tpu.memory_space<vmem>>, vector<128x128xf32>
    %dot_general3A = arith.constant dense<0.000000e+00> : vector<2000x128xf32>
    %dot_general3A_5 = tpu.matmul %get3A_1, %get3A_4, %dot_general3A {dimension_numbers = #tpu.dot_dimension_numbers<[1], [0], [0], [1], [0, 0, 1, 1], [], []>, transpose_lhs_hint = false} : vector<2000x128xf32>, vector<128x128xf32>, vector<2000x128xf32> -> vector<2000x128xf32>
    %get3A_6 = arith.constant 0 : index
    %get3A_7 = arith.constant 0 : index
    %get3A_8 = vector.load %arg3[%get3A_6, %get3A_7] : memref<1x128xf32, #tpu.memory_space<vmem>>, vector<1x128xf32>
    %add3A = vector.broadcast %get3A_8 : vector<1x128xf32> to vector<2000x128xf32>
    %add3A_9 = arith.addf %dot_general3A_5, %add3A : vector<2000x128xf32>
    %swap3A = arith.constant 0 : index
    %swap3A_10 = arith.constant 0 : index
    %swap3A_11 = vector.load %arg4[%swap3A, %swap3A_10] : memref<2000x128xf32, #tpu.memory_space<vmem>>, vector<2000x128xf32>
    tpu.vector_store %arg4[%swap3A, %swap3A_10], %add3A_9 {strides = array<i32>} : memref<2000x128xf32, #tpu.memory_space<vmem>>, vector<2000x128xf32>,
    %eq3A = arith.constant 0 : i32
    %eq3A_12 = arith.cmpi eq, %arg0, %eq3A : i32
    %convert_element_type3A = arith.extui %eq3A_12 : i1 to i32
    %cond3A = arith.constant 0 : i32
    %cond3A_13 = arith.cmpi ne, %convert_element_type3A, %cond3A : i32
    scf.if %cond3A_13 {
      %broadcast_in_dim3A_37 = arith.constant 0.000000e+00 : f32
      %broadcast_in_dim3A_38 = vector.broadcast %broadcast_in_dim3A_37 : f32 to vector<2x128xf32>
      %swap3A_39 = arith.constant 0 : index
      %swap3A_40 = arith.constant 0 : index
      %swap3A_41 = vector.load %arg6[%swap3A_39, %swap3A_40] : memref<2x128xf32, #tpu.memory_space<vmem>>, vector<2x128xf32>
      tpu.vector_store %arg6[%swap3A_39, %swap3A_40], %broadcast_in_dim3A_38 {strides = array<i32>} : memref<2x128xf32, #tpu.memory_space<vmem>>, vector<2x128xf32>,
    } else {
    }
    %get3A_14 = arith.constant 0 : index
    %get3A_15 = arith.constant 0 : index
    %get3A_16 = vector.load %arg6[%get3A_14, %get3A_15] : memref<2x128xf32, #tpu.memory_space<vmem>>, vector<1x128xf32>
    %reduce_sum3A = arith.constant dense<0.000000e+00> : vector<128xf32>
    %reduce_sum3A_17 = vector.multi_reduction <add>, %add3A_9, %reduce_sum3A [0] : vector<2000x128xf32> to vector<128xf32>
    %broadcast_in_dim3A = vector.shape_cast %reduce_sum3A_17 : vector<128xf32> to vector<1x128xf32>
    %add3A_18 = arith.addf %get3A_16, %broadcast_in_dim3A : vector<1x128xf32>
    %swap3A_19 = arith.constant 0 : index
    %swap3A_20 = arith.constant 0 : index
    %swap3A_21 = vector.load %arg6[%swap3A_19, %swap3A_20] : memref<2x128xf32, #tpu.memory_space<vmem>>, vector<1x128xf32>
    tpu.vector_store %arg6[%swap3A_19, %swap3A_20], %add3A_18 {strides = array<i32>} : memref<2x128xf32, #tpu.memory_space<vmem>>, vector<1x128xf32>,
    %get3A_22 = arith.constant 1 : index
    %get3A_23 = arith.constant 0 : index
    %get3A_24 = vector.load %arg6[%get3A_22, %get3A_23] : memref<2x128xf32, #tpu.memory_space<vmem>>, vector<1x128xf32>
    %mul3A = arith.mulf %add3A_9, %add3A_9 : vector<2000x128xf32>
    %reduce_sum3A_25 = arith.constant dense<0.000000e+00> : vector<128xf32>
    %reduce_sum3A_26 = vector.multi_reduction <add>, %mul3A, %reduce_sum3A_25 [0] : vector<2000x128xf32> to vector<128xf32>
    %broadcast_in_dim3A_27 = vector.shape_cast %reduce_sum3A_26 : vector<128xf32> to vector<1x128xf32>
    %add3A_28 = arith.addf %get3A_24, %broadcast_in_dim3A_27 : vector<1x128xf32>
    %swap3A_29 = arith.constant 1 : index
    %swap3A_30 = arith.constant 0 : index
    %swap3A_31 = vector.load %arg6[%swap3A_29, %swap3A_30] : memref<2x128xf32, #tpu.memory_space<vmem>>, vector<1x128xf32>
    tpu.vector_store %arg6[%swap3A_29, %swap3A_30], %add3A_28 {strides = array<i32>} : memref<2x128xf32, #tpu.memory_space<vmem>>, vector<1x128xf32>,
    %eq3A_32 = arith.constant 4 : i32
    %eq3A_33 = arith.cmpi eq, %arg0, %eq3A_32 : i32
    %convert_element_type3A_34 = arith.extui %eq3A_33 : i1 to i32
    %cond3A_35 = arith.constant 0 : i32
    %cond3A_36 = arith.cmpi ne, %convert_element_type3A_34, %cond3A_35 : i32
    scf.if %cond3A_36 {
      %get3A_37 = arith.constant 0 : index
      %get3A_38 = arith.constant 0 : index
      %get3A_39 = vector.load %arg6[%get3A_37, %get3A_38] : memref<2x128xf32, #tpu.memory_space<vmem>>, vector<2x128xf32>
      %swap3A_40 = arith.constant 0 : index
      %swap3A_41 = arith.constant 0 : index
      %swap3A_42 = vector.load %arg5[%swap3A_40, %swap3A_41] : memref<2x128xf32, #tpu.memory_space<vmem>>, vector<2x128xf32>
      tpu.vector_store %arg5[%swap3A_40, %swap3A_41], %get3A_39 {strides = array<i32>} : memref<2x128xf32, #tpu.memory_space<vmem>>, vector<2x128xf32>,
    } else {
    }
    return
  }
  func.func @transform_0(%arg0: i32) -> (i32, i32) {
    %c0_i32 = arith.constant 0 : i32
    %c0_i32_0 = arith.constant 0 : i32
    return %arg0, %c0_i32 : i32, i32
  }
  func.func @transform_1(%arg0: i32) -> (i32, i32) {
    %c0_i32 = arith.constant 0 : i32
    %c0_i32_0 = arith.constant 0 : i32
    %c0_i32_1 = arith.constant 0 : i32
    return %c0_i32, %c0_i32_0 : i32, i32
  }
  func.func @transform_2(%arg0: i32) -> (i32, i32) {
    %c0_i32 = arith.constant 0 : i32
    %c0_i32_0 = arith.constant 0 : i32
    %c0_i32_1 = arith.constant 0 : i32
    return %c0_i32, %c0_i32_0 : i32, i32
  }
  func.func @transform_3(%arg0: i32) -> (i32, i32) {
    %c0_i32 = arith.constant 0 : i32
    %c0_i32_0 = arith.constant 0 : i32
    return %arg0, %c0_i32 : i32, i32
  }
  func.func @transform_4(%arg0: i32) -> (i32, i32) {
    %c0_i32 = arith.constant 0 : i32
    %c0_i32_0 = arith.constant 0 : i32
    %c0_i32_1 = arith.constant 0 : i32
    return %c0_i32, %c0_i32_0 : i32, i32
  }
}

module attributes {stable_mosaic.version = 14 : i64} {
  func.func @_bn_body(%arg0: i32, %arg1: memref<2000x128xf32, #tpu.memory_space<vmem>>, %arg2: memref<2x128xf32, #tpu.memory_space<vmem>>, %arg3: memref<1x128xf32, #tpu.memory_space<vmem>>, %arg4: memref<1x128xf32, #tpu.memory_space<vmem>>, %arg5: memref<2000x128xf32, #tpu.memory_space<vmem>>) attributes {dimension_semantics = [#tpu.dimension_semantics<arbitrary>], iteration_bounds = array<i64: 5>, scalar_prefetch = 0 : i64, scratch_operands = 0 : i64, tpu.core_type = #tpu.core_type<tc>, window_params = [{transform_indices = @transform_0, window_bounds = array<i64: 2000, 128>}, {pipeline_mode = #tpu.pipeline_mode<synchronous>, transform_indices = @transform_1, window_bounds = array<i64: 2, 128>}, {pipeline_mode = #tpu.pipeline_mode<synchronous>, transform_indices = @transform_2, window_bounds = array<i64: 1, 128>}, {pipeline_mode = #tpu.pipeline_mode<synchronous>, transform_indices = @transform_3, window_bounds = array<i64: 1, 128>}, {transform_indices = @transform_4, window_bounds = array<i64: 2000, 128>}]} {
    %get3A = arith.constant 0 : index
    %get3A_0 = arith.constant 0 : index
    %get3A_1 = vector.load %arg2[%get3A, %get3A_0] : memref<2x128xf32, #tpu.memory_space<vmem>>, vector<1x128xf32>
    %mul3A = arith.constant 9.99999974E-5 : f32
    %mul3A_2 = vector.broadcast %mul3A : f32 to vector<1x128xf32>
    %mul3A_3 = arith.mulf %get3A_1, %mul3A_2 : vector<1x128xf32>
    %get3A_4 = arith.constant 1 : index
    %get3A_5 = arith.constant 0 : index
    %get3A_6 = vector.load %arg2[%get3A_4, %get3A_5] : memref<2x128xf32, #tpu.memory_space<vmem>>, vector<1x128xf32>
    %mul3A_7 = arith.constant 9.99999974E-5 : f32
    %mul3A_8 = vector.broadcast %mul3A_7 : f32 to vector<1x128xf32>
    %mul3A_9 = arith.mulf %get3A_6, %mul3A_8 : vector<1x128xf32>
    %mul3A_10 = arith.mulf %mul3A_3, %mul3A_3 : vector<1x128xf32>
    %sub3A = arith.subf %mul3A_9, %mul3A_10 : vector<1x128xf32>
    %add3A = arith.constant 9.99999974E-6 : f32
    %add3A_11 = vector.broadcast %add3A : f32 to vector<1x128xf32>
    %add3A_12 = arith.addf %sub3A, %add3A_11 : vector<1x128xf32>
    %rsqrt3A = math.rsqrt %add3A_12 : vector<1x128xf32>
    %get3A_13 = arith.constant 0 : index
    %get3A_14 = arith.constant 0 : index
    %get3A_15 = vector.load %arg3[%get3A_13, %get3A_14] : memref<1x128xf32, #tpu.memory_space<vmem>>, vector<1x128xf32>
    %mul3A_16 = arith.mulf %rsqrt3A, %get3A_15 : vector<1x128xf32>
    %get3A_17 = arith.constant 0 : index
    %get3A_18 = arith.constant 0 : index
    %get3A_19 = vector.load %arg1[%get3A_17, %get3A_18] : memref<2000x128xf32, #tpu.memory_space<vmem>>, vector<2000x128xf32>
    %sub3A_20 = vector.broadcast %mul3A_3 : vector<1x128xf32> to vector<2000x128xf32>
    %sub3A_21 = arith.subf %get3A_19, %sub3A_20 : vector<2000x128xf32>
    %mul3A_22 = vector.broadcast %mul3A_16 : vector<1x128xf32> to vector<2000x128xf32>
    %mul3A_23 = arith.mulf %sub3A_21, %mul3A_22 : vector<2000x128xf32>
    %get3A_24 = arith.constant 0 : index
    %get3A_25 = arith.constant 0 : index
    %get3A_26 = vector.load %arg4[%get3A_24, %get3A_25] : memref<1x128xf32, #tpu.memory_space<vmem>>, vector<1x128xf32>
    %add3A_27 = vector.broadcast %get3A_26 : vector<1x128xf32> to vector<2000x128xf32>
    %add3A_28 = arith.addf %mul3A_23, %add3A_27 : vector<2000x128xf32>
    %swap3A = arith.constant 0 : index
    %swap3A_29 = arith.constant 0 : index
    %swap3A_30 = vector.load %arg5[%swap3A, %swap3A_29] : memref<2000x128xf32, #tpu.memory_space<vmem>>, vector<2000x128xf32>
    tpu.vector_store %arg5[%swap3A, %swap3A_29], %add3A_28 {strides = array<i32>} : memref<2000x128xf32, #tpu.memory_space<vmem>>, vector<2000x128xf32>,
    return
  }
  func.func @transform_0(%arg0: i32) -> (i32, i32) {
    %c0_i32 = arith.constant 0 : i32
    %c0_i32_0 = arith.constant 0 : i32
    return %arg0, %c0_i32 : i32, i32
  }
  func.func @transform_1(%arg0: i32) -> (i32, i32) {
    %c0_i32 = arith.constant 0 : i32
    %c0_i32_0 = arith.constant 0 : i32
    %c0_i32_1 = arith.constant 0 : i32
    return %c0_i32, %c0_i32_0 : i32, i32
  }
  func.func @transform_2(%arg0: i32) -> (i32, i32) {
    %c0_i32 = arith.constant 0 : i32
    %c0_i32_0 = arith.constant 0 : i32
    %c0_i32_1 = arith.constant 0 : i32
    return %c0_i32, %c0_i32_0 : i32, i32
  }
  func.func @transform_3(%arg0: i32) -> (i32, i32) {
    %c0_i32 = arith.constant 0 : i32
    %c0_i32_0 = arith.constant 0 : i32
    %c0_i32_1 = arith.constant 0 : i32
    return %c0_i32, %c0_i32_0 : i32, i32
  }
  func.func @transform_4(%arg0: i32) -> (i32, i32) {
    %c0_i32 = arith.constant 0 : i32
    %c0_i32_0 = arith.constant 0 : i32
    return %arg0, %c0_i32 : i32, i32
  }
}

module attributes {stable_mosaic.version = 14 : i64} {
  func.func @_mlp_body(%arg0: i32, %arg1: memref<2000x128xf32, #tpu.memory_space<vmem>>, %arg2: memref<2000x128xf32, #tpu.memory_space<vmem>>, %arg3: memref<128x128xf32, #tpu.memory_space<vmem>>, %arg4: memref<128x128xf32, #tpu.memory_space<vmem>>, %arg5: memref<2000x128xf32, #tpu.memory_space<vmem>>, %arg6: memref<2x128xf32, #tpu.memory_space<vmem>>, %arg7: memref<2x128xf32, #tpu.memory_space<vmem>>) attributes {dimension_semantics = [#tpu.dimension_semantics<arbitrary>], iteration_bounds = array<i64: 5>, scalar_prefetch = 0 : i64, scratch_operands = 1 : i64, tpu.core_type = #tpu.core_type<tc>, window_params = [{transform_indices = @transform_0, window_bounds = array<i64: 2000, 128>}, {transform_indices = @transform_1, window_bounds = array<i64: 2000, 128>}, {pipeline_mode = #tpu.pipeline_mode<synchronous>, transform_indices = @transform_2, window_bounds = array<i64: 128, 128>}, {pipeline_mode = #tpu.pipeline_mode<synchronous>, transform_indices = @transform_3, window_bounds = array<i64: 128, 128>}, {transform_indices = @transform_4, window_bounds = array<i64: 2000, 128>}, {pipeline_mode = #tpu.pipeline_mode<synchronous>, transform_indices = @transform_5, window_bounds = array<i64: 2, 128>}]} {
    %get3A = arith.constant 0 : index
    %get3A_0 = arith.constant 0 : index
    %get3A_1 = vector.load %arg1[%get3A, %get3A_0] : memref<2000x128xf32, #tpu.memory_space<vmem>>, vector<2000x128xf32>
    %get3A_2 = arith.constant 0 : index
    %get3A_3 = arith.constant 0 : index
    %get3A_4 = vector.load %arg2[%get3A_2, %get3A_3] : memref<2000x128xf32, #tpu.memory_space<vmem>>, vector<2000x128xf32>
    %add3A = arith.addf %get3A_1, %get3A_4 : vector<2000x128xf32>
    %get3A_5 = arith.constant 0 : index
    %get3A_6 = arith.constant 0 : index
    %get3A_7 = vector.load %arg3[%get3A_5, %get3A_6] : memref<128x128xf32, #tpu.memory_space<vmem>>, vector<128x128xf32>
    %dot_general3A = arith.constant dense<0.000000e+00> : vector<2000x128xf32>
    %dot_general3A_8 = tpu.matmul %add3A, %get3A_7, %dot_general3A {dimension_numbers = #tpu.dot_dimension_numbers<[1], [0], [0], [1], [0, 0, 1, 1], [], []>, transpose_lhs_hint = false} : vector<2000x128xf32>, vector<128x128xf32>, vector<2000x128xf32> -> vector<2000x128xf32>
    %max3A = arith.constant 0.000000e+00 : f32
    %max3A_9 = vector.broadcast %max3A : f32 to vector<2000x128xf32>
    %max3A_10 = arith.maximumf %dot_general3A_8, %max3A_9 : vector<2000x128xf32>
    %get3A_11 = arith.constant 0 : index
    %get3A_12 = arith.constant 0 : index
    %get3A_13 = vector.load %arg4[%get3A_11, %get3A_12] : memref<128x128xf32, #tpu.memory_space<vmem>>, vector<128x128xf32>
    %dot_general3A_14 = arith.constant dense<0.000000e+00> : vector<2000x128xf32>
    %dot_general3A_15 = tpu.matmul %max3A_10, %get3A_13, %dot_general3A_14 {dimension_numbers = #tpu.dot_dimension_numbers<[1], [0], [0], [1], [0, 0, 1, 1], [], []>, transpose_lhs_hint = false} : vector<2000x128xf32>, vector<128x128xf32>, vector<2000x128xf32> -> vector<2000x128xf32>
    %max3A_16 = arith.constant 0.000000e+00 : f32
    %max3A_17 = vector.broadcast %max3A_16 : f32 to vector<2000x128xf32>
    %max3A_18 = arith.maximumf %dot_general3A_15, %max3A_17 : vector<2000x128xf32>
    %swap3A = arith.constant 0 : index
    %swap3A_19 = arith.constant 0 : index
    %swap3A_20 = vector.load %arg5[%swap3A, %swap3A_19] : memref<2000x128xf32, #tpu.memory_space<vmem>>, vector<2000x128xf32>
    tpu.vector_store %arg5[%swap3A, %swap3A_19], %max3A_18 {strides = array<i32>} : memref<2000x128xf32, #tpu.memory_space<vmem>>, vector<2000x128xf32>,
    %eq3A = arith.constant 0 : i32
    %eq3A_21 = arith.cmpi eq, %arg0, %eq3A : i32
    %convert_element_type3A = arith.extui %eq3A_21 : i1 to i32
    %cond3A = arith.constant 0 : i32
    %cond3A_22 = arith.cmpi ne, %convert_element_type3A, %cond3A : i32
    scf.if %cond3A_22 {
      %broadcast_in_dim3A_46 = arith.constant 0.000000e+00 : f32
      %broadcast_in_dim3A_47 = vector.broadcast %broadcast_in_dim3A_46 : f32 to vector<2x128xf32>
      %swap3A_48 = arith.constant 0 : index
      %swap3A_49 = arith.constant 0 : index
      %swap3A_50 = vector.load %arg7[%swap3A_48, %swap3A_49] : memref<2x128xf32, #tpu.memory_space<vmem>>, vector<2x128xf32>
      tpu.vector_store %arg7[%swap3A_48, %swap3A_49], %broadcast_in_dim3A_47 {strides = array<i32>} : memref<2x128xf32, #tpu.memory_space<vmem>>, vector<2x128xf32>,
    } else {
    }
    %get3A_23 = arith.constant 0 : index
    %get3A_24 = arith.constant 0 : index
    %get3A_25 = vector.load %arg7[%get3A_23, %get3A_24] : memref<2x128xf32, #tpu.memory_space<vmem>>, vector<1x128xf32>
    %reduce_sum3A = arith.constant dense<0.000000e+00> : vector<128xf32>
    %reduce_sum3A_26 = vector.multi_reduction <add>, %max3A_18, %reduce_sum3A [0] : vector<2000x128xf32> to vector<128xf32>
    %broadcast_in_dim3A = vector.shape_cast %reduce_sum3A_26 : vector<128xf32> to vector<1x128xf32>
    %add3A_27 = arith.addf %get3A_25, %broadcast_in_dim3A : vector<1x128xf32>
    %swap3A_28 = arith.constant 0 : index
    %swap3A_29 = arith.constant 0 : index
    %swap3A_30 = vector.load %arg7[%swap3A_28, %swap3A_29] : memref<2x128xf32, #tpu.memory_space<vmem>>, vector<1x128xf32>
    tpu.vector_store %arg7[%swap3A_28, %swap3A_29], %add3A_27 {strides = array<i32>} : memref<2x128xf32, #tpu.memory_space<vmem>>, vector<1x128xf32>,
    %get3A_31 = arith.constant 1 : index
    %get3A_32 = arith.constant 0 : index
    %get3A_33 = vector.load %arg7[%get3A_31, %get3A_32] : memref<2x128xf32, #tpu.memory_space<vmem>>, vector<1x128xf32>
    %mul3A = arith.mulf %max3A_18, %max3A_18 : vector<2000x128xf32>
    %reduce_sum3A_34 = arith.constant dense<0.000000e+00> : vector<128xf32>
    %reduce_sum3A_35 = vector.multi_reduction <add>, %mul3A, %reduce_sum3A_34 [0] : vector<2000x128xf32> to vector<128xf32>
    %broadcast_in_dim3A_36 = vector.shape_cast %reduce_sum3A_35 : vector<128xf32> to vector<1x128xf32>
    %add3A_37 = arith.addf %get3A_33, %broadcast_in_dim3A_36 : vector<1x128xf32>
    %swap3A_38 = arith.constant 1 : index
    %swap3A_39 = arith.constant 0 : index
    %swap3A_40 = vector.load %arg7[%swap3A_38, %swap3A_39] : memref<2x128xf32, #tpu.memory_space<vmem>>, vector<1x128xf32>
    tpu.vector_store %arg7[%swap3A_38, %swap3A_39], %add3A_37 {strides = array<i32>} : memref<2x128xf32, #tpu.memory_space<vmem>>, vector<1x128xf32>,
    %eq3A_41 = arith.constant 4 : i32
    %eq3A_42 = arith.cmpi eq, %arg0, %eq3A_41 : i32
    %convert_element_type3A_43 = arith.extui %eq3A_42 : i1 to i32
    %cond3A_44 = arith.constant 0 : i32
    %cond3A_45 = arith.cmpi ne, %convert_element_type3A_43, %cond3A_44 : i32
    scf.if %cond3A_45 {
      %get3A_46 = arith.constant 0 : index
      %get3A_47 = arith.constant 0 : index
      %get3A_48 = vector.load %arg7[%get3A_46, %get3A_47] : memref<2x128xf32, #tpu.memory_space<vmem>>, vector<2x128xf32>
      %swap3A_49 = arith.constant 0 : index
      %swap3A_50 = arith.constant 0 : index
      %swap3A_51 = vector.load %arg6[%swap3A_49, %swap3A_50] : memref<2x128xf32, #tpu.memory_space<vmem>>, vector<2x128xf32>
      tpu.vector_store %arg6[%swap3A_49, %swap3A_50], %get3A_48 {strides = array<i32>} : memref<2x128xf32, #tpu.memory_space<vmem>>, vector<2x128xf32>,
    } else {
    }
    return
  }
  func.func @transform_0(%arg0: i32) -> (i32, i32) {
    %c0_i32 = arith.constant 0 : i32
    %c0_i32_0 = arith.constant 0 : i32
    return %arg0, %c0_i32 : i32, i32
  }
  func.func @transform_1(%arg0: i32) -> (i32, i32) {
    %c0_i32 = arith.constant 0 : i32
    %c0_i32_0 = arith.constant 0 : i32
    return %arg0, %c0_i32 : i32, i32
  }
  func.func @transform_2(%arg0: i32) -> (i32, i32) {
    %c0_i32 = arith.constant 0 : i32
    %c0_i32_0 = arith.constant 0 : i32
    %c0_i32_1 = arith.constant 0 : i32
    return %c0_i32, %c0_i32_0 : i32, i32
  }
  func.func @transform_3(%arg0: i32) -> (i32, i32) {
    %c0_i32 = arith.constant 0 : i32
    %c0_i32_0 = arith.constant 0 : i32
    %c0_i32_1 = arith.constant 0 : i32
    return %c0_i32, %c0_i32_0 : i32, i32
  }
  func.func @transform_4(%arg0: i32) -> (i32, i32) {
    %c0_i32 = arith.constant 0 : i32
    %c0_i32_0 = arith.constant 0 : i32
    return %arg0, %c0_i32 : i32, i32
  }
  func.func @transform_5(%arg0: i32) -> (i32, i32) {
    %c0_i32 = arith.constant 0 : i32
    %c0_i32_0 = arith.constant 0 : i32
    %c0_i32_1 = arith.constant 0 : i32
    return %c0_i32, %c0_i32_0 : i32, i32
  }
}

module attributes {stable_mosaic.version = 14 : i64} {
  func.func @_bn_body(%arg0: i32, %arg1: memref<2000x128xf32, #tpu.memory_space<vmem>>, %arg2: memref<2x128xf32, #tpu.memory_space<vmem>>, %arg3: memref<1x128xf32, #tpu.memory_space<vmem>>, %arg4: memref<1x128xf32, #tpu.memory_space<vmem>>, %arg5: memref<2000x128xf32, #tpu.memory_space<vmem>>) attributes {dimension_semantics = [#tpu.dimension_semantics<arbitrary>], iteration_bounds = array<i64: 5>, scalar_prefetch = 0 : i64, scratch_operands = 0 : i64, tpu.core_type = #tpu.core_type<tc>, window_params = [{transform_indices = @transform_0, window_bounds = array<i64: 2000, 128>}, {pipeline_mode = #tpu.pipeline_mode<synchronous>, transform_indices = @transform_1, window_bounds = array<i64: 2, 128>}, {pipeline_mode = #tpu.pipeline_mode<synchronous>, transform_indices = @transform_2, window_bounds = array<i64: 1, 128>}, {pipeline_mode = #tpu.pipeline_mode<synchronous>, transform_indices = @transform_3, window_bounds = array<i64: 1, 128>}, {transform_indices = @transform_4, window_bounds = array<i64: 2000, 128>}]} {
    %get3A = arith.constant 0 : index
    %get3A_0 = arith.constant 0 : index
    %get3A_1 = vector.load %arg2[%get3A, %get3A_0] : memref<2x128xf32, #tpu.memory_space<vmem>>, vector<1x128xf32>
    %mul3A = arith.constant 9.99999974E-5 : f32
    %mul3A_2 = vector.broadcast %mul3A : f32 to vector<1x128xf32>
    %mul3A_3 = arith.mulf %get3A_1, %mul3A_2 : vector<1x128xf32>
    %get3A_4 = arith.constant 1 : index
    %get3A_5 = arith.constant 0 : index
    %get3A_6 = vector.load %arg2[%get3A_4, %get3A_5] : memref<2x128xf32, #tpu.memory_space<vmem>>, vector<1x128xf32>
    %mul3A_7 = arith.constant 9.99999974E-5 : f32
    %mul3A_8 = vector.broadcast %mul3A_7 : f32 to vector<1x128xf32>
    %mul3A_9 = arith.mulf %get3A_6, %mul3A_8 : vector<1x128xf32>
    %mul3A_10 = arith.mulf %mul3A_3, %mul3A_3 : vector<1x128xf32>
    %sub3A = arith.subf %mul3A_9, %mul3A_10 : vector<1x128xf32>
    %add3A = arith.constant 9.99999974E-6 : f32
    %add3A_11 = vector.broadcast %add3A : f32 to vector<1x128xf32>
    %add3A_12 = arith.addf %sub3A, %add3A_11 : vector<1x128xf32>
    %rsqrt3A = math.rsqrt %add3A_12 : vector<1x128xf32>
    %get3A_13 = arith.constant 0 : index
    %get3A_14 = arith.constant 0 : index
    %get3A_15 = vector.load %arg3[%get3A_13, %get3A_14] : memref<1x128xf32, #tpu.memory_space<vmem>>, vector<1x128xf32>
    %mul3A_16 = arith.mulf %rsqrt3A, %get3A_15 : vector<1x128xf32>
    %get3A_17 = arith.constant 0 : index
    %get3A_18 = arith.constant 0 : index
    %get3A_19 = vector.load %arg1[%get3A_17, %get3A_18] : memref<2000x128xf32, #tpu.memory_space<vmem>>, vector<2000x128xf32>
    %sub3A_20 = vector.broadcast %mul3A_3 : vector<1x128xf32> to vector<2000x128xf32>
    %sub3A_21 = arith.subf %get3A_19, %sub3A_20 : vector<2000x128xf32>
    %mul3A_22 = vector.broadcast %mul3A_16 : vector<1x128xf32> to vector<2000x128xf32>
    %mul3A_23 = arith.mulf %sub3A_21, %mul3A_22 : vector<2000x128xf32>
    %get3A_24 = arith.constant 0 : index
    %get3A_25 = arith.constant 0 : index
    %get3A_26 = vector.load %arg4[%get3A_24, %get3A_25] : memref<1x128xf32, #tpu.memory_space<vmem>>, vector<1x128xf32>
    %add3A_27 = vector.broadcast %get3A_26 : vector<1x128xf32> to vector<2000x128xf32>
    %add3A_28 = arith.addf %mul3A_23, %add3A_27 : vector<2000x128xf32>
    %swap3A = arith.constant 0 : index
    %swap3A_29 = arith.constant 0 : index
    %swap3A_30 = vector.load %arg5[%swap3A, %swap3A_29] : memref<2000x128xf32, #tpu.memory_space<vmem>>, vector<2000x128xf32>
    tpu.vector_store %arg5[%swap3A, %swap3A_29], %add3A_28 {strides = array<i32>} : memref<2000x128xf32, #tpu.memory_space<vmem>>, vector<2000x128xf32>,
    return
  }
  func.func @transform_0(%arg0: i32) -> (i32, i32) {
    %c0_i32 = arith.constant 0 : i32
    %c0_i32_0 = arith.constant 0 : i32
    return %arg0, %c0_i32 : i32, i32
  }
  func.func @transform_1(%arg0: i32) -> (i32, i32) {
    %c0_i32 = arith.constant 0 : i32
    %c0_i32_0 = arith.constant 0 : i32
    %c0_i32_1 = arith.constant 0 : i32
    return %c0_i32, %c0_i32_0 : i32, i32
  }
  func.func @transform_2(%arg0: i32) -> (i32, i32) {
    %c0_i32 = arith.constant 0 : i32
    %c0_i32_0 = arith.constant 0 : i32
    %c0_i32_1 = arith.constant 0 : i32
    return %c0_i32, %c0_i32_0 : i32, i32
  }
  func.func @transform_3(%arg0: i32) -> (i32, i32) {
    %c0_i32 = arith.constant 0 : i32
    %c0_i32_0 = arith.constant 0 : i32
    %c0_i32_1 = arith.constant 0 : i32
    return %c0_i32, %c0_i32_0 : i32, i32
  }
  func.func @transform_4(%arg0: i32) -> (i32, i32) {
    %c0_i32 = arith.constant 0 : i32
    %c0_i32_0 = arith.constant 0 : i32
    return %arg0, %c0_i32 : i32, i32
  }
}

</mosaic_0001>

<sc_bundles>
// kernel: kernel.13.cloned.1.call-start
scs
__scs_entry_jumppad:
0x0: {  	(pc) =	sbr.rel $0x88, $3  }
0x1: {  	(tag) =	ssettag $0x0;
	lr =	simm.s32 $0x1  }
0x2: {  	[smem:$0x3F97] =	sst lr;
	_ =	strace $0xD0000000  }
0x3: {  	_ = 	snop  }
0x4: {  	_ = 	snop  }
0x5: {  	_ = 	snop  }
0x6: {  	_ = 	snop  }
0x7: {  	_ = 	snop  }
__scs_overlays_trampoline_lowered:
0x8: {  	[smem:$0x3FA6] =	sst s0  }
0x9: {  	[smem:$0x3FA7] =	sst s1  }
0xa: {  	[smem:$0x3FA8] =	sst s2  }
0xb: {  	[smem:$0x3FA9] =	sst s3  }
0xc: {  	[smem:$0x3FAA] =	sst s4  }
0xd: {  	[smem:$0x3FAB] =	sst s5  }
0xe: {  	[smem:$0x3FAC] =	sst s6  }
0xf: {  	[smem:$0x3FAD] =	sst s7  }
0x10: {  	[smem:$0x3FAE] =	sst s8  }
0x11: {  	[smem:$0x3FAF] =	sst s9;
	s0 =	simm.s32 @!p0 $0x0  }
0x12: {  	s1 =	sld [smem:$0x3F95];
	s0 =	simm.s32 @p0 $0x1  }
0x13: {  	[smem:$0x3FB0] =	sst s0;
	s0 =	simm.s32 @!p1 $0x0  }
0x14: {  	s2 =	sld [smem:$0x3F94];
	s0 =	simm.s32 @p1 $0x1  }
0x15: {  	[smem:$0x3FB1] =	sst s0;
	s0 =	simm.s32 @!p2 $0x0  }
0x16: {  	s3 =	sld [smem:$0x3FDB];
	s0 =	simm.s32 @p2 $0x1  }
0x17: {  	s4 =	simm.s32 $0x1BF5;
	[smem:$0x3FB3] =	sst s0  }
0x18: {  	s0 =	sld [smem:$0x3F96];
	_ =	swait.ge [sflag:s4], $0x0  }
0x19: {  	s7 =	sld [smem:$0x3F97]  }
0x1a: {  	s8 =	sadd.s32 $0xFFFFE003, lr  }
0x1b: {  	s9 =	sadd.s32 $0xFFFFFEF7, lr;
	s5 =	simm.s32 $0xFFFFFFFF;
	p2 =	slt.u32 s8, $0xFFFFF086  }
0x1c: {  	p1 =	slt.u32 s9, $0xF7A;
	s5 =	simm.s32 @!p2 $0x0  }
0x1d: {  	s5 =	simm.s32 @p1 $0x1;
	p0 =	seq.s32 s7, s2  }
0x1e: {  	s7 =	smul.u32 @!p0 $0xF7A, s2;
	p2 =	seq.s32 @!p0 s5, $0x0  }
0x1f: {  	s9 =	smul.u32 $0xF7A, s1;
	s8 =	simm.s32 @!p0 $0x1BF5;
	p2 =	por !p2, p0  }
0x20: {  	[sflag:s8] =	ssyncset.s32 @!p0 $0xFFFFF086;
	s6 =	sadd.s32 @!p0 s3, s7;
	s7 =	simm.s32 @!p0 $0x108  }
0x21: {  	s3 =	sadd.s32 s3, s9;
	s6 =	sadd.s32 @!p0 $0x88, s6;
	s7 =	simm.s32 @p2 $0x1082  }
0x22: {  	[simem:s7], [sflag:s8] =	dma.local @!p0 [hbm:s6], $0xF7A  }
0x23: {  	s9 =	sor.u32 $0xD0000000, s2;
	s6 =	simm.s32 $0x108;
	_ =	swait.ge @!p0 [sflag:s8], $0x0  }
0x24: {  	s3 =	sadd.s32 $0x88, s3;
	s6 =	simm.s32 @!p1 $0x1082;
	[sflag:s4] =	ssyncset.s32 $0xFFFFF086  }
0x25: {  	[simem:s6], [sflag:s4] =	dma.local [hbm:s3], $0xF7A  }
0x26: {  	[smem:$0x3F97] =	sst s1;
	(tag) =	ssettag s2;
	_ =	strace s9  }
0x27: {  	s1 =	sld [smem:$0x3FA7]  }
0x28: {  	s2 =	sld [smem:$0x3FA8]  }
0x29: {  	s4 =	sld [smem:$0x3FAA]  }
0x2a: {  	p0 =	seq.s32 s5, $0x0;
	s5 =	sld [smem:$0x3FAB]  }
0x2b: {  	s6 =	sld [smem:$0x3FAC]  }
0x2c: {  	s7 =	sld [smem:$0x3FAD]  }
0x2d: {  	s3 =	simm.s32 $0x108;
	s8 =	sld [smem:$0x3FAE]  }
0x2e: {  	s3 =	simm.s32 @!p0 $0x1082;
	s9 =	sld [smem:$0x3FAF]  }
0x2f: {  	lr =	sadd.s32 s0, s3;
	s0 =	sld [smem:$0x3FA6]  }
0x30: {  	s3 =	sld [smem:$0x3FA9]  }
0x31: {  	[smem:$0x3FB2] =	sst s10  }
0x32: {  	s10 =	sld [smem:$0x3FB0];
	_ =	sdelay $0x3  }
0x33: {  	p0 =	seq.s32 s10, $0x1;
	s10 =	sld [smem:$0x3FB2];
	_ =	sdelay $0x3  }
0x34: {  	[smem:$0x3FB2] =	sst s10  }
0x35: {  	s10 =	sld [smem:$0x3FB1];
	_ =	sdelay $0x3  }
0x36: {  	p1 =	seq.s32 s10, $0x1;
	s10 =	sld [smem:$0x3FB2];
	_ =	sdelay $0x3  }
0x37: {  	[smem:$0x3FB2] =	sst s10  }
0x38: {  	s10 =	sld [smem:$0x3FB3]  }
0x39: {  	_ = 	snop;
	(pc) =	sbr.ind lr, $3  }
0x3a: {  	_ = 	snop  }
0x3b: {  	_ = 	snop  }
0x3c: {  	p2 =	seq.s32 s10, $0x1;
	s10 =	sld [smem:$0x3FB2]  }
0x3d: {  	_ =	shalt  }
0x3e: {  	_ =	shalt  }
0x3f: {  	_ =	shalt  }
0x40: {  	_ =	shalt  }
0x41: {  	_ =	shalt  }
0x42: {  	_ =	shalt  }
0x43: {  	_ =	shalt  }
0x44: {  	_ =	shalt  }
0x45: {  	_ =	shalt  }
0x46: {  	_ =	shalt  }
0x47: {  	_ =	shalt  }
0x48: {  	_ =	shalt  }
0x49: {  	_ =	shalt  }
0x4a: {  	_ =	shalt  }
0x4b: {  	_ =	shalt  }
0x4c: {  	_ =	shalt  }
0x4d: {  	_ =	shalt  }
0x4e: {  	_ =	shalt  }
0x4f: {  	_ =	shalt  }
0x50: {  	_ =	shalt  }
0x51: {  	_ =	shalt  }
0x52: {  	_ =	shalt  }
0x53: {  	_ =	shalt  }
0x54: {  	_ =	shalt  }
0x55: {  	_ =	shalt  }
0x56: {  	_ =	shalt  }
0x57: {  	_ =	shalt  }
0x58: {  	_ =	shalt  }
0x59: {  	_ =	shalt  }
0x5a: {  	_ =	shalt  }
0x5b: {  	_ =	shalt  }
0x5c: {  	_ =	shalt  }
0x5d: {  	_ =	shalt  }
0x5e: {  	_ =	shalt  }
0x5f: {  	_ =	shalt  }
0x60: {  	_ =	shalt  }
0x61: {  	_ =	shalt  }
0x62: {  	_ =	shalt  }
0x63: {  	_ =	shalt  }
0x64: {  	_ =	shalt  }
0x65: {  	_ =	shalt  }
0x66: {  	_ =	shalt  }
0x67: {  	_ =	shalt  }
0x68: {  	_ =	shalt  }
0x69: {  	_ =	shalt  }
0x6a: {  	_ =	shalt  }
0x6b: {  	_ =	shalt  }
0x6c: {  	_ =	shalt  }
0x6d: {  	_ =	shalt  }
0x6e: {  	_ =	shalt  }
0x6f: {  	_ =	shalt  }
0x70: {  	_ =	shalt  }
0x71: {  	_ =	shalt  }
0x72: {  	_ =	shalt  }
0x73: {  	_ =	shalt  }
0x74: {  	_ =	shalt  }
0x75: {  	_ =	shalt  }
0x76: {  	_ =	shalt  }
0x77: {  	_ =	shalt  }
0x78: {  	_ =	shalt  }
0x79: {  	_ =	shalt  }
0x7a: {  	_ =	shalt  }
0x7b: {  	_ =	shalt  }
0x7c: {  	_ =	shalt  }
0x7d: {  	_ =	shalt  }
0x7e: {  	_ =	shalt  }
0x7f: {  	_ =	shalt  }
0x80: {  	_ =	shalt  }
0x81: {  	_ =	shalt  }
0x82: {  	_ =	shalt  }
0x83: {  	_ =	shalt  }
0x84: {  	_ =	shalt  }
0x85: {  	_ =	shalt  }
0x86: {  	_ =	shalt  }
0x87: {  	_ =	shalt  }
.Lfunc_end0:
.L_simem_size_0:
called_computation_lowered:
.L_overlay_start_0:
0x88: {  	s0 =	sld [smem:$0x3FD9]  }
0x89: {  	s1 =	sld [smem:$0x3FFE];
	_ =	sdelay $0x3  }
0x8a: {  	s0 =	sadd.s32 s1, s0  }
0x8b: {  	[smem:$0x3FBE] =	sst s0  }
0x8c: {  	_ = 	snop  }
0x8d: {  	s0 =	sld [smem:$0x3FD0];
	(tm) =	ssettm $0x1  }
0x8e: {  	s16 =	sld [smem:$0x3FFB];
	_ =	sdelay $0x3  }
0x8f: {  	_ =	strace s16  }
0x90: {  	s1 =	sld [smem:$0x3FFC];
	_ =	sdelay $0x3  }
0x91: {  	_ =	strace s1  }
0x92: {  	s1 =	sld [smem:$0x3FFD];
	_ =	sdelay $0x3  }
0x93: {  	_ =	strace s1  }
0x94: {  	_ =	strace $0x8FFFFFFF  }
0x95: {  	s17 =	sld [smem:$0x3FDB];
	_ =	sdelay $0x1  }
0x96: {  	s2 =	simm.s32 $_scs_section_size  }
0x97: {  	s3 =	simm.s32 $_size__tile_overlayer_lowered;
	s4 =	simm.s32 $_tile_overlayer_lowered  }
0x98: {  	s20 =	simm.s32 $0x1BFF;
	s19 =	sshll.u32 s4, $0x1;
	s1 =	sadd.s32 s2, s17  }
0x99: {  	s5 =	simm.s32 $0x0;
	s18 =	sshll.u32 s3, $0x1;
	s3 =	sadd.s32 s19, s1  }
0x9a: {  	[timem:s5], [sflag:s20] =	dma.local [hbm:s3], s18  }
0x9b: {  	_ =	swait.ge [sflag:s20], s18  }
0x9c: {  	s2 =	ssub.s32 $0x0, s18;
	[sflag:s20] =	ssyncset.done $0x0  }
0x9d: {  	[sflag:s20] =	ssyncadd.s32 s2;
	_ =	sdelay $0x1  }
0x9e: {  	s21 =	simm.s32 $0x1B8B  }
0x9f: {  	_ =	swait.ge [sflag:s21], $0x1  }
0xa0: {  	[sflag:s21] =	ssyncset.done $0x0  }
0xa1: {  	s23 =	simm.s32 $0x1B8E;
	s22 =	sld [smem:$0x3FFE];
	[sflag:s21] =	ssyncadd.s32 $0xFFFFFFFF  }
0xa2: {  	s24 =	simm.s32 $execute0_lowered;
	[smem:$0x3FD2] =	sst s23  }
0xa3: {  	s3 =	sshll.u32 s24, $0x1;
	_ =	strace $0x80000046;
	[dreg:$0x1] =	wrdreg $0xFFFFFFFF  }
0xa4: {  	s25 =	simm.s32 $_size_execute0_lowered;
	s1 =	sadd.s32 s1, s3;
	[dreg:$0x0] =	wrdreg $0x0  }
0xa5: {  	s3 =	sshll.u32 s25, $0x1;
	[dreg:$0x2] =	wrdreg s1  }
0xa6: {  	[dreg:$0x3] =	wrdreg s3  }
0xa7: {  	[dreg:$0x4] =	wrdreg $0xC0  }
0xa8: {  	_ =	task [dreg:s5], $0x5FFFF  }
0xa9: {  	[dreg:$0x1] =	wrdreg $0xFFFFFFFF  }
0xaa: {  	[dreg:$0x0] =	wrdreg $0x60  }
0xab: {  	[dreg:$0x2] =	wrdreg s22  }
0xac: {  	[dreg:$0x3] =	wrdreg s0  }
0xad: {  	[dreg:$0x4] =	wrdreg $0xA8000  }
0xae: {  	[dreg:$0x5] =	wrdreg $0x9  }
0xaf: {  	_ =	task.clear_ibuf [dreg:s5], $0x6FFFF;
	_ =	strace $0x90000046  }
0xb0: {  	s26 =	simm.s32 $0x9;
	_ =	strace $0x80000048  }
0xb1: {  	_ =	swait.ge [sflag:s26], $0x1  }
0xb2: {  	[sflag:s26] =	ssyncadd.s32 $0xFFFFFFFF  }
0xb3: {  	_ =	strace $0x90000048  }
0xb4: {  	_ =	sfence  }
0xb5: {  	s28 =	sld [smem:$0x0];
	_ =	sdelay $0x1  }
0xb6: {  	s29 =	srdreg.scid  }
0xb7: {  	s30 =	sshll.u32 s29, $0xD;
	s31 =	sshrl.u32 s29, $0x2  }
0xb8: {  	s2 =	sand.u32 $0x4000, s30;
	s1 =	sand.u32 $0x1, s29;
	s0 =	sadd.s32 s31, s28  }
0xb9: {  	s1 =	sor.u32 s2, s1;
	s0 =	sshll.u32 s0, $0x11  }
0xba: {  	s0 =	sor.u32 s0, s1  }
0xbb: {  	s0 =	sadd.s32 $0x8F2B, s0  }
0xbc: {  	[sflag:s0] =	ssyncadd.remote.s32 $0x1  }
0xbd: {  	_ =	sfence.sel $0xFFFF  }
0xbe: {  	[dreg:$0x0] =	wrdreg $0xFFFFFFFF;
	(pc) =	sbr.abs _section_cstart, $3  }
0xbf: {  	[dreg:$0x1] =	wrdreg $0xFFFFFFFF  }
0xc0: {  	_ =	task.clear_ibuf [dreg:s5], $0x2FFFF;
	_ =	strace $0x9FFFFFFF  }
0xc1: {  	(tm) =	ssettm $0x7FFFFFFF  }
tec
execute0_lowered:
.L_overlay_start_1:
0x0: {  	(tag) =	ssettag $0x1  }
0x1: {  	s0 =	rddreg [dreg:$0x0]  }
0x2: {  	s2 =	rddreg [dreg:$0x1]  }
0x3: {  	s3 =	rddreg [dreg:$0x2];
	s1 =	simm.s32 $0x0  }
0x4: {  	s4 =	stileid.u32;
	[smem:$0x7FF] =	sst s1;
	s5 =	sadd.s32 $0x3A00, s0  }
0x5: {  	s6 =	sadd.s32 $0x17A00, s0;
	s0 =	sadd.s32 $0x2BA00, s0;
	s1 =	simm.s32 $0x200  }
0x6: {  	v0 =	vimm.f32 $0.0e+00;
	_ =	strace $0x80000047;
	[dreg:$0x4] =	wrdreg s0;
	s0 =	simm.s32 $0x0  }
.LBB2_1:
0x7: {  	p0 =	sne.s32 s1, $0x7E00;
	[tilespmem:s0+$0x2870] =	vst v0  }
0x8: {  	[tilespmem:s0+$0x2800] =	vst v0  }
0x9: {  	[tilespmem:s0+$0x2810] =	vst v0  }
.Ltmp0:
0xa: {  	[tilespmem:s0+$0x2820] =	vst v0;
	(pc) =	sbr.rel @p0 .LBB2_1-.Ltmp0, $4  }
0xb: {  	[tilespmem:s0+$0x2830] =	vst v0  }
0xc: {  	[tilespmem:s0+$0x2840] =	vst v0  }
0xd: {  	[tilespmem:s0+$0x2850] =	vst v0  }
0xe: {  	[tilespmem:s0+$0x2860] =	vst v0;
	s0 =	sshra.s32 s1, $0x2;
	s1 =	sadd.s32 $0x200, s1  }
0xf: {  	[tilespmem:s0+$0x2870] =	vst v0  }
0x10: {  	[tilespmem:s0+$0x2800] =	vst v0  }
0x11: {  	[tilespmem:s0+$0x2810] =	vst v0  }
0x12: {  	[tilespmem:s0+$0x2820] =	vst v0  }
0x13: {  	[tilespmem:s0+$0x2830] =	vst v0;
	s1 =	smul.u32 $0x50000, s4  }
0x14: {  	[tilespmem:s0+$0x2840] =	vst v0  }
0x15: {  	[tilespmem:s0+$0x2850] =	vst v0;
	s1 =	sshrl.u32 s1, $0x2  }
0x16: {  	[tilespmem:s0+$0x2860] =	vst v0;
	s8 =	simm.s32 $0x2800;
	s9 =	simm.s32 $0x9;
	s1 =	sadd.s32 s1, s3  }
0x17: {  	[spmem:s1] =	stream.linear.scatter [tilespmem:s8], [sflag:$0x9], $0x2000, $0x38;
	[tilespmem:$0x1E800] =	vst v63  }
0x18: {  	_ =	swait.ge [sflag:s9], $0x2000  }
0x19: {  	[sflag:s9] =	ssyncset.done $0x0  }
0x1a: {  	s18 =	sadd.s32 $0x2000, s1;
	[sflag:s9] =	ssyncadd.s32 $0xFFFFE000  }
0x1b: {  	[spmem:s18] =	stream.linear.scatter [tilespmem:s8], [sflag:$0x9], $0x2000, $0x38;
	[tilespmem:$0x1E800] =	vst v63  }
0x1c: {  	_ =	swait.ge [sflag:s9], $0x2000  }
0x1d: {  	[sflag:s9] =	ssyncset.done $0x0  }
0x1e: {  	s19 =	sadd.s32 $0x4000, s1;
	[sflag:s9] =	ssyncadd.s32 $0xFFFFE000  }
0x1f: {  	[spmem:s19] =	stream.linear.scatter [tilespmem:s8], [sflag:$0x9], $0x2000, $0x38;
	[tilespmem:$0x1E800] =	vst v63  }
0x20: {  	_ =	swait.ge [sflag:s9], $0x2000  }
0x21: {  	[sflag:s9] =	ssyncset.done $0x0  }
0x22: {  	s20 =	sadd.s32 $0x6000, s1;
	[sflag:s9] =	ssyncadd.s32 $0xFFFFE000  }
0x23: {  	[spmem:s20] =	stream.linear.scatter [tilespmem:s8], [sflag:$0x9], $0x2000, $0x38;
	[tilespmem:$0x1E800] =	vst v63  }
0x24: {  	_ =	swait.ge [sflag:s9], $0x2000  }
0x25: {  	[sflag:s9] =	ssyncset.done $0x0  }
0x26: {  	s21 =	sadd.s32 $0x8000, s1;
	[sflag:s9] =	ssyncadd.s32 $0xFFFFE000  }
0x27: {  	[spmem:s21] =	stream.linear.scatter [tilespmem:s8], [sflag:$0x9], $0x2000, $0x38;
	[tilespmem:$0x1E800] =	vst v63  }
0x28: {  	_ =	swait.ge [sflag:s9], $0x2000  }
0x29: {  	[sflag:s9] =	ssyncset.done $0x0  }
0x2a: {  	s22 =	sadd.s32 $0xA000, s1;
	[sflag:s9] =	ssyncadd.s32 $0xFFFFE000  }
0x2b: {  	[spmem:s22] =	stream.linear.scatter [tilespmem:s8], [sflag:$0x9], $0x2000, $0x38;
	[tilespmem:$0x1E800] =	vst v63  }
0x2c: {  	_ =	swait.ge [sflag:s9], $0x2000  }
0x2d: {  	[sflag:s9] =	ssyncset.done $0x0  }
0x2e: {  	s23 =	sadd.s32 $0xC000, s1;
	[sflag:s9] =	ssyncadd.s32 $0xFFFFE000  }
0x2f: {  	[spmem:s23] =	stream.linear.scatter [tilespmem:s8], [sflag:$0x9], $0x2000, $0x38;
	[tilespmem:$0x1E800] =	vst v63  }
0x30: {  	_ =	swait.ge [sflag:s9], $0x2000  }
0x31: {  	s10 =	smul.u32 $0xA000, s4;
	[sflag:s9] =	ssyncset.done $0x0  }
0x32: {  	s11 =	simm.s32 $0x0;
	s24 =	sadd.s32 $0xE000, s1;
	[sflag:s9] =	ssyncadd.s32 $0xFFFFE000  }
0x33: {  	[spmem:s24] =	stream.linear.scatter [tilespmem:s8], [sflag:$0x9], $0x2000, $0x38;
	[tilespmem:$0x1E800] =	vst v63  }
0x34: {  	s12 =	simm.s32 $0x1400;
	s13 =	simm.s32 $0x40;
	_ =	swait.ge [sflag:s9], $0x2000  }
0x35: {  	s15 =	simm.s32 $0x4800;
	s16 =	simm.s32 $0x1;
	[sflag:s9] =	ssyncset.done $0x0  }
0x36: {  	s28 =	simm.s32 $0x4;
	s25 =	sadd.s32 $0x10000, s1;
	[sflag:s9] =	ssyncadd.s32 $0xFFFFE000  }
0x37: {  	[spmem:s25] =	stream.linear.scatter [tilespmem:s8], [sflag:$0x9], $0x2000, $0x38;
	[tilespmem:$0x1E800] =	vst v63  }
0x38: {  	s29 =	simm.s32 $0x1580;
	s30 =	simm.s32 $0x6;
	_ =	swait.ge [sflag:s9], $0x2000  }
0x39: {  	s31 =	simm.s32 $0x280;
	s0 =	simm.s32 $0x7;
	[sflag:s9] =	ssyncset.done $0x0  }
0x3a: {  	s26 =	sadd.s32 $0x12000, s1;
	[dreg:$0x5] =	wrdreg s1;
	[sflag:s9] =	ssyncadd.s32 $0xFFFFE000  }
0x3b: {  	[spmem:s26] =	stream.linear.scatter [tilespmem:s8], [sflag:$0x9], $0x2000, $0x38;
	[tilespmem:$0x1E800] =	vst v63  }
.Ltmp1:
0x3c: {  	s4 =	simm.s32 $0x8;
	_ =	swait.ge [sflag:s9], $0x2000;
	(pc) =	sbr.rel .LBB2_3-.Ltmp1, $4  }
0x3d: {  	s18 =	simm.s32 $0x6800;
	s19 =	simm.s32 $0x2;
	[sflag:s9] =	ssyncset.done $0x0  }
0x3e: {  	s21 =	simm.s32 $0x180;
	s22 =	simm.s32 $0x8800;
	[sflag:s9] =	ssyncadd.s32 $0xFFFFE000  }
0x3f: {  	s23 =	simm.s32 $0x3;
	s24 =	simm.s32 $0x1500;
	[bflag:$0x0] =	sbarrier.arrive $0xFFFF  }
0x40: {  	s25 =	simm.s32 $0x5;
	s1 =	simm.s32 $0x0;
	s26 =	simm.s32 $0x200  }
.LBB2_6:
0x41: {  	_ =	swait.ge [sflag:s28], $0x2000  }
0x42: {  	[sflag:s28] =	ssyncset.done $0x0  }
0x43: {  	[sflag:s28] =	ssyncadd.s32 $0xFFFFE000  }
0x44: {  	[spmem:s3] =	stream.indirect.scatter.add.f32 [tilespmem:s22], [sflag:$0x8], $0x80, s17, s13, $0xb8;
	[tilespmem:$0x1E800] =	vst v63  }
0x45: {  	_ =	swait.ge [sflag:s25], $0x2000  }
0x46: {  	[sflag:s25] =	ssyncset.done $0x0  }
0x47: {  	[sflag:s25] =	ssyncadd.s32 $0xFFFFE000  }
0x48: {  	_ =	swait.ge [sflag:s30], $0x2000  }
0x49: {  	[sflag:s30] =	ssyncset.done $0x0  }
0x4a: {  	s1 =	sadd.s32 $0x1, s1;
	[sflag:s30] =	ssyncadd.s32 $0xFFFFE000  }
0x4b: {  	p0 =	sne.s32 s1, $0x8;
	_ =	swait.ge [sflag:s0], $0x2000  }
.Ltmp2:
0x4c: {  	[sflag:s0] =	ssyncset.done $0x0;
	(pc) =	sbr.rel @!p0 .LBB2_7-.Ltmp2, $4  }
0x4d: {  	[sflag:s0] =	ssyncadd.s32 $0xFFFFE000  }
0x4e: {  	_ =	swait.ge [sflag:s4], $0x2000  }
0x4f: {  	[sflag:s4] =	ssyncset.done $0x0  }
0x50: {  	[sflag:s4] =	ssyncadd.s32 $0xFFFFE000  }
.LBB2_3:
0x51: {  	s7 =	smul.u32 $0x1400, s1;
	_ =	sdelay $0x1  }
0x52: {  	s7 =	sadd.s32 s10, s7  }
0x53: {  	s7 =	sshrl.u32 s7, $0x3  }
0x54: {  	s14 =	sadd.s32 s5, s7  }
0x55: {  	[tilespmem:s11], [sflag:$0x9] =	stream.linear.gather [hbm4b:s14+s11], $0x1400, $0x38;
	[tilespmem:$0x1E800] =	vst v63  }
0x56: {  	_ =	swait.ge [sflag:s9], $0x1400  }
0x57: {  	[sflag:s9] =	ssyncset.done $0x0  }
0x58: {  	s7 =	sadd.s32 s6, s7;
	[sflag:s9] =	ssyncadd.s32 $0xFFFFEC00  }
0x59: {  	[tilespmem:s12], [sflag:$0x9] =	stream.linear.gather [hbm4b:s7+s11], $0x1400, $0x38;
	[tilespmem:$0x1E800] =	vst v63  }
0x5a: {  	_ =	swait.ge [sflag:s9], $0x1400  }
0x5b: {  	[sflag:s9] =	ssyncset.done $0x0  }
0x5c: {  	[sflag:s9] =	ssyncadd.s32 $0xFFFFEC00  }
0x5d: {  	[tilespmem:s8], [sflag:$0x1] =	stream.indirect.gather [hbm4b:s2+s13], $0x80, s11, s13, $0xb8;
	[tilespmem:$0x1E800] =	vst v63  }
0x5e: {  	s14 =	simm.s32 $0x80  }
0x5f: {  	[tilespmem:s15], [sflag:$0x2] =	stream.indirect.gather [hbm4b:s2+s13], $0x80, s14, s13, $0xb8;
	[tilespmem:$0x1E800] =	vst v63  }
0x60: {  	_ =	swait.ge [sflag:s16], $0x2000  }
0x61: {  	[sflag:s16] =	ssyncset.done $0x0  }
0x62: {  	[sflag:s16] =	ssyncadd.s32 $0xFFFFE000  }
0x63: {  	[spmem:s3] =	stream.indirect.scatter.add.f32 [tilespmem:s8], [sflag:$0x5], $0x80, s12, s13, $0xb8;
	[tilespmem:$0x1E800] =	vst v63  }
0x64: {  	s17 =	simm.s32 $0x100  }
0x65: {  	[tilespmem:s18], [sflag:$0x3] =	stream.indirect.gather [hbm4b:s2+s13], $0x80, s17, s13, $0xb8;
	[tilespmem:$0x1E800] =	vst v63  }
0x66: {  	_ =	swait.ge [sflag:s19], $0x2000  }
0x67: {  	[sflag:s19] =	ssyncset.done $0x0  }
0x68: {  	s20 =	simm.s32 $0x1480;
	[sflag:s19] =	ssyncadd.s32 $0xFFFFE000  }
0x69: {  	[spmem:s3] =	stream.indirect.scatter.add.f32 [tilespmem:s15], [sflag:$0x6], $0x80, s20, s13, $0xb8;
	[tilespmem:$0x1E800] =	vst v63  }
0x6a: {  	_ = 	snop  }
0x6b: {  	[tilespmem:s22], [sflag:$0x4] =	stream.indirect.gather [hbm4b:s2+s13], $0x80, s21, s13, $0xb8;
	[tilespmem:$0x1E800] =	vst v63  }
0x6c: {  	_ =	swait.ge [sflag:s23], $0x2000  }
0x6d: {  	[sflag:s23] =	ssyncset.done $0x0  }
0x6e: {  	[sflag:s23] =	ssyncadd.s32 $0xFFFFE000  }
0x6f: {  	[spmem:s3] =	stream.indirect.scatter.add.f32 [tilespmem:s18], [sflag:$0x7], $0x80, s24, s13, $0xb8;
	[tilespmem:$0x1E800] =	vst v63  }
0x70: {  	_ =	swait.ge [sflag:s25], $0x2000  }
0x71: {  	[sflag:s25] =	ssyncset.done $0x0  }
0x72: {  	[sflag:s25] =	ssyncadd.s32 $0xFFFFE000  }
0x73: {  	[tilespmem:s8], [sflag:$0x1] =	stream.indirect.gather [hbm4b:s2+s13], $0x80, s26, s13, $0xb8;
	[tilespmem:$0x1E800] =	vst v63  }
0x74: {  	_ =	swait.ge [sflag:s28], $0x2000  }
0x75: {  	[sflag:s28] =	ssyncset.done $0x0  }
0x76: {  	[sflag:s28] =	ssyncadd.s32 $0xFFFFE000  }
0x77: {  	[spmem:s3] =	stream.indirect.scatter.add.f32 [tilespmem:s22], [sflag:$0x8], $0x80, s29, s13, $0xb8;
	[tilespmem:$0x1E800] =	vst v63  }
0x78: {  	_ =	swait.ge [sflag:s30], $0x2000  }
0x79: {  	[sflag:s30] =	ssyncset.done $0x0  }
0x7a: {  	s7 =	simm.s32 $0x0;
	[sflag:s30] =	ssyncadd.s32 $0xFFFFE000  }
0x7b: {  	[tilespmem:s15], [sflag:$0x2] =	stream.indirect.gather [hbm4b:s2+s13], $0x80, s31, s13, $0xb8;
	[tilespmem:$0x1E800] =	vst v63  }
.LBB2_4:
0x7c: {  	_ =	swait.ge [sflag:s16], $0x2000  }
0x7d: {  	s14 =	sshra.s32 s7, $0x2;
	[sflag:s16] =	ssyncset.done $0x0  }
0x7e: {  	s17 =	sadd.s32 $0x1600, s14;
	[sflag:s16] =	ssyncadd.s32 $0xFFFFE000  }
0x7f: {  	[spmem:s3] =	stream.indirect.scatter.add.f32 [tilespmem:s8], [sflag:$0x5], $0x80, s17, s13, $0xb8;
	[tilespmem:$0x1E800] =	vst v63  }
0x80: {  	_ =	swait.ge [sflag:s0], $0x2000  }
0x81: {  	[sflag:s0] =	ssyncset.done $0x0  }
0x82: {  	s20 =	sadd.s32 $0x300, s14;
	[sflag:s0] =	ssyncadd.s32 $0xFFFFE000  }
0x83: {  	[tilespmem:s18], [sflag:$0x3] =	stream.indirect.gather [hbm4b:s2+s13], $0x80, s20, s13, $0xb8;
	[tilespmem:$0x1E800] =	vst v63  }
0x84: {  	_ =	swait.ge [sflag:s19], $0x2000  }
0x85: {  	[sflag:s19] =	ssyncset.done $0x0  }
0x86: {  	s20 =	sadd.s32 $0x1680, s14;
	[sflag:s19] =	ssyncadd.s32 $0xFFFFE000  }
0x87: {  	[spmem:s3] =	stream.indirect.scatter.add.f32 [tilespmem:s15], [sflag:$0x6], $0x80, s20, s13, $0xb8;
	[tilespmem:$0x1E800] =	vst v63  }
0x88: {  	_ =	swait.ge [sflag:s4], $0x2000  }
0x89: {  	[sflag:s4] =	ssyncset.done $0x0  }
0x8a: {  	p0 =	seq.s32 s7, $0x4000;
	s20 =	sadd.s32 $0x380, s14;
	[sflag:s4] =	ssyncadd.s32 $0xFFFFE000  }
0x8b: {  	[tilespmem:s22], [sflag:$0x4] =	stream.indirect.gather [hbm4b:s2+s13], $0x80, s20, s13, $0xb8;
	[tilespmem:$0x1E800] =	vst v63  }
.Ltmp3:
0x8c: {  	_ = 	snop;
	(pc) =	sbr.rel @p0 .LBB2_6-.Ltmp3, $4  }
0x8d: {  	_ =	swait.ge [sflag:s23], $0x2000  }
0x8e: {  	[sflag:s23] =	ssyncset.done $0x0  }
0x8f: {  	s17 =	sadd.s32 $0x1780, s14;
	s20 =	sadd.s32 $0x1700, s14;
	[sflag:s23] =	ssyncadd.s32 $0xFFFFE000  }
0x90: {  	[spmem:s3] =	stream.indirect.scatter.add.f32 [tilespmem:s18], [sflag:$0x7], $0x80, s20, s13, $0xb8;
	[tilespmem:$0x1E800] =	vst v63  }
0x91: {  	_ =	swait.ge [sflag:s25], $0x2000  }
0x92: {  	[sflag:s25] =	ssyncset.done $0x0  }
0x93: {  	s20 =	sadd.s32 $0x400, s14;
	[sflag:s25] =	ssyncadd.s32 $0xFFFFE000  }
0x94: {  	[tilespmem:s8], [sflag:$0x1] =	stream.indirect.gather [hbm4b:s2+s13], $0x80, s20, s13, $0xb8;
	[tilespmem:$0x1E800] =	vst v63  }
0x95: {  	_ =	swait.ge [sflag:s28], $0x2000  }
0x96: {  	[sflag:s28] =	ssyncset.done $0x0  }
0x97: {  	[sflag:s28] =	ssyncadd.s32 $0xFFFFE000  }
0x98: {  	[spmem:s3] =	stream.indirect.scatter.add.f32 [tilespmem:s22], [sflag:$0x8], $0x80, s17, s13, $0xb8;
	[tilespmem:$0x1E800] =	vst v63  }
.Ltmp4:
0x99: {  	_ = 	snop;
	(pc) =	sbr.rel .LBB2_4-.Ltmp4, $4  }
0x9a: {  	_ =	swait.ge [sflag:s30], $0x2000  }
0x9b: {  	[sflag:s30] =	ssyncset.done $0x0  }
0x9c: {  	s7 =	sadd.s32 $0x800, s7;
	s20 =	sadd.s32 $0x480, s14;
	[sflag:s30] =	ssyncadd.s32 $0xFFFFE000  }
0x9d: {  	[tilespmem:s15], [sflag:$0x2] =	stream.indirect.gather [hbm4b:s2+s13], $0x80, s20, s13, $0xb8;
	[tilespmem:$0x1E800] =	vst v63  }
.LBB2_7:
0x9e: {  	s3 =	stileid.u32  }
0x9f: {  	s1 =	rddreg [dreg:$0x4];
	[bflag:$0x0] =	sbarrier.arrive $0xFFFF;
	s0 =	smul.u32 $0x2800, s3  }
0xa0: {  	s31 =	simm.s32 $0x9;
	s30 =	sshll.u32 s3, $0x6;
	s2 =	rddreg [dreg:$0x5]  }
0xa1: {  	s2 =	sshrl.u32 s2, $0x3;
	s0 =	sadd.s32 s1, s0;
	s1 =	sor.u32 $0x1C09, s30  }
0xa2: {  	[hbm:s0], [sflag:s1] =	dma.local [spmem:s2], $0x2800  }
0xa3: {  	_ =	swait.ge [sflag:s31], $0x2800  }
0xa4: {  	[sflag:s31] =	ssyncset.done $0x0  }
0xa5: {  	[sflag:s31] =	ssyncadd.s32 $0xFFFFD800  }
0xa6: {  	_ =	sfence.sel $0x180000  }
0xa7: {  	[bflag:$0x0] =	sbarrier.arrive $0xFFFF  }
0xa8: {  	_ =	strace $0x90000047  }
0xa9: {  	[bflag:$0x2] =	sbarrier.arrive $0xFFFF  }
0xaa: {  	p0 =	sne.s32 s3, $0x0;
	s0 =	rddreg [dreg:$0x3]  }
0xab: {  	s0 =	sadd.s32 @!p0 $0x100000, s0  }
0xac: {  	[sflag:s0] =	ssyncadd.tile.s32 @!p0 $0x1;
	_ =	shalt  }
.Lfunc_end2:
_tile_overlayer_lowered:
.L_overlay_start_2:
0xad: {  	(tag) =	ssettag $0x2  }
0xae: {  	s0 =	rddreg [dreg:$0x0];
	s2 =	stileid.u32  }
0xaf: {  	s1 =	rddreg [dreg:$0x1];
	p0 =	sne.s32 s2, $0x0  }
0xb0: {  	s3 =	rddreg [dreg:$0x2];
	[bflag:$0x3] =	sbarrier.arrive $0xFFFF;
	s2 =	simm.s32 @!p0 $0x1C09  }
0xb1: {  	[timem:s3], [sflag:s2] =	dma.local @!p0 [hbm:s0], s1  }
0xb2: {  	s0 =	simm.s32 @!p0 $0x9  }
0xb3: {  	_ =	swait.ge @!p0 [sflag:s0], s1  }
0xb4: {  	s1 =	ssub.s32 @!p0 $0x0, s1;
	[sflag:s0] =	ssyncset.done @!p0 $0x0  }
0xb5: {  	[sflag:s0] =	ssyncadd.s32 @!p0 s1  }
0xb6: {  	[bflag:$0x3] =	sbarrier.arrive $0xFFFF  }
0xb7: {  	_ =	shalt  }

// kernel: kernel.16.cloned.1.call-start
scs
__scs_entry_jumppad:
0x0: {  	(pc) =	sbr.rel $0x88, $3  }
0x1: {  	(tag) =	ssettag $0x0;
	lr =	simm.s32 $0x1  }
0x2: {  	[smem:$0x3F97] =	sst lr;
	_ =	strace $0xD0000000  }
0x3: {  	_ = 	snop  }
0x4: {  	_ = 	snop  }
0x5: {  	_ = 	snop  }
0x6: {  	_ = 	snop  }
0x7: {  	_ = 	snop  }
__scs_overlays_trampoline_lowered:
0x8: {  	[smem:$0x3FA6] =	sst s0  }
0x9: {  	[smem:$0x3FA7] =	sst s1  }
0xa: {  	[smem:$0x3FA8] =	sst s2  }
0xb: {  	[smem:$0x3FA9] =	sst s3  }
0xc: {  	[smem:$0x3FAA] =	sst s4  }
0xd: {  	[smem:$0x3FAB] =	sst s5  }
0xe: {  	[smem:$0x3FAC] =	sst s6  }
0xf: {  	[smem:$0x3FAD] =	sst s7  }
0x10: {  	[smem:$0x3FAE] =	sst s8  }
0x11: {  	[smem:$0x3FAF] =	sst s9;
	s0 =	simm.s32 @!p0 $0x0  }
0x12: {  	s1 =	sld [smem:$0x3F95];
	s0 =	simm.s32 @p0 $0x1  }
0x13: {  	[smem:$0x3FB0] =	sst s0;
	s0 =	simm.s32 @!p1 $0x0  }
0x14: {  	s2 =	sld [smem:$0x3F94];
	s0 =	simm.s32 @p1 $0x1  }
0x15: {  	[smem:$0x3FB1] =	sst s0;
	s0 =	simm.s32 @!p2 $0x0  }
0x16: {  	s3 =	sld [smem:$0x3FDB];
	s0 =	simm.s32 @p2 $0x1  }
0x17: {  	s4 =	simm.s32 $0x1BF5;
	[smem:$0x3FB3] =	sst s0  }
0x18: {  	s0 =	sld [smem:$0x3F96];
	_ =	swait.ge [sflag:s4], $0x0  }
0x19: {  	s7 =	sld [smem:$0x3F97]  }
0x1a: {  	s8 =	sadd.s32 $0xFFFFE003, lr  }
0x1b: {  	s9 =	sadd.s32 $0xFFFFFEF7, lr;
	s5 =	simm.s32 $0xFFFFFFFF;
	p2 =	slt.u32 s8, $0xFFFFF086  }
0x1c: {  	p1 =	slt.u32 s9, $0xF7A;
	s5 =	simm.s32 @!p2 $0x0  }
0x1d: {  	s5 =	simm.s32 @p1 $0x1;
	p0 =	seq.s32 s7, s2  }
0x1e: {  	s7 =	smul.u32 @!p0 $0xF7A, s2;
	p2 =	seq.s32 @!p0 s5, $0x0  }
0x1f: {  	s9 =	smul.u32 $0xF7A, s1;
	s8 =	simm.s32 @!p0 $0x1BF5;
	p2 =	por !p2, p0  }
0x20: {  	[sflag:s8] =	ssyncset.s32 @!p0 $0xFFFFF086;
	s6 =	sadd.s32 @!p0 s3, s7;
	s7 =	simm.s32 @!p0 $0x108  }
0x21: {  	s3 =	sadd.s32 s3, s9;
	s6 =	sadd.s32 @!p0 $0x88, s6;
	s7 =	simm.s32 @p2 $0x1082  }
0x22: {  	[simem:s7], [sflag:s8] =	dma.local @!p0 [hbm:s6], $0xF7A  }
0x23: {  	s9 =	sor.u32 $0xD0000000, s2;
	s6 =	simm.s32 $0x108;
	_ =	swait.ge @!p0 [sflag:s8], $0x0  }
0x24: {  	s3 =	sadd.s32 $0x88, s3;
	s6 =	simm.s32 @!p1 $0x1082;
	[sflag:s4] =	ssyncset.s32 $0xFFFFF086  }
0x25: {  	[simem:s6], [sflag:s4] =	dma.local [hbm:s3], $0xF7A  }
0x26: {  	[smem:$0x3F97] =	sst s1;
	(tag) =	ssettag s2;
	_ =	strace s9  }
0x27: {  	s1 =	sld [smem:$0x3FA7]  }
0x28: {  	s2 =	sld [smem:$0x3FA8]  }
0x29: {  	s4 =	sld [smem:$0x3FAA]  }
0x2a: {  	p0 =	seq.s32 s5, $0x0;
	s5 =	sld [smem:$0x3FAB]  }
0x2b: {  	s6 =	sld [smem:$0x3FAC]  }
0x2c: {  	s7 =	sld [smem:$0x3FAD]  }
0x2d: {  	s3 =	simm.s32 $0x108;
	s8 =	sld [smem:$0x3FAE]  }
0x2e: {  	s3 =	simm.s32 @!p0 $0x1082;
	s9 =	sld [smem:$0x3FAF]  }
0x2f: {  	lr =	sadd.s32 s0, s3;
	s0 =	sld [smem:$0x3FA6]  }
0x30: {  	s3 =	sld [smem:$0x3FA9]  }
0x31: {  	[smem:$0x3FB2] =	sst s10  }
0x32: {  	s10 =	sld [smem:$0x3FB0];
	_ =	sdelay $0x3  }
0x33: {  	p0 =	seq.s32 s10, $0x1;
	s10 =	sld [smem:$0x3FB2];
	_ =	sdelay $0x3  }
0x34: {  	[smem:$0x3FB2] =	sst s10  }
0x35: {  	s10 =	sld [smem:$0x3FB1];
	_ =	sdelay $0x3  }
0x36: {  	p1 =	seq.s32 s10, $0x1;
	s10 =	sld [smem:$0x3FB2];
	_ =	sdelay $0x3  }
0x37: {  	[smem:$0x3FB2] =	sst s10  }
0x38: {  	s10 =	sld [smem:$0x3FB3]  }
0x39: {  	_ = 	snop;
	(pc) =	sbr.ind lr, $3  }
0x3a: {  	_ = 	snop  }
0x3b: {  	_ = 	snop  }
0x3c: {  	p2 =	seq.s32 s10, $0x1;
	s10 =	sld [smem:$0x3FB2]  }
0x3d: {  	_ =	shalt  }
0x3e: {  	_ =	shalt  }
0x3f: {  	_ =	shalt  }
0x40: {  	_ =	shalt  }
0x41: {  	_ =	shalt  }
0x42: {  	_ =	shalt  }
0x43: {  	_ =	shalt  }
0x44: {  	_ =	shalt  }
0x45: {  	_ =	shalt  }
0x46: {  	_ =	shalt  }
0x47: {  	_ =	shalt  }
0x48: {  	_ =	shalt  }
0x49: {  	_ =	shalt  }
0x4a: {  	_ =	shalt  }
0x4b: {  	_ =	shalt  }
0x4c: {  	_ =	shalt  }
0x4d: {  	_ =	shalt  }
0x4e: {  	_ =	shalt  }
0x4f: {  	_ =	shalt  }
0x50: {  	_ =	shalt  }
0x51: {  	_ =	shalt  }
0x52: {  	_ =	shalt  }
0x53: {  	_ =	shalt  }
0x54: {  	_ =	shalt  }
0x55: {  	_ =	shalt  }
0x56: {  	_ =	shalt  }
0x57: {  	_ =	shalt  }
0x58: {  	_ =	shalt  }
0x59: {  	_ =	shalt  }
0x5a: {  	_ =	shalt  }
0x5b: {  	_ =	shalt  }
0x5c: {  	_ =	shalt  }
0x5d: {  	_ =	shalt  }
0x5e: {  	_ =	shalt  }
0x5f: {  	_ =	shalt  }
0x60: {  	_ =	shalt  }
0x61: {  	_ =	shalt  }
0x62: {  	_ =	shalt  }
0x63: {  	_ =	shalt  }
0x64: {  	_ =	shalt  }
0x65: {  	_ =	shalt  }
0x66: {  	_ =	shalt  }
0x67: {  	_ =	shalt  }
0x68: {  	_ =	shalt  }
0x69: {  	_ =	shalt  }
0x6a: {  	_ =	shalt  }
0x6b: {  	_ =	shalt  }
0x6c: {  	_ =	shalt  }
0x6d: {  	_ =	shalt  }
0x6e: {  	_ =	shalt  }
0x6f: {  	_ =	shalt  }
0x70: {  	_ =	shalt  }
0x71: {  	_ =	shalt  }
0x72: {  	_ =	shalt  }
0x73: {  	_ =	shalt  }
0x74: {  	_ =	shalt  }
0x75: {  	_ =	shalt  }
0x76: {  	_ =	shalt  }
0x77: {  	_ =	shalt  }
0x78: {  	_ =	shalt  }
0x79: {  	_ =	shalt  }
0x7a: {  	_ =	shalt  }
0x7b: {  	_ =	shalt  }
0x7c: {  	_ =	shalt  }
0x7d: {  	_ =	shalt  }
0x7e: {  	_ =	shalt  }
0x7f: {  	_ =	shalt  }
0x80: {  	_ =	shalt  }
0x81: {  	_ =	shalt  }
0x82: {  	_ =	shalt  }
0x83: {  	_ =	shalt  }
0x84: {  	_ =	shalt  }
0x85: {  	_ =	shalt  }
0x86: {  	_ =	shalt  }
0x87: {  	_ =	shalt  }
.Lfunc_end0:
.L_simem_size_0:
called_computation.1_lowered:
.L_overlay_start_0:
0x88: {  	s0 =	sld [smem:$0x3FD9]  }
0x89: {  	s1 =	sld [smem:$0x3FFE];
	_ =	sdelay $0x3  }
0x8a: {  	s0 =	sadd.s32 s1, s0  }
0x8b: {  	[smem:$0x3FBE] =	sst s0  }
0x8c: {  	_ = 	snop  }
0x8d: {  	s0 =	sld [smem:$0x3FD0];
	(tm) =	ssettm $0x1  }
0x8e: {  	s16 =	sld [smem:$0x3FFB];
	_ =	sdelay $0x3  }
0x8f: {  	_ =	strace s16  }
0x90: {  	s1 =	sld [smem:$0x3FFC];
	_ =	sdelay $0x3  }
0x91: {  	_ =	strace s1  }
0x92: {  	s1 =	sld [smem:$0x3FFD];
	_ =	sdelay $0x3  }
0x93: {  	_ =	strace s1  }
0x94: {  	_ =	strace $0x8FFFFFFF  }
0x95: {  	s17 =	sld [smem:$0x3FDB];
	_ =	sdelay $0x1  }
0x96: {  	s2 =	simm.s32 $_scs_section_size  }
0x97: {  	s3 =	simm.s32 $_size__tile_overlayer_lowered;
	s4 =	simm.s32 $_tile_overlayer_lowered  }
0x98: {  	s20 =	simm.s32 $0x1BFF;
	s19 =	sshll.u32 s4, $0x1;
	s1 =	sadd.s32 s2, s17  }
0x99: {  	s5 =	simm.s32 $0x0;
	s18 =	sshll.u32 s3, $0x1;
	s3 =	sadd.s32 s19, s1  }
0x9a: {  	[timem:s5], [sflag:s20] =	dma.local [hbm:s3], s18  }
0x9b: {  	_ =	swait.ge [sflag:s20], s18  }
0x9c: {  	s2 =	ssub.s32 $0x0, s18;
	[sflag:s20] =	ssyncset.done $0x0  }
0x9d: {  	[sflag:s20] =	ssyncadd.s32 s2;
	_ =	sdelay $0x1  }
0x9e: {  	s21 =	simm.s32 $0x1B8B  }
0x9f: {  	_ =	swait.ge [sflag:s21], $0x1  }
0xa0: {  	[sflag:s21] =	ssyncset.done $0x0  }
0xa1: {  	s23 =	simm.s32 $0x1B8E;
	s22 =	sld [smem:$0x3FFE];
	[sflag:s21] =	ssyncadd.s32 $0xFFFFFFFF  }
0xa2: {  	s24 =	simm.s32 $execute0_lowered;
	[smem:$0x3FD2] =	sst s23  }
0xa3: {  	s3 =	sshll.u32 s24, $0x1;
	_ =	strace $0x80000049;
	[dreg:$0x1] =	wrdreg $0xFFFFFFFF  }
0xa4: {  	s25 =	simm.s32 $_size_execute0_lowered;
	s1 =	sadd.s32 s1, s3;
	[dreg:$0x0] =	wrdreg $0x0  }
0xa5: {  	s3 =	sshll.u32 s25, $0x1;
	[dreg:$0x2] =	wrdreg s1  }
0xa6: {  	[dreg:$0x3] =	wrdreg s3  }
0xa7: {  	[dreg:$0x4] =	wrdreg $0xC0  }
0xa8: {  	_ =	task [dreg:s5], $0x5FFFF  }
0xa9: {  	[dreg:$0x1] =	wrdreg $0xFFFFFFFF  }
0xaa: {  	[dreg:$0x0] =	wrdreg $0x60  }
0xab: {  	[dreg:$0x2] =	wrdreg s22  }
0xac: {  	[dreg:$0x3] =	wrdreg s0  }
0xad: {  	[dreg:$0x4] =	wrdreg $0xA8000  }
0xae: {  	[dreg:$0x5] =	wrdreg $0x9  }
0xaf: {  	_ =	task.clear_ibuf [dreg:s5], $0x6FFFF;
	_ =	strace $0x90000049  }
0xb0: {  	s26 =	simm.s32 $0x9;
	_ =	strace $0x8000004B  }
0xb1: {  	_ =	swait.ge [sflag:s26], $0x1  }
0xb2: {  	[sflag:s26] =	ssyncadd.s32 $0xFFFFFFFF  }
0xb3: {  	_ =	strace $0x9000004B  }
0xb4: {  	_ =	sfence  }
0xb5: {  	s28 =	sld [smem:$0x0];
	_ =	sdelay $0x1  }
0xb6: {  	s29 =	srdreg.scid  }
0xb7: {  	s30 =	sshll.u32 s29, $0xD;
	s31 =	sshrl.u32 s29, $0x2  }
0xb8: {  	s2 =	sand.u32 $0x4000, s30;
	s1 =	sand.u32 $0x1, s29;
	s0 =	sadd.s32 s31, s28  }
0xb9: {  	s1 =	sor.u32 s2, s1;
	s0 =	sshll.u32 s0, $0x11  }
0xba: {  	s0 =	sor.u32 s0, s1  }
0xbb: {  	s0 =	sadd.s32 $0x8F2B, s0  }
0xbc: {  	[sflag:s0] =	ssyncadd.remote.s32 $0x1  }
0xbd: {  	_ =	sfence.sel $0xFFFF  }
0xbe: {  	[dreg:$0x0] =	wrdreg $0xFFFFFFFF;
	(pc) =	sbr.abs _section_cstart, $3  }
0xbf: {  	[dreg:$0x1] =	wrdreg $0xFFFFFFFF  }
0xc0: {  	_ =	task.clear_ibuf [dreg:s5], $0x2FFFF;
	_ =	strace $0x9FFFFFFF  }
0xc1: {  	(tm) =	ssettm $0x7FFFFFFF  }
tec
execute0_lowered:
.L_overlay_start_1:
0x0: {  	(tag) =	ssettag $0x1  }
0x1: {  	s0 =	rddreg [dreg:$0x0]  }
0x2: {  	s2 =	rddreg [dreg:$0x1]  }
0x3: {  	s3 =	rddreg [dreg:$0x2];
	s1 =	simm.s32 $0x0  }
0x4: {  	s4 =	stileid.u32;
	[smem:$0x7FF] =	sst s1;
	s5 =	sadd.s32 $0x3A00, s0  }
0x5: {  	s6 =	sadd.s32 $0x17A00, s0;
	s0 =	sadd.s32 $0x2BA00, s0;
	s1 =	simm.s32 $0x200  }
0x6: {  	v0 =	vimm.f32 $0.0e+00;
	_ =	strace $0x8000004A;
	[dreg:$0x4] =	wrdreg s0;
	s0 =	simm.s32 $0x0  }
.LBB2_1:
0x7: {  	p0 =	sne.s32 s1, $0x7E00;
	[tilespmem:s0+$0x2870] =	vst v0  }
0x8: {  	[tilespmem:s0+$0x2800] =	vst v0  }
0x9: {  	[tilespmem:s0+$0x2810] =	vst v0  }
.Ltmp0:
0xa: {  	[tilespmem:s0+$0x2820] =	vst v0;
	(pc) =	sbr.rel @p0 .LBB2_1-.Ltmp0, $4  }
0xb: {  	[tilespmem:s0+$0x2830] =	vst v0  }
0xc: {  	[tilespmem:s0+$0x2840] =	vst v0  }
0xd: {  	[tilespmem:s0+$0x2850] =	vst v0  }
0xe: {  	[tilespmem:s0+$0x2860] =	vst v0;
	s0 =	sshra.s32 s1, $0x2;
	s1 =	sadd.s32 $0x200, s1  }
0xf: {  	[tilespmem:s0+$0x2870] =	vst v0  }
0x10: {  	[tilespmem:s0+$0x2800] =	vst v0  }
0x11: {  	[tilespmem:s0+$0x2810] =	vst v0  }
0x12: {  	[tilespmem:s0+$0x2820] =	vst v0  }
0x13: {  	[tilespmem:s0+$0x2830] =	vst v0;
	s1 =	smul.u32 $0x50000, s4  }
0x14: {  	[tilespmem:s0+$0x2840] =	vst v0  }
0x15: {  	[tilespmem:s0+$0x2850] =	vst v0;
	s1 =	sshrl.u32 s1, $0x2  }
0x16: {  	[tilespmem:s0+$0x2860] =	vst v0;
	s8 =	simm.s32 $0x2800;
	s9 =	simm.s32 $0x9;
	s1 =	sadd.s32 s1, s3  }
0x17: {  	[spmem:s1] =	stream.linear.scatter [tilespmem:s8], [sflag:$0x9], $0x2000, $0x38;
	[tilespmem:$0x1E800] =	vst v63  }
0x18: {  	_ =	swait.ge [sflag:s9], $0x2000  }
0x19: {  	[sflag:s9] =	ssyncset.done $0x0  }
0x1a: {  	s18 =	sadd.s32 $0x2000, s1;
	[sflag:s9] =	ssyncadd.s32 $0xFFFFE000  }
0x1b: {  	[spmem:s18] =	stream.linear.scatter [tilespmem:s8], [sflag:$0x9], $0x2000, $0x38;
	[tilespmem:$0x1E800] =	vst v63  }
0x1c: {  	_ =	swait.ge [sflag:s9], $0x2000  }
0x1d: {  	[sflag:s9] =	ssyncset.done $0x0  }
0x1e: {  	s19 =	sadd.s32 $0x4000, s1;
	[sflag:s9] =	ssyncadd.s32 $0xFFFFE000  }
0x1f: {  	[spmem:s19] =	stream.linear.scatter [tilespmem:s8], [sflag:$0x9], $0x2000, $0x38;
	[tilespmem:$0x1E800] =	vst v63  }
0x20: {  	_ =	swait.ge [sflag:s9], $0x2000  }
0x21: {  	[sflag:s9] =	ssyncset.done $0x0  }
0x22: {  	s20 =	sadd.s32 $0x6000, s1;
	[sflag:s9] =	ssyncadd.s32 $0xFFFFE000  }
0x23: {  	[spmem:s20] =	stream.linear.scatter [tilespmem:s8], [sflag:$0x9], $0x2000, $0x38;
	[tilespmem:$0x1E800] =	vst v63  }
0x24: {  	_ =	swait.ge [sflag:s9], $0x2000  }
0x25: {  	[sflag:s9] =	ssyncset.done $0x0  }
0x26: {  	s21 =	sadd.s32 $0x8000, s1;
	[sflag:s9] =	ssyncadd.s32 $0xFFFFE000  }
0x27: {  	[spmem:s21] =	stream.linear.scatter [tilespmem:s8], [sflag:$0x9], $0x2000, $0x38;
	[tilespmem:$0x1E800] =	vst v63  }
0x28: {  	_ =	swait.ge [sflag:s9], $0x2000  }
0x29: {  	[sflag:s9] =	ssyncset.done $0x0  }
0x2a: {  	s22 =	sadd.s32 $0xA000, s1;
	[sflag:s9] =	ssyncadd.s32 $0xFFFFE000  }
0x2b: {  	[spmem:s22] =	stream.linear.scatter [tilespmem:s8], [sflag:$0x9], $0x2000, $0x38;
	[tilespmem:$0x1E800] =	vst v63  }
0x2c: {  	_ =	swait.ge [sflag:s9], $0x2000  }
0x2d: {  	[sflag:s9] =	ssyncset.done $0x0  }
0x2e: {  	s23 =	sadd.s32 $0xC000, s1;
	[sflag:s9] =	ssyncadd.s32 $0xFFFFE000  }
0x2f: {  	[spmem:s23] =	stream.linear.scatter [tilespmem:s8], [sflag:$0x9], $0x2000, $0x38;
	[tilespmem:$0x1E800] =	vst v63  }
0x30: {  	_ =	swait.ge [sflag:s9], $0x2000  }
0x31: {  	s10 =	smul.u32 $0xA000, s4;
	[sflag:s9] =	ssyncset.done $0x0  }
0x32: {  	s11 =	simm.s32 $0x0;
	s24 =	sadd.s32 $0xE000, s1;
	[sflag:s9] =	ssyncadd.s32 $0xFFFFE000  }
0x33: {  	[spmem:s24] =	stream.linear.scatter [tilespmem:s8], [sflag:$0x9], $0x2000, $0x38;
	[tilespmem:$0x1E800] =	vst v63  }
0x34: {  	s12 =	simm.s32 $0x1400;
	s13 =	simm.s32 $0x40;
	_ =	swait.ge [sflag:s9], $0x2000  }
0x35: {  	s15 =	simm.s32 $0x4800;
	s16 =	simm.s32 $0x1;
	[sflag:s9] =	ssyncset.done $0x0  }
0x36: {  	s28 =	simm.s32 $0x4;
	s25 =	sadd.s32 $0x10000, s1;
	[sflag:s9] =	ssyncadd.s32 $0xFFFFE000  }
0x37: {  	[spmem:s25] =	stream.linear.scatter [tilespmem:s8], [sflag:$0x9], $0x2000, $0x38;
	[tilespmem:$0x1E800] =	vst v63  }
0x38: {  	s29 =	simm.s32 $0x1580;
	s30 =	simm.s32 $0x6;
	_ =	swait.ge [sflag:s9], $0x2000  }
0x39: {  	s31 =	simm.s32 $0x280;
	s0 =	simm.s32 $0x7;
	[sflag:s9] =	ssyncset.done $0x0  }
0x3a: {  	s26 =	sadd.s32 $0x12000, s1;
	[dreg:$0x5] =	wrdreg s1;
	[sflag:s9] =	ssyncadd.s32 $0xFFFFE000  }
0x3b: {  	[spmem:s26] =	stream.linear.scatter [tilespmem:s8], [sflag:$0x9], $0x2000, $0x38;
	[tilespmem:$0x1E800] =	vst v63  }
.Ltmp1:
0x3c: {  	s4 =	simm.s32 $0x8;
	_ =	swait.ge [sflag:s9], $0x2000;
	(pc) =	sbr.rel .LBB2_3-.Ltmp1, $4  }
0x3d: {  	s18 =	simm.s32 $0x6800;
	s19 =	simm.s32 $0x2;
	[sflag:s9] =	ssyncset.done $0x0  }
0x3e: {  	s21 =	simm.s32 $0x180;
	s22 =	simm.s32 $0x8800;
	[sflag:s9] =	ssyncadd.s32 $0xFFFFE000  }
0x3f: {  	s23 =	simm.s32 $0x3;
	s24 =	simm.s32 $0x1500;
	[bflag:$0x0] =	sbarrier.arrive $0xFFFF  }
0x40: {  	s25 =	simm.s32 $0x5;
	s1 =	simm.s32 $0x0;
	s26 =	simm.s32 $0x200  }
.LBB2_6:
0x41: {  	_ =	swait.ge [sflag:s28], $0x2000  }
0x42: {  	[sflag:s28] =	ssyncset.done $0x0  }
0x43: {  	[sflag:s28] =	ssyncadd.s32 $0xFFFFE000  }
0x44: {  	[spmem:s3] =	stream.indirect.scatter.add.f32 [tilespmem:s22], [sflag:$0x8], $0x80, s17, s13, $0xb8;
	[tilespmem:$0x1E800] =	vst v63  }
0x45: {  	_ =	swait.ge [sflag:s25], $0x2000  }
0x46: {  	[sflag:s25] =	ssyncset.done $0x0  }
0x47: {  	[sflag:s25] =	ssyncadd.s32 $0xFFFFE000  }
0x48: {  	_ =	swait.ge [sflag:s30], $0x2000  }
0x49: {  	[sflag:s30] =	ssyncset.done $0x0  }
0x4a: {  	s1 =	sadd.s32 $0x1, s1;
	[sflag:s30] =	ssyncadd.s32 $0xFFFFE000  }
0x4b: {  	p0 =	sne.s32 s1, $0x8;
	_ =	swait.ge [sflag:s0], $0x2000  }
.Ltmp2:
0x4c: {  	[sflag:s0] =	ssyncset.done $0x0;
	(pc) =	sbr.rel @!p0 .LBB2_7-.Ltmp2, $4  }
0x4d: {  	[sflag:s0] =	ssyncadd.s32 $0xFFFFE000  }
0x4e: {  	_ =	swait.ge [sflag:s4], $0x2000  }
0x4f: {  	[sflag:s4] =	ssyncset.done $0x0  }
0x50: {  	[sflag:s4] =	ssyncadd.s32 $0xFFFFE000  }
.LBB2_3:
0x51: {  	s7 =	smul.u32 $0x1400, s1;
	_ =	sdelay $0x1  }
0x52: {  	s7 =	sadd.s32 s10, s7  }
0x53: {  	s7 =	sshrl.u32 s7, $0x3  }
0x54: {  	s14 =	sadd.s32 s5, s7  }
0x55: {  	[tilespmem:s11], [sflag:$0x9] =	stream.linear.gather [hbm4b:s14+s11], $0x1400, $0x38;
	[tilespmem:$0x1E800] =	vst v63  }
0x56: {  	_ =	swait.ge [sflag:s9], $0x1400  }
0x57: {  	[sflag:s9] =	ssyncset.done $0x0  }
0x58: {  	s7 =	sadd.s32 s6, s7;
	[sflag:s9] =	ssyncadd.s32 $0xFFFFEC00  }
0x59: {  	[tilespmem:s12], [sflag:$0x9] =	stream.linear.gather [hbm4b:s7+s11], $0x1400, $0x38;
	[tilespmem:$0x1E800] =	vst v63  }
0x5a: {  	_ =	swait.ge [sflag:s9], $0x1400  }
0x5b: {  	[sflag:s9] =	ssyncset.done $0x0  }
0x5c: {  	[sflag:s9] =	ssyncadd.s32 $0xFFFFEC00  }
0x5d: {  	[tilespmem:s8], [sflag:$0x1] =	stream.indirect.gather [hbm4b:s2+s13], $0x80, s11, s13, $0xb8;
	[tilespmem:$0x1E800] =	vst v63  }
0x5e: {  	s14 =	simm.s32 $0x80  }
0x5f: {  	[tilespmem:s15], [sflag:$0x2] =	stream.indirect.gather [hbm4b:s2+s13], $0x80, s14, s13, $0xb8;
	[tilespmem:$0x1E800] =	vst v63  }
0x60: {  	_ =	swait.ge [sflag:s16], $0x2000  }
0x61: {  	[sflag:s16] =	ssyncset.done $0x0  }
0x62: {  	[sflag:s16] =	ssyncadd.s32 $0xFFFFE000  }
0x63: {  	[spmem:s3] =	stream.indirect.scatter.add.f32 [tilespmem:s8], [sflag:$0x5], $0x80, s12, s13, $0xb8;
	[tilespmem:$0x1E800] =	vst v63  }
0x64: {  	s17 =	simm.s32 $0x100  }
0x65: {  	[tilespmem:s18], [sflag:$0x3] =	stream.indirect.gather [hbm4b:s2+s13], $0x80, s17, s13, $0xb8;
	[tilespmem:$0x1E800] =	vst v63  }
0x66: {  	_ =	swait.ge [sflag:s19], $0x2000  }
0x67: {  	[sflag:s19] =	ssyncset.done $0x0  }
0x68: {  	s20 =	simm.s32 $0x1480;
	[sflag:s19] =	ssyncadd.s32 $0xFFFFE000  }
0x69: {  	[spmem:s3] =	stream.indirect.scatter.add.f32 [tilespmem:s15], [sflag:$0x6], $0x80, s20, s13, $0xb8;
	[tilespmem:$0x1E800] =	vst v63  }
0x6a: {  	_ = 	snop  }
0x6b: {  	[tilespmem:s22], [sflag:$0x4] =	stream.indirect.gather [hbm4b:s2+s13], $0x80, s21, s13, $0xb8;
	[tilespmem:$0x1E800] =	vst v63  }
0x6c: {  	_ =	swait.ge [sflag:s23], $0x2000  }
0x6d: {  	[sflag:s23] =	ssyncset.done $0x0  }
0x6e: {  	[sflag:s23] =	ssyncadd.s32 $0xFFFFE000  }
0x6f: {  	[spmem:s3] =	stream.indirect.scatter.add.f32 [tilespmem:s18], [sflag:$0x7], $0x80, s24, s13, $0xb8;
	[tilespmem:$0x1E800] =	vst v63  }
0x70: {  	_ =	swait.ge [sflag:s25], $0x2000  }
0x71: {  	[sflag:s25] =	ssyncset.done $0x0  }
0x72: {  	[sflag:s25] =	ssyncadd.s32 $0xFFFFE000  }
0x73: {  	[tilespmem:s8], [sflag:$0x1] =	stream.indirect.gather [hbm4b:s2+s13], $0x80, s26, s13, $0xb8;
	[tilespmem:$0x1E800] =	vst v63  }
0x74: {  	_ =	swait.ge [sflag:s28], $0x2000  }
0x75: {  	[sflag:s28] =	ssyncset.done $0x0  }
0x76: {  	[sflag:s28] =	ssyncadd.s32 $0xFFFFE000  }
0x77: {  	[spmem:s3] =	stream.indirect.scatter.add.f32 [tilespmem:s22], [sflag:$0x8], $0x80, s29, s13, $0xb8;
	[tilespmem:$0x1E800] =	vst v63  }
0x78: {  	_ =	swait.ge [sflag:s30], $0x2000  }
0x79: {  	[sflag:s30] =	ssyncset.done $0x0  }
0x7a: {  	s7 =	simm.s32 $0x0;
	[sflag:s30] =	ssyncadd.s32 $0xFFFFE000  }
0x7b: {  	[tilespmem:s15], [sflag:$0x2] =	stream.indirect.gather [hbm4b:s2+s13], $0x80, s31, s13, $0xb8;
	[tilespmem:$0x1E800] =	vst v63  }
.LBB2_4:
0x7c: {  	_ =	swait.ge [sflag:s16], $0x2000  }
0x7d: {  	s14 =	sshra.s32 s7, $0x2;
	[sflag:s16] =	ssyncset.done $0x0  }
0x7e: {  	s17 =	sadd.s32 $0x1600, s14;
	[sflag:s16] =	ssyncadd.s32 $0xFFFFE000  }
0x7f: {  	[spmem:s3] =	stream.indirect.scatter.add.f32 [tilespmem:s8], [sflag:$0x5], $0x80, s17, s13, $0xb8;
	[tilespmem:$0x1E800] =	vst v63  }
0x80: {  	_ =	swait.ge [sflag:s0], $0x2000  }
0x81: {  	[sflag:s0] =	ssyncset.done $0x0  }
0x82: {  	s20 =	sadd.s32 $0x300, s14;
	[sflag:s0] =	ssyncadd.s32 $0xFFFFE000  }
0x83: {  	[tilespmem:s18], [sflag:$0x3] =	stream.indirect.gather [hbm4b:s2+s13], $0x80, s20, s13, $0xb8;
	[tilespmem:$0x1E800] =	vst v63  }
0x84: {  	_ =	swait.ge [sflag:s19], $0x2000  }
0x85: {  	[sflag:s19] =	ssyncset.done $0x0  }
0x86: {  	s20 =	sadd.s32 $0x1680, s14;
	[sflag:s19] =	ssyncadd.s32 $0xFFFFE000  }
0x87: {  	[spmem:s3] =	stream.indirect.scatter.add.f32 [tilespmem:s15], [sflag:$0x6], $0x80, s20, s13, $0xb8;
	[tilespmem:$0x1E800] =	vst v63  }
0x88: {  	_ =	swait.ge [sflag:s4], $0x2000  }
0x89: {  	[sflag:s4] =	ssyncset.done $0x0  }
0x8a: {  	p0 =	seq.s32 s7, $0x4000;
	s20 =	sadd.s32 $0x380, s14;
	[sflag:s4] =	ssyncadd.s32 $0xFFFFE000  }
0x8b: {  	[tilespmem:s22], [sflag:$0x4] =	stream.indirect.gather [hbm4b:s2+s13], $0x80, s20, s13, $0xb8;
	[tilespmem:$0x1E800] =	vst v63  }
.Ltmp3:
0x8c: {  	_ = 	snop;
	(pc) =	sbr.rel @p0 .LBB2_6-.Ltmp3, $4  }
0x8d: {  	_ =	swait.ge [sflag:s23], $0x2000  }
0x8e: {  	[sflag:s23] =	ssyncset.done $0x0  }
0x8f: {  	s17 =	sadd.s32 $0x1780, s14;
	s20 =	sadd.s32 $0x1700, s14;
	[sflag:s23] =	ssyncadd.s32 $0xFFFFE000  }
0x90: {  	[spmem:s3] =	stream.indirect.scatter.add.f32 [tilespmem:s18], [sflag:$0x7], $0x80, s20, s13, $0xb8;
	[tilespmem:$0x1E800] =	vst v63  }
0x91: {  	_ =	swait.ge [sflag:s25], $0x2000  }
0x92: {  	[sflag:s25] =	ssyncset.done $0x0  }
0x93: {  	s20 =	sadd.s32 $0x400, s14;
	[sflag:s25] =	ssyncadd.s32 $0xFFFFE000  }
0x94: {  	[tilespmem:s8], [sflag:$0x1] =	stream.indirect.gather [hbm4b:s2+s13], $0x80, s20, s13, $0xb8;
	[tilespmem:$0x1E800] =	vst v63  }
0x95: {  	_ =	swait.ge [sflag:s28], $0x2000  }
0x96: {  	[sflag:s28] =	ssyncset.done $0x0  }
0x97: {  	[sflag:s28] =	ssyncadd.s32 $0xFFFFE000  }
0x98: {  	[spmem:s3] =	stream.indirect.scatter.add.f32 [tilespmem:s22], [sflag:$0x8], $0x80, s17, s13, $0xb8;
	[tilespmem:$0x1E800] =	vst v63  }
.Ltmp4:
0x99: {  	_ = 	snop;
	(pc) =	sbr.rel .LBB2_4-.Ltmp4, $4  }
0x9a: {  	_ =	swait.ge [sflag:s30], $0x2000  }
0x9b: {  	[sflag:s30] =	ssyncset.done $0x0  }
0x9c: {  	s7 =	sadd.s32 $0x800, s7;
	s20 =	sadd.s32 $0x480, s14;
	[sflag:s30] =	ssyncadd.s32 $0xFFFFE000  }
0x9d: {  	[tilespmem:s15], [sflag:$0x2] =	stream.indirect.gather [hbm4b:s2+s13], $0x80, s20, s13, $0xb8;
	[tilespmem:$0x1E800] =	vst v63  }
.LBB2_7:
0x9e: {  	s3 =	stileid.u32  }
0x9f: {  	s1 =	rddreg [dreg:$0x4];
	[bflag:$0x0] =	sbarrier.arrive $0xFFFF;
	s0 =	smul.u32 $0x2800, s3  }
0xa0: {  	s31 =	simm.s32 $0x9;
	s30 =	sshll.u32 s3, $0x6;
	s2 =	rddreg [dreg:$0x5]  }
0xa1: {  	s2 =	sshrl.u32 s2, $0x3;
	s0 =	sadd.s32 s1, s0;
	s1 =	sor.u32 $0x1C09, s30  }
0xa2: {  	[hbm:s0], [sflag:s1] =	dma.local [spmem:s2], $0x2800  }
0xa3: {  	_ =	swait.ge [sflag:s31], $0x2800  }
0xa4: {  	[sflag:s31] =	ssyncset.done $0x0  }
0xa5: {  	[sflag:s31] =	ssyncadd.s32 $0xFFFFD800  }
0xa6: {  	_ =	sfence.sel $0x180000  }
0xa7: {  	[bflag:$0x0] =	sbarrier.arrive $0xFFFF  }
0xa8: {  	_ =	strace $0x9000004A  }
0xa9: {  	[bflag:$0x2] =	sbarrier.arrive $0xFFFF  }
0xaa: {  	p0 =	sne.s32 s3, $0x0;
	s0 =	rddreg [dreg:$0x3]  }
0xab: {  	s0 =	sadd.s32 @!p0 $0x100000, s0  }
0xac: {  	[sflag:s0] =	ssyncadd.tile.s32 @!p0 $0x1;
	_ =	shalt  }
.Lfunc_end2:
_tile_overlayer_lowered:
.L_overlay_start_2:
0xad: {  	(tag) =	ssettag $0x2  }
0xae: {  	s0 =	rddreg [dreg:$0x0];
	s2 =	stileid.u32  }
0xaf: {  	s1 =	rddreg [dreg:$0x1];
	p0 =	sne.s32 s2, $0x0  }
0xb0: {  	s3 =	rddreg [dreg:$0x2];
	[bflag:$0x3] =	sbarrier.arrive $0xFFFF;
	s2 =	simm.s32 @!p0 $0x1C09  }
0xb1: {  	[timem:s3], [sflag:s2] =	dma.local @!p0 [hbm:s0], s1  }
0xb2: {  	s0 =	simm.s32 @!p0 $0x9  }
0xb3: {  	_ =	swait.ge @!p0 [sflag:s0], s1  }
0xb4: {  	s1 =	ssub.s32 @!p0 $0x0, s1;
	[sflag:s0] =	ssyncset.done @!p0 $0x0  }
0xb5: {  	[sflag:s0] =	ssyncadd.s32 @!p0 s1  }
0xb6: {  	[bflag:$0x3] =	sbarrier.arrive $0xFFFF  }
0xb7: {  	_ =	shalt  }

// kernel: kernel.19.cloned.1.call-start
scs
__scs_entry_jumppad:
0x0: {  	(pc) =	sbr.rel $0x88, $3  }
0x1: {  	(tag) =	ssettag $0x0;
	lr =	simm.s32 $0x1  }
0x2: {  	[smem:$0x3F97] =	sst lr;
	_ =	strace $0xD0000000  }
0x3: {  	_ = 	snop  }
0x4: {  	_ = 	snop  }
0x5: {  	_ = 	snop  }
0x6: {  	_ = 	snop  }
0x7: {  	_ = 	snop  }
__scs_overlays_trampoline_lowered:
0x8: {  	[smem:$0x3FA6] =	sst s0  }
0x9: {  	[smem:$0x3FA7] =	sst s1  }
0xa: {  	[smem:$0x3FA8] =	sst s2  }
0xb: {  	[smem:$0x3FA9] =	sst s3  }
0xc: {  	[smem:$0x3FAA] =	sst s4  }
0xd: {  	[smem:$0x3FAB] =	sst s5  }
0xe: {  	[smem:$0x3FAC] =	sst s6  }
0xf: {  	[smem:$0x3FAD] =	sst s7  }
0x10: {  	[smem:$0x3FAE] =	sst s8  }
0x11: {  	[smem:$0x3FAF] =	sst s9;
	s0 =	simm.s32 @!p0 $0x0  }
0x12: {  	s1 =	sld [smem:$0x3F95];
	s0 =	simm.s32 @p0 $0x1  }
0x13: {  	[smem:$0x3FB0] =	sst s0;
	s0 =	simm.s32 @!p1 $0x0  }
0x14: {  	s2 =	sld [smem:$0x3F94];
	s0 =	simm.s32 @p1 $0x1  }
0x15: {  	[smem:$0x3FB1] =	sst s0;
	s0 =	simm.s32 @!p2 $0x0  }
0x16: {  	s3 =	sld [smem:$0x3FDB];
	s0 =	simm.s32 @p2 $0x1  }
0x17: {  	s4 =	simm.s32 $0x1BF5;
	[smem:$0x3FB3] =	sst s0  }
0x18: {  	s0 =	sld [smem:$0x3F96];
	_ =	swait.ge [sflag:s4], $0x0  }
0x19: {  	s7 =	sld [smem:$0x3F97]  }
0x1a: {  	s8 =	sadd.s32 $0xFFFFE003, lr  }
0x1b: {  	s9 =	sadd.s32 $0xFFFFFEF7, lr;
	s5 =	simm.s32 $0xFFFFFFFF;
	p2 =	slt.u32 s8, $0xFFFFF086  }
0x1c: {  	p1 =	slt.u32 s9, $0xF7A;
	s5 =	simm.s32 @!p2 $0x0  }
0x1d: {  	s5 =	simm.s32 @p1 $0x1;
	p0 =	seq.s32 s7, s2  }
0x1e: {  	s7 =	smul.u32 @!p0 $0xF7A, s2;
	p2 =	seq.s32 @!p0 s5, $0x0  }
0x1f: {  	s9 =	smul.u32 $0xF7A, s1;
	s8 =	simm.s32 @!p0 $0x1BF5;
	p2 =	por !p2, p0  }
0x20: {  	[sflag:s8] =	ssyncset.s32 @!p0 $0xFFFFF086;
	s6 =	sadd.s32 @!p0 s3, s7;
	s7 =	simm.s32 @!p0 $0x108  }
0x21: {  	s3 =	sadd.s32 s3, s9;
	s6 =	sadd.s32 @!p0 $0x88, s6;
	s7 =	simm.s32 @p2 $0x1082  }
0x22: {  	[simem:s7], [sflag:s8] =	dma.local @!p0 [hbm:s6], $0xF7A  }
0x23: {  	s9 =	sor.u32 $0xD0000000, s2;
	s6 =	simm.s32 $0x108;
	_ =	swait.ge @!p0 [sflag:s8], $0x0  }
0x24: {  	s3 =	sadd.s32 $0x88, s3;
	s6 =	simm.s32 @!p1 $0x1082;
	[sflag:s4] =	ssyncset.s32 $0xFFFFF086  }
0x25: {  	[simem:s6], [sflag:s4] =	dma.local [hbm:s3], $0xF7A  }
0x26: {  	[smem:$0x3F97] =	sst s1;
	(tag) =	ssettag s2;
	_ =	strace s9  }
0x27: {  	s1 =	sld [smem:$0x3FA7]  }
0x28: {  	s2 =	sld [smem:$0x3FA8]  }
0x29: {  	s4 =	sld [smem:$0x3FAA]  }
0x2a: {  	p0 =	seq.s32 s5, $0x0;
	s5 =	sld [smem:$0x3FAB]  }
0x2b: {  	s6 =	sld [smem:$0x3FAC]  }
0x2c: {  	s7 =	sld [smem:$0x3FAD]  }
0x2d: {  	s3 =	simm.s32 $0x108;
	s8 =	sld [smem:$0x3FAE]  }
0x2e: {  	s3 =	simm.s32 @!p0 $0x1082;
	s9 =	sld [smem:$0x3FAF]  }
0x2f: {  	lr =	sadd.s32 s0, s3;
	s0 =	sld [smem:$0x3FA6]  }
0x30: {  	s3 =	sld [smem:$0x3FA9]  }
0x31: {  	[smem:$0x3FB2] =	sst s10  }
0x32: {  	s10 =	sld [smem:$0x3FB0];
	_ =	sdelay $0x3  }
0x33: {  	p0 =	seq.s32 s10, $0x1;
	s10 =	sld [smem:$0x3FB2];
	_ =	sdelay $0x3  }
0x34: {  	[smem:$0x3FB2] =	sst s10  }
0x35: {  	s10 =	sld [smem:$0x3FB1];
	_ =	sdelay $0x3  }
0x36: {  	p1 =	seq.s32 s10, $0x1;
	s10 =	sld [smem:$0x3FB2];
	_ =	sdelay $0x3  }
0x37: {  	[smem:$0x3FB2] =	sst s10  }
0x38: {  	s10 =	sld [smem:$0x3FB3]  }
0x39: {  	_ = 	snop;
	(pc) =	sbr.ind lr, $3  }
0x3a: {  	_ = 	snop  }
0x3b: {  	_ = 	snop  }
0x3c: {  	p2 =	seq.s32 s10, $0x1;
	s10 =	sld [smem:$0x3FB2]  }
0x3d: {  	_ =	shalt  }
0x3e: {  	_ =	shalt  }
0x3f: {  	_ =	shalt  }
0x40: {  	_ =	shalt  }
0x41: {  	_ =	shalt  }
0x42: {  	_ =	shalt  }
0x43: {  	_ =	shalt  }
0x44: {  	_ =	shalt  }
0x45: {  	_ =	shalt  }
0x46: {  	_ =	shalt  }
0x47: {  	_ =	shalt  }
0x48: {  	_ =	shalt  }
0x49: {  	_ =	shalt  }
0x4a: {  	_ =	shalt  }
0x4b: {  	_ =	shalt  }
0x4c: {  	_ =	shalt  }
0x4d: {  	_ =	shalt  }
0x4e: {  	_ =	shalt  }
0x4f: {  	_ =	shalt  }
0x50: {  	_ =	shalt  }
0x51: {  	_ =	shalt  }
0x52: {  	_ =	shalt  }
0x53: {  	_ =	shalt  }
0x54: {  	_ =	shalt  }
0x55: {  	_ =	shalt  }
0x56: {  	_ =	shalt  }
0x57: {  	_ =	shalt  }
0x58: {  	_ =	shalt  }
0x59: {  	_ =	shalt  }
0x5a: {  	_ =	shalt  }
0x5b: {  	_ =	shalt  }
0x5c: {  	_ =	shalt  }
0x5d: {  	_ =	shalt  }
0x5e: {  	_ =	shalt  }
0x5f: {  	_ =	shalt  }
0x60: {  	_ =	shalt  }
0x61: {  	_ =	shalt  }
0x62: {  	_ =	shalt  }
0x63: {  	_ =	shalt  }
0x64: {  	_ =	shalt  }
0x65: {  	_ =	shalt  }
0x66: {  	_ =	shalt  }
0x67: {  	_ =	shalt  }
0x68: {  	_ =	shalt  }
0x69: {  	_ =	shalt  }
0x6a: {  	_ =	shalt  }
0x6b: {  	_ =	shalt  }
0x6c: {  	_ =	shalt  }
0x6d: {  	_ =	shalt  }
0x6e: {  	_ =	shalt  }
0x6f: {  	_ =	shalt  }
0x70: {  	_ =	shalt  }
0x71: {  	_ =	shalt  }
0x72: {  	_ =	shalt  }
0x73: {  	_ =	shalt  }
0x74: {  	_ =	shalt  }
0x75: {  	_ =	shalt  }
0x76: {  	_ =	shalt  }
0x77: {  	_ =	shalt  }
0x78: {  	_ =	shalt  }
0x79: {  	_ =	shalt  }
0x7a: {  	_ =	shalt  }
0x7b: {  	_ =	shalt  }
0x7c: {  	_ =	shalt  }
0x7d: {  	_ =	shalt  }
0x7e: {  	_ =	shalt  }
0x7f: {  	_ =	shalt  }
0x80: {  	_ =	shalt  }
0x81: {  	_ =	shalt  }
0x82: {  	_ =	shalt  }
0x83: {  	_ =	shalt  }
0x84: {  	_ =	shalt  }
0x85: {  	_ =	shalt  }
0x86: {  	_ =	shalt  }
0x87: {  	_ =	shalt  }
.Lfunc_end0:
.L_simem_size_0:
called_computation.2_lowered:
.L_overlay_start_0:
0x88: {  	s0 =	sld [smem:$0x3FD9]  }
0x89: {  	s1 =	sld [smem:$0x3FFE];
	_ =	sdelay $0x3  }
0x8a: {  	s0 =	sadd.s32 s1, s0  }
0x8b: {  	[smem:$0x3FBE] =	sst s0  }
0x8c: {  	_ = 	snop  }
0x8d: {  	s0 =	sld [smem:$0x3FD0];
	(tm) =	ssettm $0x1  }
0x8e: {  	s16 =	sld [smem:$0x3FFB];
	_ =	sdelay $0x3  }
0x8f: {  	_ =	strace s16  }
0x90: {  	s1 =	sld [smem:$0x3FFC];
	_ =	sdelay $0x3  }
0x91: {  	_ =	strace s1  }
0x92: {  	s1 =	sld [smem:$0x3FFD];
	_ =	sdelay $0x3  }
0x93: {  	_ =	strace s1  }
0x94: {  	_ =	strace $0x8FFFFFFF  }
0x95: {  	s17 =	sld [smem:$0x3FDB];
	_ =	sdelay $0x1  }
0x96: {  	s2 =	simm.s32 $_scs_section_size  }
0x97: {  	s3 =	simm.s32 $_size__tile_overlayer_lowered;
	s4 =	simm.s32 $_tile_overlayer_lowered  }
0x98: {  	s20 =	simm.s32 $0x1BFF;
	s19 =	sshll.u32 s4, $0x1;
	s1 =	sadd.s32 s2, s17  }
0x99: {  	s5 =	simm.s32 $0x0;
	s18 =	sshll.u32 s3, $0x1;
	s3 =	sadd.s32 s19, s1  }
0x9a: {  	[timem:s5], [sflag:s20] =	dma.local [hbm:s3], s18  }
0x9b: {  	_ =	swait.ge [sflag:s20], s18  }
0x9c: {  	s2 =	ssub.s32 $0x0, s18;
	[sflag:s20] =	ssyncset.done $0x0  }
0x9d: {  	[sflag:s20] =	ssyncadd.s32 s2;
	_ =	sdelay $0x1  }
0x9e: {  	s21 =	simm.s32 $0x1B8B  }
0x9f: {  	_ =	swait.ge [sflag:s21], $0x1  }
0xa0: {  	[sflag:s21] =	ssyncset.done $0x0  }
0xa1: {  	s23 =	simm.s32 $0x1B8E;
	s22 =	sld [smem:$0x3FFE];
	[sflag:s21] =	ssyncadd.s32 $0xFFFFFFFF  }
0xa2: {  	s24 =	simm.s32 $execute0_lowered;
	[smem:$0x3FD2] =	sst s23  }
0xa3: {  	s3 =	sshll.u32 s24, $0x1;
	_ =	strace $0x8000004C;
	[dreg:$0x1] =	wrdreg $0xFFFFFFFF  }
0xa4: {  	s25 =	simm.s32 $_size_execute0_lowered;
	s1 =	sadd.s32 s1, s3;
	[dreg:$0x0] =	wrdreg $0x0  }
0xa5: {  	s3 =	sshll.u32 s25, $0x1;
	[dreg:$0x2] =	wrdreg s1  }
0xa6: {  	[dreg:$0x3] =	wrdreg s3  }
0xa7: {  	[dreg:$0x4] =	wrdreg $0xC0  }
0xa8: {  	_ =	task [dreg:s5], $0x5FFFF  }
0xa9: {  	[dreg:$0x1] =	wrdreg $0xFFFFFFFF  }
0xaa: {  	[dreg:$0x0] =	wrdreg $0x60  }
0xab: {  	[dreg:$0x2] =	wrdreg s22  }
0xac: {  	[dreg:$0x3] =	wrdreg s0  }
0xad: {  	[dreg:$0x4] =	wrdreg $0xA8000  }
0xae: {  	[dreg:$0x5] =	wrdreg $0x9  }
0xaf: {  	_ =	task.clear_ibuf [dreg:s5], $0x6FFFF;
	_ =	strace $0x9000004C  }
0xb0: {  	s26 =	simm.s32 $0x9;
	_ =	strace $0x8000004E  }
0xb1: {  	_ =	swait.ge [sflag:s26], $0x1  }
0xb2: {  	[sflag:s26] =	ssyncadd.s32 $0xFFFFFFFF  }
0xb3: {  	_ =	strace $0x9000004E  }
0xb4: {  	_ =	sfence  }
0xb5: {  	s28 =	sld [smem:$0x0];
	_ =	sdelay $0x1  }
0xb6: {  	s29 =	srdreg.scid  }
0xb7: {  	s30 =	sshll.u32 s29, $0xD;
	s31 =	sshrl.u32 s29, $0x2  }
0xb8: {  	s2 =	sand.u32 $0x4000, s30;
	s1 =	sand.u32 $0x1, s29;
	s0 =	sadd.s32 s31, s28  }
0xb9: {  	s1 =	sor.u32 s2, s1;
	s0 =	sshll.u32 s0, $0x11  }
0xba: {  	s0 =	sor.u32 s0, s1  }
0xbb: {  	s0 =	sadd.s32 $0x8F2B, s0  }
0xbc: {  	[sflag:s0] =	ssyncadd.remote.s32 $0x1  }
0xbd: {  	_ =	sfence.sel $0xFFFF  }
0xbe: {  	[dreg:$0x0] =	wrdreg $0xFFFFFFFF;
	(pc) =	sbr.abs _section_cstart, $3  }
0xbf: {  	[dreg:$0x1] =	wrdreg $0xFFFFFFFF  }
0xc0: {  	_ =	task.clear_ibuf [dreg:s5], $0x2FFFF;
	_ =	strace $0x9FFFFFFF  }
0xc1: {  	(tm) =	ssettm $0x7FFFFFFF  }
tec
execute0_lowered:
.L_overlay_start_1:
0x0: {  	(tag) =	ssettag $0x1  }
0x1: {  	s0 =	rddreg [dreg:$0x0]  }
0x2: {  	s2 =	rddreg [dreg:$0x1]  }
0x3: {  	s3 =	rddreg [dreg:$0x2];
	s1 =	simm.s32 $0x0  }
0x4: {  	s4 =	stileid.u32;
	[smem:$0x7FF] =	sst s1;
	s5 =	sadd.s32 $0x3A00, s0  }
0x5: {  	s6 =	sadd.s32 $0x17A00, s0;
	s0 =	sadd.s32 $0x2BA00, s0;
	s1 =	simm.s32 $0x200  }
0x6: {  	v0 =	vimm.f32 $0.0e+00;
	_ =	strace $0x8000004D;
	[dreg:$0x4] =	wrdreg s0;
	s0 =	simm.s32 $0x0  }
.LBB2_1:
0x7: {  	p0 =	sne.s32 s1, $0x7E00;
	[tilespmem:s0+$0x2870] =	vst v0  }
0x8: {  	[tilespmem:s0+$0x2800] =	vst v0  }
0x9: {  	[tilespmem:s0+$0x2810] =	vst v0  }
.Ltmp0:
0xa: {  	[tilespmem:s0+$0x2820] =	vst v0;
	(pc) =	sbr.rel @p0 .LBB2_1-.Ltmp0, $4  }
0xb: {  	[tilespmem:s0+$0x2830] =	vst v0  }
0xc: {  	[tilespmem:s0+$0x2840] =	vst v0  }
0xd: {  	[tilespmem:s0+$0x2850] =	vst v0  }
0xe: {  	[tilespmem:s0+$0x2860] =	vst v0;
	s0 =	sshra.s32 s1, $0x2;
	s1 =	sadd.s32 $0x200, s1  }
0xf: {  	[tilespmem:s0+$0x2870] =	vst v0  }
0x10: {  	[tilespmem:s0+$0x2800] =	vst v0  }
0x11: {  	[tilespmem:s0+$0x2810] =	vst v0  }
0x12: {  	[tilespmem:s0+$0x2820] =	vst v0  }
0x13: {  	[tilespmem:s0+$0x2830] =	vst v0;
	s1 =	smul.u32 $0x50000, s4  }
0x14: {  	[tilespmem:s0+$0x2840] =	vst v0  }
0x15: {  	[tilespmem:s0+$0x2850] =	vst v0;
	s1 =	sshrl.u32 s1, $0x2  }
0x16: {  	[tilespmem:s0+$0x2860] =	vst v0;
	s8 =	simm.s32 $0x2800;
	s9 =	simm.s32 $0x9;
	s1 =	sadd.s32 s1, s3  }
0x17: {  	[spmem:s1] =	stream.linear.scatter [tilespmem:s8], [sflag:$0x9], $0x2000, $0x38;
	[tilespmem:$0x1E800] =	vst v63  }
0x18: {  	_ =	swait.ge [sflag:s9], $0x2000  }
0x19: {  	[sflag:s9] =	ssyncset.done $0x0  }
0x1a: {  	s18 =	sadd.s32 $0x2000, s1;
	[sflag:s9] =	ssyncadd.s32 $0xFFFFE000  }
0x1b: {  	[spmem:s18] =	stream.linear.scatter [tilespmem:s8], [sflag:$0x9], $0x2000, $0x38;
	[tilespmem:$0x1E800] =	vst v63  }
0x1c: {  	_ =	swait.ge [sflag:s9], $0x2000  }
0x1d: {  	[sflag:s9] =	ssyncset.done $0x0  }
0x1e: {  	s19 =	sadd.s32 $0x4000, s1;
	[sflag:s9] =	ssyncadd.s32 $0xFFFFE000  }
0x1f: {  	[spmem:s19] =	stream.linear.scatter [tilespmem:s8], [sflag:$0x9], $0x2000, $0x38;
	[tilespmem:$0x1E800] =	vst v63  }
0x20: {  	_ =	swait.ge [sflag:s9], $0x2000  }
0x21: {  	[sflag:s9] =	ssyncset.done $0x0  }
0x22: {  	s20 =	sadd.s32 $0x6000, s1;
	[sflag:s9] =	ssyncadd.s32 $0xFFFFE000  }
0x23: {  	[spmem:s20] =	stream.linear.scatter [tilespmem:s8], [sflag:$0x9], $0x2000, $0x38;
	[tilespmem:$0x1E800] =	vst v63  }
0x24: {  	_ =	swait.ge [sflag:s9], $0x2000  }
0x25: {  	[sflag:s9] =	ssyncset.done $0x0  }
0x26: {  	s21 =	sadd.s32 $0x8000, s1;
	[sflag:s9] =	ssyncadd.s32 $0xFFFFE000  }
0x27: {  	[spmem:s21] =	stream.linear.scatter [tilespmem:s8], [sflag:$0x9], $0x2000, $0x38;
	[tilespmem:$0x1E800] =	vst v63  }
0x28: {  	_ =	swait.ge [sflag:s9], $0x2000  }
0x29: {  	[sflag:s9] =	ssyncset.done $0x0  }
0x2a: {  	s22 =	sadd.s32 $0xA000, s1;
	[sflag:s9] =	ssyncadd.s32 $0xFFFFE000  }
0x2b: {  	[spmem:s22] =	stream.linear.scatter [tilespmem:s8], [sflag:$0x9], $0x2000, $0x38;
	[tilespmem:$0x1E800] =	vst v63  }
0x2c: {  	_ =	swait.ge [sflag:s9], $0x2000  }
0x2d: {  	[sflag:s9] =	ssyncset.done $0x0  }
0x2e: {  	s23 =	sadd.s32 $0xC000, s1;
	[sflag:s9] =	ssyncadd.s32 $0xFFFFE000  }
0x2f: {  	[spmem:s23] =	stream.linear.scatter [tilespmem:s8], [sflag:$0x9], $0x2000, $0x38;
	[tilespmem:$0x1E800] =	vst v63  }
0x30: {  	_ =	swait.ge [sflag:s9], $0x2000  }
0x31: {  	s10 =	smul.u32 $0xA000, s4;
	[sflag:s9] =	ssyncset.done $0x0  }
0x32: {  	s11 =	simm.s32 $0x0;
	s24 =	sadd.s32 $0xE000, s1;
	[sflag:s9] =	ssyncadd.s32 $0xFFFFE000  }
0x33: {  	[spmem:s24] =	stream.linear.scatter [tilespmem:s8], [sflag:$0x9], $0x2000, $0x38;
	[tilespmem:$0x1E800] =	vst v63  }
0x34: {  	s12 =	simm.s32 $0x1400;
	s13 =	simm.s32 $0x40;
	_ =	swait.ge [sflag:s9], $0x2000  }
0x35: {  	s15 =	simm.s32 $0x4800;
	s16 =	simm.s32 $0x1;
	[sflag:s9] =	ssyncset.done $0x0  }
0x36: {  	s28 =	simm.s32 $0x4;
	s25 =	sadd.s32 $0x10000, s1;
	[sflag:s9] =	ssyncadd.s32 $0xFFFFE000  }
0x37: {  	[spmem:s25] =	stream.linear.scatter [tilespmem:s8], [sflag:$0x9], $0x2000, $0x38;
	[tilespmem:$0x1E800] =	vst v63  }
0x38: {  	s29 =	simm.s32 $0x1580;
	s30 =	simm.s32 $0x6;
	_ =	swait.ge [sflag:s9], $0x2000  }
0x39: {  	s31 =	simm.s32 $0x280;
	s0 =	simm.s32 $0x7;
	[sflag:s9] =	ssyncset.done $0x0  }
0x3a: {  	s26 =	sadd.s32 $0x12000, s1;
	[dreg:$0x5] =	wrdreg s1;
	[sflag:s9] =	ssyncadd.s32 $0xFFFFE000  }
0x3b: {  	[spmem:s26] =	stream.linear.scatter [tilespmem:s8], [sflag:$0x9], $0x2000, $0x38;
	[tilespmem:$0x1E800] =	vst v63  }
.Ltmp1:
0x3c: {  	s4 =	simm.s32 $0x8;
	_ =	swait.ge [sflag:s9], $0x2000;
	(pc) =	sbr.rel .LBB2_3-.Ltmp1, $4  }
0x3d: {  	s18 =	simm.s32 $0x6800;
	s19 =	simm.s32 $0x2;
	[sflag:s9] =	ssyncset.done $0x0  }
0x3e: {  	s21 =	simm.s32 $0x180;
	s22 =	simm.s32 $0x8800;
	[sflag:s9] =	ssyncadd.s32 $0xFFFFE000  }
0x3f: {  	s23 =	simm.s32 $0x3;
	s24 =	simm.s32 $0x1500;
	[bflag:$0x0] =	sbarrier.arrive $0xFFFF  }
0x40: {  	s25 =	simm.s32 $0x5;
	s1 =	simm.s32 $0x0;
	s26 =	simm.s32 $0x200  }
.LBB2_6:
0x41: {  	_ =	swait.ge [sflag:s28], $0x2000  }
0x42: {  	[sflag:s28] =	ssyncset.done $0x0  }
0x43: {  	[sflag:s28] =	ssyncadd.s32 $0xFFFFE000  }
0x44: {  	[spmem:s3] =	stream.indirect.scatter.add.f32 [tilespmem:s22], [sflag:$0x8], $0x80, s17, s13, $0xb8;
	[tilespmem:$0x1E800] =	vst v63  }
0x45: {  	_ =	swait.ge [sflag:s25], $0x2000  }
0x46: {  	[sflag:s25] =	ssyncset.done $0x0  }
0x47: {  	[sflag:s25] =	ssyncadd.s32 $0xFFFFE000  }
0x48: {  	_ =	swait.ge [sflag:s30], $0x2000  }
0x49: {  	[sflag:s30] =	ssyncset.done $0x0  }
0x4a: {  	s1 =	sadd.s32 $0x1, s1;
	[sflag:s30] =	ssyncadd.s32 $0xFFFFE000  }
0x4b: {  	p0 =	sne.s32 s1, $0x8;
	_ =	swait.ge [sflag:s0], $0x2000  }
.Ltmp2:
0x4c: {  	[sflag:s0] =	ssyncset.done $0x0;
	(pc) =	sbr.rel @!p0 .LBB2_7-.Ltmp2, $4  }
0x4d: {  	[sflag:s0] =	ssyncadd.s32 $0xFFFFE000  }
0x4e: {  	_ =	swait.ge [sflag:s4], $0x2000  }
0x4f: {  	[sflag:s4] =	ssyncset.done $0x0  }
0x50: {  	[sflag:s4] =	ssyncadd.s32 $0xFFFFE000  }
.LBB2_3:
0x51: {  	s7 =	smul.u32 $0x1400, s1;
	_ =	sdelay $0x1  }
0x52: {  	s7 =	sadd.s32 s10, s7  }
0x53: {  	s7 =	sshrl.u32 s7, $0x3  }
0x54: {  	s14 =	sadd.s32 s5, s7  }
0x55: {  	[tilespmem:s11], [sflag:$0x9] =	stream.linear.gather [hbm4b:s14+s11], $0x1400, $0x38;
	[tilespmem:$0x1E800] =	vst v63  }
0x56: {  	_ =	swait.ge [sflag:s9], $0x1400  }
0x57: {  	[sflag:s9] =	ssyncset.done $0x0  }
0x58: {  	s7 =	sadd.s32 s6, s7;
	[sflag:s9] =	ssyncadd.s32 $0xFFFFEC00  }
0x59: {  	[tilespmem:s12], [sflag:$0x9] =	stream.linear.gather [hbm4b:s7+s11], $0x1400, $0x38;
	[tilespmem:$0x1E800] =	vst v63  }
0x5a: {  	_ =	swait.ge [sflag:s9], $0x1400  }
0x5b: {  	[sflag:s9] =	ssyncset.done $0x0  }
0x5c: {  	[sflag:s9] =	ssyncadd.s32 $0xFFFFEC00  }
0x5d: {  	[tilespmem:s8], [sflag:$0x1] =	stream.indirect.gather [hbm4b:s2+s13], $0x80, s11, s13, $0xb8;
	[tilespmem:$0x1E800] =	vst v63  }
0x5e: {  	s14 =	simm.s32 $0x80  }
0x5f: {  	[tilespmem:s15], [sflag:$0x2] =	stream.indirect.gather [hbm4b:s2+s13], $0x80, s14, s13, $0xb8;
	[tilespmem:$0x1E800] =	vst v63  }
0x60: {  	_ =	swait.ge [sflag:s16], $0x2000  }
0x61: {  	[sflag:s16] =	ssyncset.done $0x0  }
0x62: {  	[sflag:s16] =	ssyncadd.s32 $0xFFFFE000  }
0x63: {  	[spmem:s3] =	stream.indirect.scatter.add.f32 [tilespmem:s8], [sflag:$0x5], $0x80, s12, s13, $0xb8;
	[tilespmem:$0x1E800] =	vst v63  }
0x64: {  	s17 =	simm.s32 $0x100  }
0x65: {  	[tilespmem:s18], [sflag:$0x3] =	stream.indirect.gather [hbm4b:s2+s13], $0x80, s17, s13, $0xb8;
	[tilespmem:$0x1E800] =	vst v63  }
0x66: {  	_ =	swait.ge [sflag:s19], $0x2000  }
0x67: {  	[sflag:s19] =	ssyncset.done $0x0  }
0x68: {  	s20 =	simm.s32 $0x1480;
	[sflag:s19] =	ssyncadd.s32 $0xFFFFE000  }
0x69: {  	[spmem:s3] =	stream.indirect.scatter.add.f32 [tilespmem:s15], [sflag:$0x6], $0x80, s20, s13, $0xb8;
	[tilespmem:$0x1E800] =	vst v63  }
0x6a: {  	_ = 	snop  }
0x6b: {  	[tilespmem:s22], [sflag:$0x4] =	stream.indirect.gather [hbm4b:s2+s13], $0x80, s21, s13, $0xb8;
	[tilespmem:$0x1E800] =	vst v63  }
0x6c: {  	_ =	swait.ge [sflag:s23], $0x2000  }
0x6d: {  	[sflag:s23] =	ssyncset.done $0x0  }
0x6e: {  	[sflag:s23] =	ssyncadd.s32 $0xFFFFE000  }
0x6f: {  	[spmem:s3] =	stream.indirect.scatter.add.f32 [tilespmem:s18], [sflag:$0x7], $0x80, s24, s13, $0xb8;
	[tilespmem:$0x1E800] =	vst v63  }
0x70: {  	_ =	swait.ge [sflag:s25], $0x2000  }
0x71: {  	[sflag:s25] =	ssyncset.done $0x0  }
0x72: {  	[sflag:s25] =	ssyncadd.s32 $0xFFFFE000  }
0x73: {  	[tilespmem:s8], [sflag:$0x1] =	stream.indirect.gather [hbm4b:s2+s13], $0x80, s26, s13, $0xb8;
	[tilespmem:$0x1E800] =	vst v63  }
0x74: {  	_ =	swait.ge [sflag:s28], $0x2000  }
0x75: {  	[sflag:s28] =	ssyncset.done $0x0  }
0x76: {  	[sflag:s28] =	ssyncadd.s32 $0xFFFFE000  }
0x77: {  	[spmem:s3] =	stream.indirect.scatter.add.f32 [tilespmem:s22], [sflag:$0x8], $0x80, s29, s13, $0xb8;
	[tilespmem:$0x1E800] =	vst v63  }
0x78: {  	_ =	swait.ge [sflag:s30], $0x2000  }
0x79: {  	[sflag:s30] =	ssyncset.done $0x0  }
0x7a: {  	s7 =	simm.s32 $0x0;
	[sflag:s30] =	ssyncadd.s32 $0xFFFFE000  }
0x7b: {  	[tilespmem:s15], [sflag:$0x2] =	stream.indirect.gather [hbm4b:s2+s13], $0x80, s31, s13, $0xb8;
	[tilespmem:$0x1E800] =	vst v63  }
.LBB2_4:
0x7c: {  	_ =	swait.ge [sflag:s16], $0x2000  }
0x7d: {  	s14 =	sshra.s32 s7, $0x2;
	[sflag:s16] =	ssyncset.done $0x0  }
0x7e: {  	s17 =	sadd.s32 $0x1600, s14;
	[sflag:s16] =	ssyncadd.s32 $0xFFFFE000  }
0x7f: {  	[spmem:s3] =	stream.indirect.scatter.add.f32 [tilespmem:s8], [sflag:$0x5], $0x80, s17, s13, $0xb8;
	[tilespmem:$0x1E800] =	vst v63  }
0x80: {  	_ =	swait.ge [sflag:s0], $0x2000  }
0x81: {  	[sflag:s0] =	ssyncset.done $0x0  }
0x82: {  	s20 =	sadd.s32 $0x300, s14;
	[sflag:s0] =	ssyncadd.s32 $0xFFFFE000  }
0x83: {  	[tilespmem:s18], [sflag:$0x3] =	stream.indirect.gather [hbm4b:s2+s13], $0x80, s20, s13, $0xb8;
	[tilespmem:$0x1E800] =	vst v63  }
0x84: {  	_ =	swait.ge [sflag:s19], $0x2000  }
0x85: {  	[sflag:s19] =	ssyncset.done $0x0  }
0x86: {  	s20 =	sadd.s32 $0x1680, s14;
	[sflag:s19] =	ssyncadd.s32 $0xFFFFE000  }
0x87: {  	[spmem:s3] =	stream.indirect.scatter.add.f32 [tilespmem:s15], [sflag:$0x6], $0x80, s20, s13, $0xb8;
	[tilespmem:$0x1E800] =	vst v63  }
0x88: {  	_ =	swait.ge [sflag:s4], $0x2000  }
0x89: {  	[sflag:s4] =	ssyncset.done $0x0  }
0x8a: {  	p0 =	seq.s32 s7, $0x4000;
	s20 =	sadd.s32 $0x380, s14;
	[sflag:s4] =	ssyncadd.s32 $0xFFFFE000  }
0x8b: {  	[tilespmem:s22], [sflag:$0x4] =	stream.indirect.gather [hbm4b:s2+s13], $0x80, s20, s13, $0xb8;
	[tilespmem:$0x1E800] =	vst v63  }
.Ltmp3:
0x8c: {  	_ = 	snop;
	(pc) =	sbr.rel @p0 .LBB2_6-.Ltmp3, $4  }
0x8d: {  	_ =	swait.ge [sflag:s23], $0x2000  }
0x8e: {  	[sflag:s23] =	ssyncset.done $0x0  }
0x8f: {  	s17 =	sadd.s32 $0x1780, s14;
	s20 =	sadd.s32 $0x1700, s14;
	[sflag:s23] =	ssyncadd.s32 $0xFFFFE000  }
0x90: {  	[spmem:s3] =	stream.indirect.scatter.add.f32 [tilespmem:s18], [sflag:$0x7], $0x80, s20, s13, $0xb8;
	[tilespmem:$0x1E800] =	vst v63  }
0x91: {  	_ =	swait.ge [sflag:s25], $0x2000  }
0x92: {  	[sflag:s25] =	ssyncset.done $0x0  }
0x93: {  	s20 =	sadd.s32 $0x400, s14;
	[sflag:s25] =	ssyncadd.s32 $0xFFFFE000  }
0x94: {  	[tilespmem:s8], [sflag:$0x1] =	stream.indirect.gather [hbm4b:s2+s13], $0x80, s20, s13, $0xb8;
	[tilespmem:$0x1E800] =	vst v63  }
0x95: {  	_ =	swait.ge [sflag:s28], $0x2000  }
0x96: {  	[sflag:s28] =	ssyncset.done $0x0  }
0x97: {  	[sflag:s28] =	ssyncadd.s32 $0xFFFFE000  }
0x98: {  	[spmem:s3] =	stream.indirect.scatter.add.f32 [tilespmem:s22], [sflag:$0x8], $0x80, s17, s13, $0xb8;
	[tilespmem:$0x1E800] =	vst v63  }
.Ltmp4:
0x99: {  	_ = 	snop;
	(pc) =	sbr.rel .LBB2_4-.Ltmp4, $4  }
0x9a: {  	_ =	swait.ge [sflag:s30], $0x2000  }
0x9b: {  	[sflag:s30] =	ssyncset.done $0x0  }
0x9c: {  	s7 =	sadd.s32 $0x800, s7;
	s20 =	sadd.s32 $0x480, s14;
	[sflag:s30] =	ssyncadd.s32 $0xFFFFE000  }
0x9d: {  	[tilespmem:s15], [sflag:$0x2] =	stream.indirect.gather [hbm4b:s2+s13], $0x80, s20, s13, $0xb8;
	[tilespmem:$0x1E800] =	vst v63  }
.LBB2_7:
0x9e: {  	s3 =	stileid.u32  }
0x9f: {  	s1 =	rddreg [dreg:$0x4];
	[bflag:$0x0] =	sbarrier.arrive $0xFFFF;
	s0 =	smul.u32 $0x2800, s3  }
0xa0: {  	s31 =	simm.s32 $0x9;
	s30 =	sshll.u32 s3, $0x6;
	s2 =	rddreg [dreg:$0x5]  }
0xa1: {  	s2 =	sshrl.u32 s2, $0x3;
	s0 =	sadd.s32 s1, s0;
	s1 =	sor.u32 $0x1C09, s30  }
0xa2: {  	[hbm:s0], [sflag:s1] =	dma.local [spmem:s2], $0x2800  }
0xa3: {  	_ =	swait.ge [sflag:s31], $0x2800  }
0xa4: {  	[sflag:s31] =	ssyncset.done $0x0  }
0xa5: {  	[sflag:s31] =	ssyncadd.s32 $0xFFFFD800  }
0xa6: {  	_ =	sfence.sel $0x180000  }
0xa7: {  	[bflag:$0x0] =	sbarrier.arrive $0xFFFF  }
0xa8: {  	_ =	strace $0x9000004D  }
0xa9: {  	[bflag:$0x2] =	sbarrier.arrive $0xFFFF  }
0xaa: {  	p0 =	sne.s32 s3, $0x0;
	s0 =	rddreg [dreg:$0x3]  }
0xab: {  	s0 =	sadd.s32 @!p0 $0x100000, s0  }
0xac: {  	[sflag:s0] =	ssyncadd.tile.s32 @!p0 $0x1;
	_ =	shalt  }
.Lfunc_end2:
_tile_overlayer_lowered:
.L_overlay_start_2:
0xad: {  	(tag) =	ssettag $0x2  }
0xae: {  	s0 =	rddreg [dreg:$0x0];
	s2 =	stileid.u32  }
0xaf: {  	s1 =	rddreg [dreg:$0x1];
	p0 =	sne.s32 s2, $0x0  }
0xb0: {  	s3 =	rddreg [dreg:$0x2];
	[bflag:$0x3] =	sbarrier.arrive $0xFFFF;
	s2 =	simm.s32 @!p0 $0x1C09  }
0xb1: {  	[timem:s3], [sflag:s2] =	dma.local @!p0 [hbm:s0], s1  }
0xb2: {  	s0 =	simm.s32 @!p0 $0x9  }
0xb3: {  	_ =	swait.ge @!p0 [sflag:s0], s1  }
0xb4: {  	s1 =	ssub.s32 @!p0 $0x0, s1;
	[sflag:s0] =	ssyncset.done @!p0 $0x0  }
0xb5: {  	[sflag:s0] =	ssyncadd.s32 @!p0 s1  }
0xb6: {  	[bflag:$0x3] =	sbarrier.arrive $0xFFFF  }
0xb7: {  	_ =	shalt  }

</sc_bundles>
